<compile_context>
chip_gen: v7x
topology: tpu7x:2x2x1
jax: 0.10.2.dev20260603
libtpu: 0.0.44.dev20260713+nightly
codegen_flags: <defaults>
</compile_context>

<pallas_src>
import functools
import math

import jax
import jax.numpy as jnp
from jax import lax
from jax.experimental import pallas as pl
from jax.experimental.pallas import tpu as pltpu
from jax.experimental.pallas import tpu_sc as plsc

_NC = 2
_NS = 16
_NW = _NC * _NS
_LANES = 16


def _transpose_table(token_table):
    V, D = token_table.shape
    tableT = token_table.T
    BT = 8192
    H1 = (V // 2) // BT * BT
    NB = pl.cdiv(V - H1, BT)
    HO = V - H1

    def body(top_ref, bot_ref, out_ref):
        out_ref[...] = jnp.concatenate([top_ref[...].T, bot_ref[...].T],
                                       axis=1)

    packed = pl.pallas_call(
        body,
        grid=(NB,),
        in_specs=[pl.BlockSpec((D, BT), lambda i: (0, i)),
                  pl.BlockSpec((D, BT), lambda i: (0, i + H1 // BT))],
        out_specs=pl.BlockSpec((BT, 2 * D), lambda i: (i, 0)),
        out_shape=jax.ShapeDtypeStruct((HO, 2 * D), jnp.float32),
    )(tableT, tableT)
    return packed.reshape(2 * HO, D), H1


def _finish(y2, B, L, D):
    BB = 128
    LP = L // 2

    def body(y_ref, out_ref):
        x = y_ref[...].reshape(BB, LP, 2 * D)
        x = jnp.transpose(x, (1, 0, 2))
        x = jnp.transpose(x, (0, 2, 1))
        out_ref[...] = x.reshape(L, D, BB)

    z = pl.pallas_call(
        body,
        grid=(B // BB,),
        in_specs=[pl.BlockSpec((BB * LP, 2 * D), lambda i: (i, 0))],
        out_specs=pl.BlockSpec((L, D, BB), lambda i: (0, 0, i)),
        out_shape=jax.ShapeDtypeStruct((L, D, B), jnp.float32),
    )(y2)
    return jnp.transpose(z, (2, 0, 1))


def _make_comb(pe, seg_table):
    Ls, D = pe.shape
    S = seg_table.shape[0]

    def body(pe_ref, seg_ref, out_ref):
        out_ref[...] = pe_ref[...][:, None, :] + seg_ref[...][None, :, :]

    comb3 = pl.pallas_call(
        body,
        out_shape=jax.ShapeDtypeStruct((Ls, S, D), jnp.float32),
    )(pe, seg_table)
    return comb3.reshape(Ls * S, D)


def _sc_embed(seq_flat, lab_flat, token_table, comb, seq_len, split):
    R = seq_flat.shape[0]
    D = token_table.shape[1]
    CH = seq_len
    CPW = R // (_NW * CH)
    NPAD = ((CH + _LANES - 1) // _LANES) * _LANES
    NVEC = NPAD // _LANES
    PIECES = []
    o = 0
    while o < CH:
        n = min(128, CH - o)
        PIECES.append((o, n))
        o += n

    mesh = plsc.VectorSubcoreMesh(core_axis_name="c", subcore_axis_name="s")

    @functools.partial(
        pl.kernel,
        out_type=jax.ShapeDtypeStruct((R // CH, CH, D), jnp.float32),
        mesh=mesh,
        compiler_params=pltpu.CompilerParams(use_tc_tiling_on_sc=False),
        scratch_types=[
            pltpu.VMEM((CPW * CH + _LANES,), jnp.int32),
            pltpu.VMEM((CPW * CH + _LANES,), jnp.int32),
            pltpu.VMEM((NPAD,), jnp.int32),
            pltpu.VMEM((NPAD,), jnp.int32),
            pltpu.VMEM((NPAD,), jnp.int32),
            pltpu.VMEM((NPAD,), jnp.int32),
            pltpu.VMEM((NPAD,), jnp.int32),
            pltpu.VMEM((CH, D), jnp.float32),
            pltpu.VMEM((CH, D), jnp.float32),
            pltpu.VMEM((CH, D), jnp.float32),
            pltpu.VMEM((CH, D), jnp.float32),
            pltpu.SemaphoreType.DMA,
            pltpu.SemaphoreType.DMA,
        ],
    )
    def k(seq_hbm, lab_hbm, tok_hbm, comb_hbm, out_hbm,
          seq_all, lab_all, tok_idx0, tok_idx1, cidx0, cidx1, lpat,
          tokbuf0, tokbuf1, cmbbuf0, cmbbuf1, sem0, sem1):
        wid = lax.axis_index("s") * _NC + lax.axis_index("c")
        row0 = wid * (CPW * CH)
        sems = (sem0, sem1)
        tok_idx = (tok_idx0, tok_idx1)
        cidx = (cidx0, cidx1)
        tokbuf = (tokbuf0, tokbuf1)
        cmbbuf = (cmbbuf0, cmbbuf1)
        pltpu.sync_copy(seq_hbm.at[pl.ds(row0, CPW * CH)],
                        seq_all.at[pl.ds(0, CPW * CH)])
        pltpu.sync_copy(lab_hbm.at[pl.ds(row0, CPW * CH)],
                        lab_all.at[pl.ds(0, CPW * CH)])

        for j in range(NVEC):
            lpat[pl.ds(j * _LANES, _LANES)] = (
                lax.iota(jnp.int32, _LANES) + (j * _LANES)) * 64

        def gather_descs(b):
            ds = []
            for (o, n) in PIECES:
                ds.append((tok_hbm.at[tok_idx[b].at[pl.ds(o, n)]],
                           tokbuf[b].at[pl.ds(o, n)]))
                ds.append((comb_hbm.at[cidx[b].at[pl.ds(o, n)]],
                           cmbbuf[b].at[pl.ds(o, n)]))
            return ds

        VH = split

        def fetch_and_fire(g, b):
            for j in range(NVEC):
                s = pl.ds(j * _LANES, _LANES)
                sg = pl.ds(g * CH + j * _LANES, _LANES)
                cidx[b][s] = lab_all[sg] + lpat[s]
                t = seq_all[sg]
                tok_idx[b][s] = jnp.where(t >= VH, t * 2 - (2 * VH - 1), t * 2)
            for (src, dst) in gather_descs(b):
                pltpu.async_copy(src, dst, sems[b])

        def compute_store(g, b):
            for (src, dst) in gather_descs(b):
                pltpu.make_async_copy(src, dst, sems[b]).wait()

            def addrow(r, carry):
                for c in range(D // _LANES):
                    s = pl.ds(c * _LANES, _LANES)
                    tokbuf[b][r, s] = tokbuf[b][r, s] + cmbbuf[b][r, s]
                return carry
            lax.fori_loop(0, CH, addrow, 0)
            pltpu.sync_copy(tokbuf[b], out_hbm.at[row0 // CH + g])

        fetch_and_fire(0, 0)

        def pair(p, carry):
            g0 = p * 2
            fetch_and_fire(g0 + 1, 1)
            compute_store(g0, 0)

            @pl.when(g0 + 2 < CPW)
            def _():
                fetch_and_fire(g0 + 2, 0)

            compute_store(g0 + 1, 1)
            return carry

        lax.fori_loop(0, CPW // 2, pair, 0)

    return k(seq_flat, lab_flat, token_table, comb)


def kernel(sequence, segment_label, token_table, seg_table):
    B, L = sequence.shape
    D = token_table.shape[1]

    position = jnp.arange(L, dtype=jnp.float32)[:, None]
    div_term = jnp.exp(jnp.arange(0, D, 2, dtype=jnp.float32)
                       * -(math.log(10000.0) / D))
    pe = jnp.zeros((L, D), dtype=jnp.float32)
    pe = pe.at[:, 0::2].set(jnp.sin(position * div_term))
    pe = pe.at[:, 1::2].set(jnp.cos(position * div_term))

    comb = _make_comb(pe, seg_table)
    table_lin, split = _transpose_table(token_table)
    out = _sc_embed(sequence.reshape(-1).astype(jnp.int32),
                    segment_label.reshape(-1).astype(jnp.int32),
                    table_lin, comb, L, split)
    return _finish(out.reshape(B * L // 2, 2 * D), B, L, D)

# --- scband reference (transcript-rebuilt; emitter-appended) ---
"""Pipeline reference for scband-bertembedding-13657996001302 (READ-ONLY COPY).

The authoritative reference and input builder live on the scoring server;
editing this copy changes nothing except your own understanding.
"""

import jax, jax.numpy as jnp
import numpy as np
import math

VOCAB_SIZE = 1000000
MAX_LEN = 512
EMBED_SIZE = 64


def _make_pe(max_len, d_model):
    position = jnp.arange(0, max_len, dtype=jnp.float32)[:, None]
    div_term = jnp.exp(jnp.arange(0, d_model, 2, dtype=jnp.float32) * -(math.log(10000.0) / d_model))
    pe = jnp.zeros((max_len, d_model), dtype=jnp.float32)
    pe = pe.at[:, 0::2].set(jnp.sin(position * div_term))
    pe = pe.at[:, 1::2].set(jnp.cos(position * div_term))
    return pe[None, :, :]  # [1, max_len, d_model]


def setup_inputs(seed: int = 0) -> dict:
    key = jax.random.key(seed)
    k1, k2, k3, k4 = jax.random.split(key, 4)
    sequence = jax.random.randint(k1, (4096, 200), 0, VOCAB_SIZE, dtype=jnp.int64 if jax.config.read('jax_enable_x64') else jnp.int32)
    segment_label = jax.random.randint(k2, (4096, 200), 0, EMBED_SIZE, dtype=jnp.int64 if jax.config.read('jax_enable_x64') else jnp.int32)
    # Token embedding table (padding_idx=0 row zeroed, like nn.Embedding(padding_idx=0))
    token_table = jax.random.normal(k3, (VOCAB_SIZE, EMBED_SIZE), dtype=jnp.float32)
    token_table = token_table.at[0].set(0.0)
    # Segment embedding table: note the original module builds SegmentEmbedding(embed_size, embed_size),
    # so the segment table has EMBED_SIZE rows (not seg_size rows).
    seg_table = jax.random.normal(k4, (EMBED_SIZE, EMBED_SIZE), dtype=jnp.float32)
    seg_table = seg_table.at[0].set(0.0)
    return {"sequence": sequence, "segment_label": segment_label, "token_table": token_table, "seg_table": seg_table}


def reference(sequence, segment_label, token_table, seg_table):
    seq_len = sequence.shape[1]
    pe = _make_pe(MAX_LEN, EMBED_SIZE)  # [1, max_len, d]
    tok = jnp.take(token_table, sequence, axis=0)          # [B, L, d] gather
    seg = jnp.take(seg_table, segment_label, axis=0)       # [B, L, d] gather
    pos = pe[:, :seq_len]                                  # [1, L, d]
    x = tok + pos + seg
    # dropout is identity in eval / deterministic reference
    return x

if __name__ == "__main__":
    import jax
    _d = setup_inputs()
    print(jax.jit(kernel)(*tuple(_d.values())))

</pallas_src>

<mosaic_0001>
#map = affine_map<(d0, d1) -> (0)>
#map1 = affine_map<(d0, d1) -> (0, 0)>
#map2 = affine_map<(d0, d1) -> (0, 0, 0)>
module attributes {stable_mosaic.version = 14 : i64} {
  func.func @k(%arg0: i32, %arg1: i32, %arg2: memref<819200xi32, #tpu.memory_space<hbm>>, %arg3: memref<819200xi32, #tpu.memory_space<hbm>>, %arg4: memref<1000576x64xf32, #tpu.memory_space<hbm>>, %arg5: memref<12800x64xf32, #tpu.memory_space<hbm>>, %arg6: memref<4096x200x64xf32, #tpu.memory_space<hbm>>, %arg7: memref<25616xi32, #tpu.memory_space<vmem>>, %arg8: memref<25616xi32, #tpu.memory_space<vmem>>, %arg9: memref<208xi32, #tpu.memory_space<vmem>>, %arg10: memref<208xi32, #tpu.memory_space<vmem>>, %arg11: memref<208xi32, #tpu.memory_space<vmem>>, %arg12: memref<208xi32, #tpu.memory_space<vmem>>, %arg13: memref<208xi32, #tpu.memory_space<vmem>>, %arg14: memref<200x64xf32, #tpu.memory_space<vmem>>, %arg15: memref<200x64xf32, #tpu.memory_space<vmem>>, %arg16: memref<200x64xf32, #tpu.memory_space<vmem>>, %arg17: memref<200x64xf32, #tpu.memory_space<vmem>>, %arg18: memref<!tpu.dma_semaphore, #tpu.memory_space<semaphore_mem>>, %arg19: memref<!tpu.dma_semaphore, #tpu.memory_space<semaphore_mem>>) attributes {dimension_semantics = [#tpu.dimension_semantics<core_parallel>, #tpu.dimension_semantics<subcore_parallel>], iteration_bounds = array<i64: 2, 16>, scalar_prefetch = 0 : i64, scratch_operands = 13 : i64, tpu.core_type = #tpu.core_type<sc_vector_subcore>, window_params = [{transform_indices = #map}, {transform_indices = #map}, {transform_indices = #map1}, {transform_indices = #map1}, {transform_indices = #map2}]} {
    %mul3A = arith.constant 2 : i32
    %mul3A_0 = arith.muli %arg1, %mul3A : i32
    %add3A = arith.addi %mul3A_0, %arg0 : i32
    %mul3A_1 = arith.constant 25600 : i32
    %mul3A_2 = arith.muli %add3A, %mul3A_1 : i32
    "tpu.region"() ({
      %run_scoped3A = tpu.sem_alloc : memref<!tpu.dma_semaphore, #tpu.memory_space<semaphore_mem>>
      %dma_start3A_579 = arith.constant 0 : i32
      %dma_start3A_580 = tpu.memref_slice %arg7[%dma_start3A_579] : memref<25616xi32, #tpu.memory_space<vmem>> -> memref<25600xi32, #tpu.memory_space<vmem>>
      %dma_start3A_581 = tpu.memref_slice %arg2[%mul3A_2] : memref<819200xi32, #tpu.memory_space<hbm>> -> memref<25600xi32, #tpu.memory_space<hbm>>
      %dma_start3A_582 = arith.constant 0 : i32
      %dma_start3A_583 = tpu.memref_slice %arg7[%dma_start3A_582] : memref<25616xi32, #tpu.memory_space<vmem>> -> memref<25600xi32, #tpu.memory_space<vmem>>
      %dma_start3A_584 = tpu.memref_slice %arg2[%mul3A_2] : memref<819200xi32, #tpu.memory_space<hbm>> -> memref<25600xi32, #tpu.memory_space<hbm>>
      tpu.enqueue_dma source(%dma_start3A_584 : memref<25600xi32, #tpu.memory_space<hbm>>) target(%dma_start3A_583 : memref<25600xi32, #tpu.memory_space<vmem>>) target_semaphore(%run_scoped3A : memref<!tpu.dma_semaphore, #tpu.memory_space<semaphore_mem>>)
      %dma_wait3A = arith.constant 0 : i32
      %dma_wait3A_585 = tpu.memref_slice %arg7[%dma_wait3A] : memref<25616xi32, #tpu.memory_space<vmem>> -> memref<25600xi32, #tpu.memory_space<vmem>>
      %dma_wait3A_586 = tpu.memref_slice %arg2[%mul3A_2] : memref<819200xi32, #tpu.memory_space<hbm>> -> memref<25600xi32, #tpu.memory_space<hbm>>
      %dma_wait3A_587 = arith.constant 0 : i32
      %dma_wait3A_588 = tpu.memref_slice %arg7[%dma_wait3A_587] : memref<25616xi32, #tpu.memory_space<vmem>> -> memref<25600xi32, #tpu.memory_space<vmem>>
      %dma_wait3A_589 = tpu.memref_slice %arg2[%mul3A_2] : memref<819200xi32, #tpu.memory_space<hbm>> -> memref<25600xi32, #tpu.memory_space<hbm>>
      tpu.wait_dma2 semaphore(%run_scoped3A : memref<!tpu.dma_semaphore, #tpu.memory_space<semaphore_mem>>) src(%dma_wait3A_589 : memref<25600xi32, #tpu.memory_space<hbm>>) dst(%dma_wait3A_588 : memref<25600xi32, #tpu.memory_space<vmem>>)
      tpu.yield
    }) : () -> ()
    "tpu.region"() ({
      %run_scoped3A = tpu.sem_alloc : memref<!tpu.dma_semaphore, #tpu.memory_space<semaphore_mem>>
      %dma_start3A_579 = arith.constant 0 : i32
      %dma_start3A_580 = tpu.memref_slice %arg8[%dma_start3A_579] : memref<25616xi32, #tpu.memory_space<vmem>> -> memref<25600xi32, #tpu.memory_space<vmem>>
      %dma_start3A_581 = tpu.memref_slice %arg3[%mul3A_2] : memref<819200xi32, #tpu.memory_space<hbm>> -> memref<25600xi32, #tpu.memory_space<hbm>>
      %dma_start3A_582 = arith.constant 0 : i32
      %dma_start3A_583 = tpu.memref_slice %arg8[%dma_start3A_582] : memref<25616xi32, #tpu.memory_space<vmem>> -> memref<25600xi32, #tpu.memory_space<vmem>>
      %dma_start3A_584 = tpu.memref_slice %arg3[%mul3A_2] : memref<819200xi32, #tpu.memory_space<hbm>> -> memref<25600xi32, #tpu.memory_space<hbm>>
      tpu.enqueue_dma source(%dma_start3A_584 : memref<25600xi32, #tpu.memory_space<hbm>>) target(%dma_start3A_583 : memref<25600xi32, #tpu.memory_space<vmem>>) target_semaphore(%run_scoped3A : memref<!tpu.dma_semaphore, #tpu.memory_space<semaphore_mem>>)
      %dma_wait3A = arith.constant 0 : i32
      %dma_wait3A_585 = tpu.memref_slice %arg8[%dma_wait3A] : memref<25616xi32, #tpu.memory_space<vmem>> -> memref<25600xi32, #tpu.memory_space<vmem>>
      %dma_wait3A_586 = tpu.memref_slice %arg3[%mul3A_2] : memref<819200xi32, #tpu.memory_space<hbm>> -> memref<25600xi32, #tpu.memory_space<hbm>>
      %dma_wait3A_587 = arith.constant 0 : i32
      %dma_wait3A_588 = tpu.memref_slice %arg8[%dma_wait3A_587] : memref<25616xi32, #tpu.memory_space<vmem>> -> memref<25600xi32, #tpu.memory_space<vmem>>
      %dma_wait3A_589 = tpu.memref_slice %arg3[%mul3A_2] : memref<819200xi32, #tpu.memory_space<hbm>> -> memref<25600xi32, #tpu.memory_space<hbm>>
      tpu.wait_dma2 semaphore(%run_scoped3A : memref<!tpu.dma_semaphore, #tpu.memory_space<semaphore_mem>>) src(%dma_wait3A_589 : memref<25600xi32, #tpu.memory_space<hbm>>) dst(%dma_wait3A_588 : memref<25600xi32, #tpu.memory_space<vmem>>)
      tpu.yield
    }) : () -> ()
    %iota3A = tpu.iota {dimensions = array<i32: 0>} : vector<16xi32>
    %add3A_3 = arith.constant 0 : i32
    %add3A_4 = vector.broadcast %add3A_3 : i32 to vector<16xi32>
    %add3A_5 = arith.addi %iota3A, %add3A_4 : vector<16xi32>
    %mul3A_6 = arith.constant 64 : i32
    %mul3A_7 = vector.broadcast %mul3A_6 : i32 to vector<16xi32>
    %mul3A_8 = arith.muli %add3A_5, %mul3A_7 : vector<16xi32>
    %swap3A = arith.constant 0 : index
    %swap3A_9 = tpu.vector_load %arg13[%swap3A] {strides = array<i32>} : memref<208xi32, #tpu.memory_space<vmem>>, vector<16xi32>,
    %swap3A_10 = vector.shape_cast %swap3A_9 : vector<16xi32> to vector<16xi32>
    %swap3A_11 = vector.shape_cast %mul3A_8 : vector<16xi32> to vector<16xi32>
    tpu.vector_store %arg13[%swap3A], %swap3A_11 {strides = array<i32>} : memref<208xi32, #tpu.memory_space<vmem>>, vector<16xi32>,
    %iota3A_12 = tpu.iota {dimensions = array<i32: 0>} : vector<16xi32>
    %add3A_13 = arith.constant 16 : i32
    %add3A_14 = vector.broadcast %add3A_13 : i32 to vector<16xi32>
    %add3A_15 = arith.addi %iota3A_12, %add3A_14 : vector<16xi32>
    %mul3A_16 = arith.constant 64 : i32
    %mul3A_17 = vector.broadcast %mul3A_16 : i32 to vector<16xi32>
    %mul3A_18 = arith.muli %add3A_15, %mul3A_17 : vector<16xi32>
    %swap3A_19 = arith.constant 16 : index
    %swap3A_20 = tpu.vector_load %arg13[%swap3A_19] {strides = array<i32>} : memref<208xi32, #tpu.memory_space<vmem>>, vector<16xi32>,
    %swap3A_21 = vector.shape_cast %swap3A_20 : vector<16xi32> to vector<16xi32>
    %swap3A_22 = vector.shape_cast %mul3A_18 : vector<16xi32> to vector<16xi32>
    tpu.vector_store %arg13[%swap3A_19], %swap3A_22 {strides = array<i32>} : memref<208xi32, #tpu.memory_space<vmem>>, vector<16xi32>,
    %iota3A_23 = tpu.iota {dimensions = array<i32: 0>} : vector<16xi32>
    %add3A_24 = arith.constant 32 : i32
    %add3A_25 = vector.broadcast %add3A_24 : i32 to vector<16xi32>
    %add3A_26 = arith.addi %iota3A_23, %add3A_25 : vector<16xi32>
    %mul3A_27 = arith.constant 64 : i32
    %mul3A_28 = vector.broadcast %mul3A_27 : i32 to vector<16xi32>
    %mul3A_29 = arith.muli %add3A_26, %mul3A_28 : vector<16xi32>
    %swap3A_30 = arith.constant 32 : index
    %swap3A_31 = tpu.vector_load %arg13[%swap3A_30] {strides = array<i32>} : memref<208xi32, #tpu.memory_space<vmem>>, vector<16xi32>,
    %swap3A_32 = vector.shape_cast %swap3A_31 : vector<16xi32> to vector<16xi32>
    %swap3A_33 = vector.shape_cast %mul3A_29 : vector<16xi32> to vector<16xi32>
    tpu.vector_store %arg13[%swap3A_30], %swap3A_33 {strides = array<i32>} : memref<208xi32, #tpu.memory_space<vmem>>, vector<16xi32>,
    %iota3A_34 = tpu.iota {dimensions = array<i32: 0>} : vector<16xi32>
    %add3A_35 = arith.constant 48 : i32
    %add3A_36 = vector.broadcast %add3A_35 : i32 to vector<16xi32>
    %add3A_37 = arith.addi %iota3A_34, %add3A_36 : vector<16xi32>
    %mul3A_38 = arith.constant 64 : i32
    %mul3A_39 = vector.broadcast %mul3A_38 : i32 to vector<16xi32>
    %mul3A_40 = arith.muli %add3A_37, %mul3A_39 : vector<16xi32>
    %swap3A_41 = arith.constant 48 : index
    %swap3A_42 = tpu.vector_load %arg13[%swap3A_41] {strides = array<i32>} : memref<208xi32, #tpu.memory_space<vmem>>, vector<16xi32>,
    %swap3A_43 = vector.shape_cast %swap3A_42 : vector<16xi32> to vector<16xi32>
    %swap3A_44 = vector.shape_cast %mul3A_40 : vector<16xi32> to vector<16xi32>
    tpu.vector_store %arg13[%swap3A_41], %swap3A_44 {strides = array<i32>} : memref<208xi32, #tpu.memory_space<vmem>>, vector<16xi32>,
    %iota3A_45 = tpu.iota {dimensions = array<i32: 0>} : vector<16xi32>
    %add3A_46 = arith.constant 64 : i32
    %add3A_47 = vector.broadcast %add3A_46 : i32 to vector<16xi32>
    %add3A_48 = arith.addi %iota3A_45, %add3A_47 : vector<16xi32>
    %mul3A_49 = arith.constant 64 : i32
    %mul3A_50 = vector.broadcast %mul3A_49 : i32 to vector<16xi32>
    %mul3A_51 = arith.muli %add3A_48, %mul3A_50 : vector<16xi32>
    %swap3A_52 = arith.constant 64 : index
    %swap3A_53 = tpu.vector_load %arg13[%swap3A_52] {strides = array<i32>} : memref<208xi32, #tpu.memory_space<vmem>>, vector<16xi32>,
    %swap3A_54 = vector.shape_cast %swap3A_53 : vector<16xi32> to vector<16xi32>
    %swap3A_55 = vector.shape_cast %mul3A_51 : vector<16xi32> to vector<16xi32>
    tpu.vector_store %arg13[%swap3A_52], %swap3A_55 {strides = array<i32>} : memref<208xi32, #tpu.memory_space<vmem>>, vector<16xi32>,
    %iota3A_56 = tpu.iota {dimensions = array<i32: 0>} : vector<16xi32>
    %add3A_57 = arith.constant 80 : i32
    %add3A_58 = vector.broadcast %add3A_57 : i32 to vector<16xi32>
    %add3A_59 = arith.addi %iota3A_56, %add3A_58 : vector<16xi32>
    %mul3A_60 = arith.constant 64 : i32
    %mul3A_61 = vector.broadcast %mul3A_60 : i32 to vector<16xi32>
    %mul3A_62 = arith.muli %add3A_59, %mul3A_61 : vector<16xi32>
    %swap3A_63 = arith.constant 80 : index
    %swap3A_64 = tpu.vector_load %arg13[%swap3A_63] {strides = array<i32>} : memref<208xi32, #tpu.memory_space<vmem>>, vector<16xi32>,
    %swap3A_65 = vector.shape_cast %swap3A_64 : vector<16xi32> to vector<16xi32>
    %swap3A_66 = vector.shape_cast %mul3A_62 : vector<16xi32> to vector<16xi32>
    tpu.vector_store %arg13[%swap3A_63], %swap3A_66 {strides = array<i32>} : memref<208xi32, #tpu.memory_space<vmem>>, vector<16xi32>,
    %iota3A_67 = tpu.iota {dimensions = array<i32: 0>} : vector<16xi32>
    %add3A_68 = arith.constant 96 : i32
    %add3A_69 = vector.broadcast %add3A_68 : i32 to vector<16xi32>
    %add3A_70 = arith.addi %iota3A_67, %add3A_69 : vector<16xi32>
    %mul3A_71 = arith.constant 64 : i32
    %mul3A_72 = vector.broadcast %mul3A_71 : i32 to vector<16xi32>
    %mul3A_73 = arith.muli %add3A_70, %mul3A_72 : vector<16xi32>
    %swap3A_74 = arith.constant 96 : index
    %swap3A_75 = tpu.vector_load %arg13[%swap3A_74] {strides = array<i32>} : memref<208xi32, #tpu.memory_space<vmem>>, vector<16xi32>,
    %swap3A_76 = vector.shape_cast %swap3A_75 : vector<16xi32> to vector<16xi32>
    %swap3A_77 = vector.shape_cast %mul3A_73 : vector<16xi32> to vector<16xi32>
    tpu.vector_store %arg13[%swap3A_74], %swap3A_77 {strides = array<i32>} : memref<208xi32, #tpu.memory_space<vmem>>, vector<16xi32>,
    %iota3A_78 = tpu.iota {dimensions = array<i32: 0>} : vector<16xi32>
    %add3A_79 = arith.constant 112 : i32
    %add3A_80 = vector.broadcast %add3A_79 : i32 to vector<16xi32>
    %add3A_81 = arith.addi %iota3A_78, %add3A_80 : vector<16xi32>
    %mul3A_82 = arith.constant 64 : i32
    %mul3A_83 = vector.broadcast %mul3A_82 : i32 to vector<16xi32>
    %mul3A_84 = arith.muli %add3A_81, %mul3A_83 : vector<16xi32>
    %swap3A_85 = arith.constant 112 : index
    %swap3A_86 = tpu.vector_load %arg13[%swap3A_85] {strides = array<i32>} : memref<208xi32, #tpu.memory_space<vmem>>, vector<16xi32>,
    %swap3A_87 = vector.shape_cast %swap3A_86 : vector<16xi32> to vector<16xi32>
    %swap3A_88 = vector.shape_cast %mul3A_84 : vector<16xi32> to vector<16xi32>
    tpu.vector_store %arg13[%swap3A_85], %swap3A_88 {strides = array<i32>} : memref<208xi32, #tpu.memory_space<vmem>>, vector<16xi32>,
    %iota3A_89 = tpu.iota {dimensions = array<i32: 0>} : vector<16xi32>
    %add3A_90 = arith.constant 128 : i32
    %add3A_91 = vector.broadcast %add3A_90 : i32 to vector<16xi32>
    %add3A_92 = arith.addi %iota3A_89, %add3A_91 : vector<16xi32>
    %mul3A_93 = arith.constant 64 : i32
    %mul3A_94 = vector.broadcast %mul3A_93 : i32 to vector<16xi32>
    %mul3A_95 = arith.muli %add3A_92, %mul3A_94 : vector<16xi32>
    %swap3A_96 = arith.constant 128 : index
    %swap3A_97 = tpu.vector_load %arg13[%swap3A_96] {strides = array<i32>} : memref<208xi32, #tpu.memory_space<vmem>>, vector<16xi32>,
    %swap3A_98 = vector.shape_cast %swap3A_97 : vector<16xi32> to vector<16xi32>
    %swap3A_99 = vector.shape_cast %mul3A_95 : vector<16xi32> to vector<16xi32>
    tpu.vector_store %arg13[%swap3A_96], %swap3A_99 {strides = array<i32>} : memref<208xi32, #tpu.memory_space<vmem>>, vector<16xi32>,
    %iota3A_100 = tpu.iota {dimensions = array<i32: 0>} : vector<16xi32>
    %add3A_101 = arith.constant 144 : i32
    %add3A_102 = vector.broadcast %add3A_101 : i32 to vector<16xi32>
    %add3A_103 = arith.addi %iota3A_100, %add3A_102 : vector<16xi32>
    %mul3A_104 = arith.constant 64 : i32
    %mul3A_105 = vector.broadcast %mul3A_104 : i32 to vector<16xi32>
    %mul3A_106 = arith.muli %add3A_103, %mul3A_105 : vector<16xi32>
    %swap3A_107 = arith.constant 144 : index
    %swap3A_108 = tpu.vector_load %arg13[%swap3A_107] {strides = array<i32>} : memref<208xi32, #tpu.memory_space<vmem>>, vector<16xi32>,
    %swap3A_109 = vector.shape_cast %swap3A_108 : vector<16xi32> to vector<16xi32>
    %swap3A_110 = vector.shape_cast %mul3A_106 : vector<16xi32> to vector<16xi32>
    tpu.vector_store %arg13[%swap3A_107], %swap3A_110 {strides = array<i32>} : memref<208xi32, #tpu.memory_space<vmem>>, vector<16xi32>,
    %iota3A_111 = tpu.iota {dimensions = array<i32: 0>} : vector<16xi32>
    %add3A_112 = arith.constant 160 : i32
    %add3A_113 = vector.broadcast %add3A_112 : i32 to vector<16xi32>
    %add3A_114 = arith.addi %iota3A_111, %add3A_113 : vector<16xi32>
    %mul3A_115 = arith.constant 64 : i32
    %mul3A_116 = vector.broadcast %mul3A_115 : i32 to vector<16xi32>
    %mul3A_117 = arith.muli %add3A_114, %mul3A_116 : vector<16xi32>
    %swap3A_118 = arith.constant 160 : index
    %swap3A_119 = tpu.vector_load %arg13[%swap3A_118] {strides = array<i32>} : memref<208xi32, #tpu.memory_space<vmem>>, vector<16xi32>,
    %swap3A_120 = vector.shape_cast %swap3A_119 : vector<16xi32> to vector<16xi32>
    %swap3A_121 = vector.shape_cast %mul3A_117 : vector<16xi32> to vector<16xi32>
    tpu.vector_store %arg13[%swap3A_118], %swap3A_121 {strides = array<i32>} : memref<208xi32, #tpu.memory_space<vmem>>, vector<16xi32>,
    %iota3A_122 = tpu.iota {dimensions = array<i32: 0>} : vector<16xi32>
    %add3A_123 = arith.constant 176 : i32
    %add3A_124 = vector.broadcast %add3A_123 : i32 to vector<16xi32>
    %add3A_125 = arith.addi %iota3A_122, %add3A_124 : vector<16xi32>
    %mul3A_126 = arith.constant 64 : i32
    %mul3A_127 = vector.broadcast %mul3A_126 : i32 to vector<16xi32>
    %mul3A_128 = arith.muli %add3A_125, %mul3A_127 : vector<16xi32>
    %swap3A_129 = arith.constant 176 : index
    %swap3A_130 = tpu.vector_load %arg13[%swap3A_129] {strides = array<i32>} : memref<208xi32, #tpu.memory_space<vmem>>, vector<16xi32>,
    %swap3A_131 = vector.shape_cast %swap3A_130 : vector<16xi32> to vector<16xi32>
    %swap3A_132 = vector.shape_cast %mul3A_128 : vector<16xi32> to vector<16xi32>
    tpu.vector_store %arg13[%swap3A_129], %swap3A_132 {strides = array<i32>} : memref<208xi32, #tpu.memory_space<vmem>>, vector<16xi32>,
    %iota3A_133 = tpu.iota {dimensions = array<i32: 0>} : vector<16xi32>
    %add3A_134 = arith.constant 192 : i32
    %add3A_135 = vector.broadcast %add3A_134 : i32 to vector<16xi32>
    %add3A_136 = arith.addi %iota3A_133, %add3A_135 : vector<16xi32>
    %mul3A_137 = arith.constant 64 : i32
    %mul3A_138 = vector.broadcast %mul3A_137 : i32 to vector<16xi32>
    %mul3A_139 = arith.muli %add3A_136, %mul3A_138 : vector<16xi32>
    %swap3A_140 = arith.constant 192 : index
    %swap3A_141 = tpu.vector_load %arg13[%swap3A_140] {strides = array<i32>} : memref<208xi32, #tpu.memory_space<vmem>>, vector<16xi32>,
    %swap3A_142 = vector.shape_cast %swap3A_141 : vector<16xi32> to vector<16xi32>
    %swap3A_143 = vector.shape_cast %mul3A_139 : vector<16xi32> to vector<16xi32>
    tpu.vector_store %arg13[%swap3A_140], %swap3A_143 {strides = array<i32>} : memref<208xi32, #tpu.memory_space<vmem>>, vector<16xi32>,
    %get3A = arith.constant 0 : index
    %get3A_144 = tpu.vector_load %arg8[%get3A] {strides = array<i32>} : memref<25616xi32, #tpu.memory_space<vmem>>, vector<16xi32>,
    %get3A_145 = vector.shape_cast %get3A_144 : vector<16xi32> to vector<16xi32>
    %get3A_146 = arith.constant 0 : index
    %get3A_147 = tpu.vector_load %arg13[%get3A_146] {strides = array<i32>} : memref<208xi32, #tpu.memory_space<vmem>>, vector<16xi32>,
    %get3A_148 = vector.shape_cast %get3A_147 : vector<16xi32> to vector<16xi32>
    %add3A_149 = arith.addi %get3A_145, %get3A_148 : vector<16xi32>
    %swap3A_150 = arith.constant 0 : index
    %swap3A_151 = tpu.vector_load %arg11[%swap3A_150] {strides = array<i32>} : memref<208xi32, #tpu.memory_space<vmem>>, vector<16xi32>,
    %swap3A_152 = vector.shape_cast %swap3A_151 : vector<16xi32> to vector<16xi32>
    %swap3A_153 = vector.shape_cast %add3A_149 : vector<16xi32> to vector<16xi32>
    tpu.vector_store %arg11[%swap3A_150], %swap3A_153 {strides = array<i32>} : memref<208xi32, #tpu.memory_space<vmem>>, vector<16xi32>,
    %get3A_154 = arith.constant 0 : index
    %get3A_155 = tpu.vector_load %arg7[%get3A_154] {strides = array<i32>} : memref<25616xi32, #tpu.memory_space<vmem>>, vector<16xi32>,
    %get3A_156 = vector.shape_cast %get3A_155 : vector<16xi32> to vector<16xi32>
    %ge3A = arith.constant 499712 : i32
    %ge3A_157 = vector.broadcast %ge3A : i32 to vector<16xi32>
    %ge3A_158 = arith.cmpi sge, %get3A_156, %ge3A_157 : vector<16xi32>
    %mul3A_159 = arith.constant 2 : i32
    %mul3A_160 = vector.broadcast %mul3A_159 : i32 to vector<16xi32>
    %mul3A_161 = arith.muli %get3A_156, %mul3A_160 : vector<16xi32>
    %sub3A = arith.constant 999423 : i32
    %sub3A_162 = vector.broadcast %sub3A : i32 to vector<16xi32>
    %sub3A_163 = arith.subi %mul3A_161, %sub3A_162 : vector<16xi32>
    %mul3A_164 = arith.constant 2 : i32
    %mul3A_165 = vector.broadcast %mul3A_164 : i32 to vector<16xi32>
    %mul3A_166 = arith.muli %get3A_156, %mul3A_165 : vector<16xi32>
    %select_n3A = arith.select %ge3A_158, %sub3A_163, %mul3A_166 : vector<16xi1>, vector<16xi32>
    %swap3A_167 = arith.constant 0 : index
    %swap3A_168 = tpu.vector_load %arg9[%swap3A_167] {strides = array<i32>} : memref<208xi32, #tpu.memory_space<vmem>>, vector<16xi32>,
    %swap3A_169 = vector.shape_cast %swap3A_168 : vector<16xi32> to vector<16xi32>
    %swap3A_170 = vector.shape_cast %select_n3A : vector<16xi32> to vector<16xi32>
    tpu.vector_store %arg9[%swap3A_167], %swap3A_170 {strides = array<i32>} : memref<208xi32, #tpu.memory_space<vmem>>, vector<16xi32>,
    %get3A_171 = arith.constant 16 : index
    %get3A_172 = tpu.vector_load %arg8[%get3A_171] {strides = array<i32>} : memref<25616xi32, #tpu.memory_space<vmem>>, vector<16xi32>,
    %get3A_173 = vector.shape_cast %get3A_172 : vector<16xi32> to vector<16xi32>
    %get3A_174 = arith.constant 16 : index
    %get3A_175 = tpu.vector_load %arg13[%get3A_174] {strides = array<i32>} : memref<208xi32, #tpu.memory_space<vmem>>, vector<16xi32>,
    %get3A_176 = vector.shape_cast %get3A_175 : vector<16xi32> to vector<16xi32>
    %add3A_177 = arith.addi %get3A_173, %get3A_176 : vector<16xi32>
    %swap3A_178 = arith.constant 16 : index
    %swap3A_179 = tpu.vector_load %arg11[%swap3A_178] {strides = array<i32>} : memref<208xi32, #tpu.memory_space<vmem>>, vector<16xi32>,
    %swap3A_180 = vector.shape_cast %swap3A_179 : vector<16xi32> to vector<16xi32>
    %swap3A_181 = vector.shape_cast %add3A_177 : vector<16xi32> to vector<16xi32>
    tpu.vector_store %arg11[%swap3A_178], %swap3A_181 {strides = array<i32>} : memref<208xi32, #tpu.memory_space<vmem>>, vector<16xi32>,
    %get3A_182 = arith.constant 16 : index
    %get3A_183 = tpu.vector_load %arg7[%get3A_182] {strides = array<i32>} : memref<25616xi32, #tpu.memory_space<vmem>>, vector<16xi32>,
    %get3A_184 = vector.shape_cast %get3A_183 : vector<16xi32> to vector<16xi32>
    %ge3A_185 = arith.constant 499712 : i32
    %ge3A_186 = vector.broadcast %ge3A_185 : i32 to vector<16xi32>
    %ge3A_187 = arith.cmpi sge, %get3A_184, %ge3A_186 : vector<16xi32>
    %mul3A_188 = arith.constant 2 : i32
    %mul3A_189 = vector.broadcast %mul3A_188 : i32 to vector<16xi32>
    %mul3A_190 = arith.muli %get3A_184, %mul3A_189 : vector<16xi32>
    %sub3A_191 = arith.constant 999423 : i32
    %sub3A_192 = vector.broadcast %sub3A_191 : i32 to vector<16xi32>
    %sub3A_193 = arith.subi %mul3A_190, %sub3A_192 : vector<16xi32>
    %mul3A_194 = arith.constant 2 : i32
    %mul3A_195 = vector.broadcast %mul3A_194 : i32 to vector<16xi32>
    %mul3A_196 = arith.muli %get3A_184, %mul3A_195 : vector<16xi32>
    %select_n3A_197 = arith.select %ge3A_187, %sub3A_193, %mul3A_196 : vector<16xi1>, vector<16xi32>
    %swap3A_198 = arith.constant 16 : index
    %swap3A_199 = tpu.vector_load %arg9[%swap3A_198] {strides = array<i32>} : memref<208xi32, #tpu.memory_space<vmem>>, vector<16xi32>,
    %swap3A_200 = vector.shape_cast %swap3A_199 : vector<16xi32> to vector<16xi32>
    %swap3A_201 = vector.shape_cast %select_n3A_197 : vector<16xi32> to vector<16xi32>
    tpu.vector_store %arg9[%swap3A_198], %swap3A_201 {strides = array<i32>} : memref<208xi32, #tpu.memory_space<vmem>>, vector<16xi32>,
    %get3A_202 = arith.constant 32 : index
    %get3A_203 = tpu.vector_load %arg8[%get3A_202] {strides = array<i32>} : memref<25616xi32, #tpu.memory_space<vmem>>, vector<16xi32>,
    %get3A_204 = vector.shape_cast %get3A_203 : vector<16xi32> to vector<16xi32>
    %get3A_205 = arith.constant 32 : index
    %get3A_206 = tpu.vector_load %arg13[%get3A_205] {strides = array<i32>} : memref<208xi32, #tpu.memory_space<vmem>>, vector<16xi32>,
    %get3A_207 = vector.shape_cast %get3A_206 : vector<16xi32> to vector<16xi32>
    %add3A_208 = arith.addi %get3A_204, %get3A_207 : vector<16xi32>
    %swap3A_209 = arith.constant 32 : index
    %swap3A_210 = tpu.vector_load %arg11[%swap3A_209] {strides = array<i32>} : memref<208xi32, #tpu.memory_space<vmem>>, vector<16xi32>,
    %swap3A_211 = vector.shape_cast %swap3A_210 : vector<16xi32> to vector<16xi32>
    %swap3A_212 = vector.shape_cast %add3A_208 : vector<16xi32> to vector<16xi32>
    tpu.vector_store %arg11[%swap3A_209], %swap3A_212 {strides = array<i32>} : memref<208xi32, #tpu.memory_space<vmem>>, vector<16xi32>,
    %get3A_213 = arith.constant 32 : index
    %get3A_214 = tpu.vector_load %arg7[%get3A_213] {strides = array<i32>} : memref<25616xi32, #tpu.memory_space<vmem>>, vector<16xi32>,
    %get3A_215 = vector.shape_cast %get3A_214 : vector<16xi32> to vector<16xi32>
    %ge3A_216 = arith.constant 499712 : i32
    %ge3A_217 = vector.broadcast %ge3A_216 : i32 to vector<16xi32>
    %ge3A_218 = arith.cmpi sge, %get3A_215, %ge3A_217 : vector<16xi32>
    %mul3A_219 = arith.constant 2 : i32
    %mul3A_220 = vector.broadcast %mul3A_219 : i32 to vector<16xi32>
    %mul3A_221 = arith.muli %get3A_215, %mul3A_220 : vector<16xi32>
    %sub3A_222 = arith.constant 999423 : i32
    %sub3A_223 = vector.broadcast %sub3A_222 : i32 to vector<16xi32>
    %sub3A_224 = arith.subi %mul3A_221, %sub3A_223 : vector<16xi32>
    %mul3A_225 = arith.constant 2 : i32
    %mul3A_226 = vector.broadcast %mul3A_225 : i32 to vector<16xi32>
    %mul3A_227 = arith.muli %get3A_215, %mul3A_226 : vector<16xi32>
    %select_n3A_228 = arith.select %ge3A_218, %sub3A_224, %mul3A_227 : vector<16xi1>, vector<16xi32>
    %swap3A_229 = arith.constant 32 : index
    %swap3A_230 = tpu.vector_load %arg9[%swap3A_229] {strides = array<i32>} : memref<208xi32, #tpu.memory_space<vmem>>, vector<16xi32>,
    %swap3A_231 = vector.shape_cast %swap3A_230 : vector<16xi32> to vector<16xi32>
    %swap3A_232 = vector.shape_cast %select_n3A_228 : vector<16xi32> to vector<16xi32>
    tpu.vector_store %arg9[%swap3A_229], %swap3A_232 {strides = array<i32>} : memref<208xi32, #tpu.memory_space<vmem>>, vector<16xi32>,
    %get3A_233 = arith.constant 48 : index
    %get3A_234 = tpu.vector_load %arg8[%get3A_233] {strides = array<i32>} : memref<25616xi32, #tpu.memory_space<vmem>>, vector<16xi32>,
    %get3A_235 = vector.shape_cast %get3A_234 : vector<16xi32> to vector<16xi32>
    %get3A_236 = arith.constant 48 : index
    %get3A_237 = tpu.vector_load %arg13[%get3A_236] {strides = array<i32>} : memref<208xi32, #tpu.memory_space<vmem>>, vector<16xi32>,
    %get3A_238 = vector.shape_cast %get3A_237 : vector<16xi32> to vector<16xi32>
    %add3A_239 = arith.addi %get3A_235, %get3A_238 : vector<16xi32>
    %swap3A_240 = arith.constant 48 : index
    %swap3A_241 = tpu.vector_load %arg11[%swap3A_240] {strides = array<i32>} : memref<208xi32, #tpu.memory_space<vmem>>, vector<16xi32>,
    %swap3A_242 = vector.shape_cast %swap3A_241 : vector<16xi32> to vector<16xi32>
    %swap3A_243 = vector.shape_cast %add3A_239 : vector<16xi32> to vector<16xi32>
    tpu.vector_store %arg11[%swap3A_240], %swap3A_243 {strides = array<i32>} : memref<208xi32, #tpu.memory_space<vmem>>, vector<16xi32>,
    %get3A_244 = arith.constant 48 : index
    %get3A_245 = tpu.vector_load %arg7[%get3A_244] {strides = array<i32>} : memref<25616xi32, #tpu.memory_space<vmem>>, vector<16xi32>,
    %get3A_246 = vector.shape_cast %get3A_245 : vector<16xi32> to vector<16xi32>
    %ge3A_247 = arith.constant 499712 : i32
    %ge3A_248 = vector.broadcast %ge3A_247 : i32 to vector<16xi32>
    %ge3A_249 = arith.cmpi sge, %get3A_246, %ge3A_248 : vector<16xi32>
    %mul3A_250 = arith.constant 2 : i32
    %mul3A_251 = vector.broadcast %mul3A_250 : i32 to vector<16xi32>
    %mul3A_252 = arith.muli %get3A_246, %mul3A_251 : vector<16xi32>
    %sub3A_253 = arith.constant 999423 : i32
    %sub3A_254 = vector.broadcast %sub3A_253 : i32 to vector<16xi32>
    %sub3A_255 = arith.subi %mul3A_252, %sub3A_254 : vector<16xi32>
    %mul3A_256 = arith.constant 2 : i32
    %mul3A_257 = vector.broadcast %mul3A_256 : i32 to vector<16xi32>
    %mul3A_258 = arith.muli %get3A_246, %mul3A_257 : vector<16xi32>
    %select_n3A_259 = arith.select %ge3A_249, %sub3A_255, %mul3A_258 : vector<16xi1>, vector<16xi32>
    %swap3A_260 = arith.constant 48 : index
    %swap3A_261 = tpu.vector_load %arg9[%swap3A_260] {strides = array<i32>} : memref<208xi32, #tpu.memory_space<vmem>>, vector<16xi32>,
    %swap3A_262 = vector.shape_cast %swap3A_261 : vector<16xi32> to vector<16xi32>
    %swap3A_263 = vector.shape_cast %select_n3A_259 : vector<16xi32> to vector<16xi32>
    tpu.vector_store %arg9[%swap3A_260], %swap3A_263 {strides = array<i32>} : memref<208xi32, #tpu.memory_space<vmem>>, vector<16xi32>,
    %get3A_264 = arith.constant 64 : index
    %get3A_265 = tpu.vector_load %arg8[%get3A_264] {strides = array<i32>} : memref<25616xi32, #tpu.memory_space<vmem>>, vector<16xi32>,
    %get3A_266 = vector.shape_cast %get3A_265 : vector<16xi32> to vector<16xi32>
    %get3A_267 = arith.constant 64 : index
    %get3A_268 = tpu.vector_load %arg13[%get3A_267] {strides = array<i32>} : memref<208xi32, #tpu.memory_space<vmem>>, vector<16xi32>,
    %get3A_269 = vector.shape_cast %get3A_268 : vector<16xi32> to vector<16xi32>
    %add3A_270 = arith.addi %get3A_266, %get3A_269 : vector<16xi32>
    %swap3A_271 = arith.constant 64 : index
    %swap3A_272 = tpu.vector_load %arg11[%swap3A_271] {strides = array<i32>} : memref<208xi32, #tpu.memory_space<vmem>>, vector<16xi32>,
    %swap3A_273 = vector.shape_cast %swap3A_272 : vector<16xi32> to vector<16xi32>
    %swap3A_274 = vector.shape_cast %add3A_270 : vector<16xi32> to vector<16xi32>
    tpu.vector_store %arg11[%swap3A_271], %swap3A_274 {strides = array<i32>} : memref<208xi32, #tpu.memory_space<vmem>>, vector<16xi32>,
    %get3A_275 = arith.constant 64 : index
    %get3A_276 = tpu.vector_load %arg7[%get3A_275] {strides = array<i32>} : memref<25616xi32, #tpu.memory_space<vmem>>, vector<16xi32>,
    %get3A_277 = vector.shape_cast %get3A_276 : vector<16xi32> to vector<16xi32>
    %ge3A_278 = arith.constant 499712 : i32
    %ge3A_279 = vector.broadcast %ge3A_278 : i32 to vector<16xi32>
    %ge3A_280 = arith.cmpi sge, %get3A_277, %ge3A_279 : vector<16xi32>
    %mul3A_281 = arith.constant 2 : i32
    %mul3A_282 = vector.broadcast %mul3A_281 : i32 to vector<16xi32>
    %mul3A_283 = arith.muli %get3A_277, %mul3A_282 : vector<16xi32>
    %sub3A_284 = arith.constant 999423 : i32
    %sub3A_285 = vector.broadcast %sub3A_284 : i32 to vector<16xi32>
    %sub3A_286 = arith.subi %mul3A_283, %sub3A_285 : vector<16xi32>
    %mul3A_287 = arith.constant 2 : i32
    %mul3A_288 = vector.broadcast %mul3A_287 : i32 to vector<16xi32>
    %mul3A_289 = arith.muli %get3A_277, %mul3A_288 : vector<16xi32>
    %select_n3A_290 = arith.select %ge3A_280, %sub3A_286, %mul3A_289 : vector<16xi1>, vector<16xi32>
    %swap3A_291 = arith.constant 64 : index
    %swap3A_292 = tpu.vector_load %arg9[%swap3A_291] {strides = array<i32>} : memref<208xi32, #tpu.memory_space<vmem>>, vector<16xi32>,
    %swap3A_293 = vector.shape_cast %swap3A_292 : vector<16xi32> to vector<16xi32>
    %swap3A_294 = vector.shape_cast %select_n3A_290 : vector<16xi32> to vector<16xi32>
    tpu.vector_store %arg9[%swap3A_291], %swap3A_294 {strides = array<i32>} : memref<208xi32, #tpu.memory_space<vmem>>, vector<16xi32>,
    %get3A_295 = arith.constant 80 : index
    %get3A_296 = tpu.vector_load %arg8[%get3A_295] {strides = array<i32>} : memref<25616xi32, #tpu.memory_space<vmem>>, vector<16xi32>,
    %get3A_297 = vector.shape_cast %get3A_296 : vector<16xi32> to vector<16xi32>
    %get3A_298 = arith.constant 80 : index
    %get3A_299 = tpu.vector_load %arg13[%get3A_298] {strides = array<i32>} : memref<208xi32, #tpu.memory_space<vmem>>, vector<16xi32>,
    %get3A_300 = vector.shape_cast %get3A_299 : vector<16xi32> to vector<16xi32>
    %add3A_301 = arith.addi %get3A_297, %get3A_300 : vector<16xi32>
    %swap3A_302 = arith.constant 80 : index
    %swap3A_303 = tpu.vector_load %arg11[%swap3A_302] {strides = array<i32>} : memref<208xi32, #tpu.memory_space<vmem>>, vector<16xi32>,
    %swap3A_304 = vector.shape_cast %swap3A_303 : vector<16xi32> to vector<16xi32>
    %swap3A_305 = vector.shape_cast %add3A_301 : vector<16xi32> to vector<16xi32>
    tpu.vector_store %arg11[%swap3A_302], %swap3A_305 {strides = array<i32>} : memref<208xi32, #tpu.memory_space<vmem>>, vector<16xi32>,
    %get3A_306 = arith.constant 80 : index
    %get3A_307 = tpu.vector_load %arg7[%get3A_306] {strides = array<i32>} : memref<25616xi32, #tpu.memory_space<vmem>>, vector<16xi32>,
    %get3A_308 = vector.shape_cast %get3A_307 : vector<16xi32> to vector<16xi32>
    %ge3A_309 = arith.constant 499712 : i32
    %ge3A_310 = vector.broadcast %ge3A_309 : i32 to vector<16xi32>
    %ge3A_311 = arith.cmpi sge, %get3A_308, %ge3A_310 : vector<16xi32>
    %mul3A_312 = arith.constant 2 : i32
    %mul3A_313 = vector.broadcast %mul3A_312 : i32 to vector<16xi32>
    %mul3A_314 = arith.muli %get3A_308, %mul3A_313 : vector<16xi32>
    %sub3A_315 = arith.constant 999423 : i32
    %sub3A_316 = vector.broadcast %sub3A_315 : i32 to vector<16xi32>
    %sub3A_317 = arith.subi %mul3A_314, %sub3A_316 : vector<16xi32>
    %mul3A_318 = arith.constant 2 : i32
    %mul3A_319 = vector.broadcast %mul3A_318 : i32 to vector<16xi32>
    %mul3A_320 = arith.muli %get3A_308, %mul3A_319 : vector<16xi32>
    %select_n3A_321 = arith.select %ge3A_311, %sub3A_317, %mul3A_320 : vector<16xi1>, vector<16xi32>
    %swap3A_322 = arith.constant 80 : index
    %swap3A_323 = tpu.vector_load %arg9[%swap3A_322] {strides = array<i32>} : memref<208xi32, #tpu.memory_space<vmem>>, vector<16xi32>,
    %swap3A_324 = vector.shape_cast %swap3A_323 : vector<16xi32> to vector<16xi32>
    %swap3A_325 = vector.shape_cast %select_n3A_321 : vector<16xi32> to vector<16xi32>
    tpu.vector_store %arg9[%swap3A_322], %swap3A_325 {strides = array<i32>} : memref<208xi32, #tpu.memory_space<vmem>>, vector<16xi32>,
    %get3A_326 = arith.constant 96 : index
    %get3A_327 = tpu.vector_load %arg8[%get3A_326] {strides = array<i32>} : memref<25616xi32, #tpu.memory_space<vmem>>, vector<16xi32>,
    %get3A_328 = vector.shape_cast %get3A_327 : vector<16xi32> to vector<16xi32>
    %get3A_329 = arith.constant 96 : index
    %get3A_330 = tpu.vector_load %arg13[%get3A_329] {strides = array<i32>} : memref<208xi32, #tpu.memory_space<vmem>>, vector<16xi32>,
    %get3A_331 = vector.shape_cast %get3A_330 : vector<16xi32> to vector<16xi32>
    %add3A_332 = arith.addi %get3A_328, %get3A_331 : vector<16xi32>
    %swap3A_333 = arith.constant 96 : index
    %swap3A_334 = tpu.vector_load %arg11[%swap3A_333] {strides = array<i32>} : memref<208xi32, #tpu.memory_space<vmem>>, vector<16xi32>,
    %swap3A_335 = vector.shape_cast %swap3A_334 : vector<16xi32> to vector<16xi32>
    %swap3A_336 = vector.shape_cast %add3A_332 : vector<16xi32> to vector<16xi32>
    tpu.vector_store %arg11[%swap3A_333], %swap3A_336 {strides = array<i32>} : memref<208xi32, #tpu.memory_space<vmem>>, vector<16xi32>,
    %get3A_337 = arith.constant 96 : index
    %get3A_338 = tpu.vector_load %arg7[%get3A_337] {strides = array<i32>} : memref<25616xi32, #tpu.memory_space<vmem>>, vector<16xi32>,
    %get3A_339 = vector.shape_cast %get3A_338 : vector<16xi32> to vector<16xi32>
    %ge3A_340 = arith.constant 499712 : i32
    %ge3A_341 = vector.broadcast %ge3A_340 : i32 to vector<16xi32>
    %ge3A_342 = arith.cmpi sge, %get3A_339, %ge3A_341 : vector<16xi32>
    %mul3A_343 = arith.constant 2 : i32
    %mul3A_344 = vector.broadcast %mul3A_343 : i32 to vector<16xi32>
    %mul3A_345 = arith.muli %get3A_339, %mul3A_344 : vector<16xi32>
    %sub3A_346 = arith.constant 999423 : i32
    %sub3A_347 = vector.broadcast %sub3A_346 : i32 to vector<16xi32>
    %sub3A_348 = arith.subi %mul3A_345, %sub3A_347 : vector<16xi32>
    %mul3A_349 = arith.constant 2 : i32
    %mul3A_350 = vector.broadcast %mul3A_349 : i32 to vector<16xi32>
    %mul3A_351 = arith.muli %get3A_339, %mul3A_350 : vector<16xi32>
    %select_n3A_352 = arith.select %ge3A_342, %sub3A_348, %mul3A_351 : vector<16xi1>, vector<16xi32>
    %swap3A_353 = arith.constant 96 : index
    %swap3A_354 = tpu.vector_load %arg9[%swap3A_353] {strides = array<i32>} : memref<208xi32, #tpu.memory_space<vmem>>, vector<16xi32>,
    %swap3A_355 = vector.shape_cast %swap3A_354 : vector<16xi32> to vector<16xi32>
    %swap3A_356 = vector.shape_cast %select_n3A_352 : vector<16xi32> to vector<16xi32>
    tpu.vector_store %arg9[%swap3A_353], %swap3A_356 {strides = array<i32>} : memref<208xi32, #tpu.memory_space<vmem>>, vector<16xi32>,
    %get3A_357 = arith.constant 112 : index
    %get3A_358 = tpu.vector_load %arg8[%get3A_357] {strides = array<i32>} : memref<25616xi32, #tpu.memory_space<vmem>>, vector<16xi32>,
    %get3A_359 = vector.shape_cast %get3A_358 : vector<16xi32> to vector<16xi32>
    %get3A_360 = arith.constant 112 : index
    %get3A_361 = tpu.vector_load %arg13[%get3A_360] {strides = array<i32>} : memref<208xi32, #tpu.memory_space<vmem>>, vector<16xi32>,
    %get3A_362 = vector.shape_cast %get3A_361 : vector<16xi32> to vector<16xi32>
    %add3A_363 = arith.addi %get3A_359, %get3A_362 : vector<16xi32>
    %swap3A_364 = arith.constant 112 : index
    %swap3A_365 = tpu.vector_load %arg11[%swap3A_364] {strides = array<i32>} : memref<208xi32, #tpu.memory_space<vmem>>, vector<16xi32>,
    %swap3A_366 = vector.shape_cast %swap3A_365 : vector<16xi32> to vector<16xi32>
    %swap3A_367 = vector.shape_cast %add3A_363 : vector<16xi32> to vector<16xi32>
    tpu.vector_store %arg11[%swap3A_364], %swap3A_367 {strides = array<i32>} : memref<208xi32, #tpu.memory_space<vmem>>, vector<16xi32>,
    %get3A_368 = arith.constant 112 : index
    %get3A_369 = tpu.vector_load %arg7[%get3A_368] {strides = array<i32>} : memref<25616xi32, #tpu.memory_space<vmem>>, vector<16xi32>,
    %get3A_370 = vector.shape_cast %get3A_369 : vector<16xi32> to vector<16xi32>
    %ge3A_371 = arith.constant 499712 : i32
    %ge3A_372 = vector.broadcast %ge3A_371 : i32 to vector<16xi32>
    %ge3A_373 = arith.cmpi sge, %get3A_370, %ge3A_372 : vector<16xi32>
    %mul3A_374 = arith.constant 2 : i32
    %mul3A_375 = vector.broadcast %mul3A_374 : i32 to vector<16xi32>
    %mul3A_376 = arith.muli %get3A_370, %mul3A_375 : vector<16xi32>
    %sub3A_377 = arith.constant 999423 : i32
    %sub3A_378 = vector.broadcast %sub3A_377 : i32 to vector<16xi32>
    %sub3A_379 = arith.subi %mul3A_376, %sub3A_378 : vector<16xi32>
    %mul3A_380 = arith.constant 2 : i32
    %mul3A_381 = vector.broadcast %mul3A_380 : i32 to vector<16xi32>
    %mul3A_382 = arith.muli %get3A_370, %mul3A_381 : vector<16xi32>
    %select_n3A_383 = arith.select %ge3A_373, %sub3A_379, %mul3A_382 : vector<16xi1>, vector<16xi32>
    %swap3A_384 = arith.constant 112 : index
    %swap3A_385 = tpu.vector_load %arg9[%swap3A_384] {strides = array<i32>} : memref<208xi32, #tpu.memory_space<vmem>>, vector<16xi32>,
    %swap3A_386 = vector.shape_cast %swap3A_385 : vector<16xi32> to vector<16xi32>
    %swap3A_387 = vector.shape_cast %select_n3A_383 : vector<16xi32> to vector<16xi32>
    tpu.vector_store %arg9[%swap3A_384], %swap3A_387 {strides = array<i32>} : memref<208xi32, #tpu.memory_space<vmem>>, vector<16xi32>,
    %get3A_388 = arith.constant 128 : index
    %get3A_389 = tpu.vector_load %arg8[%get3A_388] {strides = array<i32>} : memref<25616xi32, #tpu.memory_space<vmem>>, vector<16xi32>,
    %get3A_390 = vector.shape_cast %get3A_389 : vector<16xi32> to vector<16xi32>
    %get3A_391 = arith.constant 128 : index
    %get3A_392 = tpu.vector_load %arg13[%get3A_391] {strides = array<i32>} : memref<208xi32, #tpu.memory_space<vmem>>, vector<16xi32>,
    %get3A_393 = vector.shape_cast %get3A_392 : vector<16xi32> to vector<16xi32>
    %add3A_394 = arith.addi %get3A_390, %get3A_393 : vector<16xi32>
    %swap3A_395 = arith.constant 128 : index
    %swap3A_396 = tpu.vector_load %arg11[%swap3A_395] {strides = array<i32>} : memref<208xi32, #tpu.memory_space<vmem>>, vector<16xi32>,
    %swap3A_397 = vector.shape_cast %swap3A_396 : vector<16xi32> to vector<16xi32>
    %swap3A_398 = vector.shape_cast %add3A_394 : vector<16xi32> to vector<16xi32>
    tpu.vector_store %arg11[%swap3A_395], %swap3A_398 {strides = array<i32>} : memref<208xi32, #tpu.memory_space<vmem>>, vector<16xi32>,
    %get3A_399 = arith.constant 128 : index
    %get3A_400 = tpu.vector_load %arg7[%get3A_399] {strides = array<i32>} : memref<25616xi32, #tpu.memory_space<vmem>>, vector<16xi32>,
    %get3A_401 = vector.shape_cast %get3A_400 : vector<16xi32> to vector<16xi32>
    %ge3A_402 = arith.constant 499712 : i32
    %ge3A_403 = vector.broadcast %ge3A_402 : i32 to vector<16xi32>
    %ge3A_404 = arith.cmpi sge, %get3A_401, %ge3A_403 : vector<16xi32>
    %mul3A_405 = arith.constant 2 : i32
    %mul3A_406 = vector.broadcast %mul3A_405 : i32 to vector<16xi32>
    %mul3A_407 = arith.muli %get3A_401, %mul3A_406 : vector<16xi32>
    %sub3A_408 = arith.constant 999423 : i32
    %sub3A_409 = vector.broadcast %sub3A_408 : i32 to vector<16xi32>
    %sub3A_410 = arith.subi %mul3A_407, %sub3A_409 : vector<16xi32>
    %mul3A_411 = arith.constant 2 : i32
    %mul3A_412 = vector.broadcast %mul3A_411 : i32 to vector<16xi32>
    %mul3A_413 = arith.muli %get3A_401, %mul3A_412 : vector<16xi32>
    %select_n3A_414 = arith.select %ge3A_404, %sub3A_410, %mul3A_413 : vector<16xi1>, vector<16xi32>
    %swap3A_415 = arith.constant 128 : index
    %swap3A_416 = tpu.vector_load %arg9[%swap3A_415] {strides = array<i32>} : memref<208xi32, #tpu.memory_space<vmem>>, vector<16xi32>,
    %swap3A_417 = vector.shape_cast %swap3A_416 : vector<16xi32> to vector<16xi32>
    %swap3A_418 = vector.shape_cast %select_n3A_414 : vector<16xi32> to vector<16xi32>
    tpu.vector_store %arg9[%swap3A_415], %swap3A_418 {strides = array<i32>} : memref<208xi32, #tpu.memory_space<vmem>>, vector<16xi32>,
    %get3A_419 = arith.constant 144 : index
    %get3A_420 = tpu.vector_load %arg8[%get3A_419] {strides = array<i32>} : memref<25616xi32, #tpu.memory_space<vmem>>, vector<16xi32>,
    %get3A_421 = vector.shape_cast %get3A_420 : vector<16xi32> to vector<16xi32>
    %get3A_422 = arith.constant 144 : index
    %get3A_423 = tpu.vector_load %arg13[%get3A_422] {strides = array<i32>} : memref<208xi32, #tpu.memory_space<vmem>>, vector<16xi32>,
    %get3A_424 = vector.shape_cast %get3A_423 : vector<16xi32> to vector<16xi32>
    %add3A_425 = arith.addi %get3A_421, %get3A_424 : vector<16xi32>
    %swap3A_426 = arith.constant 144 : index
    %swap3A_427 = tpu.vector_load %arg11[%swap3A_426] {strides = array<i32>} : memref<208xi32, #tpu.memory_space<vmem>>, vector<16xi32>,
    %swap3A_428 = vector.shape_cast %swap3A_427 : vector<16xi32> to vector<16xi32>
    %swap3A_429 = vector.shape_cast %add3A_425 : vector<16xi32> to vector<16xi32>
    tpu.vector_store %arg11[%swap3A_426], %swap3A_429 {strides = array<i32>} : memref<208xi32, #tpu.memory_space<vmem>>, vector<16xi32>,
    %get3A_430 = arith.constant 144 : index
    %get3A_431 = tpu.vector_load %arg7[%get3A_430] {strides = array<i32>} : memref<25616xi32, #tpu.memory_space<vmem>>, vector<16xi32>,
    %get3A_432 = vector.shape_cast %get3A_431 : vector<16xi32> to vector<16xi32>
    %ge3A_433 = arith.constant 499712 : i32
    %ge3A_434 = vector.broadcast %ge3A_433 : i32 to vector<16xi32>
    %ge3A_435 = arith.cmpi sge, %get3A_432, %ge3A_434 : vector<16xi32>
    %mul3A_436 = arith.constant 2 : i32
    %mul3A_437 = vector.broadcast %mul3A_436 : i32 to vector<16xi32>
    %mul3A_438 = arith.muli %get3A_432, %mul3A_437 : vector<16xi32>
    %sub3A_439 = arith.constant 999423 : i32
    %sub3A_440 = vector.broadcast %sub3A_439 : i32 to vector<16xi32>
    %sub3A_441 = arith.subi %mul3A_438, %sub3A_440 : vector<16xi32>
    %mul3A_442 = arith.constant 2 : i32
    %mul3A_443 = vector.broadcast %mul3A_442 : i32 to vector<16xi32>
    %mul3A_444 = arith.muli %get3A_432, %mul3A_443 : vector<16xi32>
    %select_n3A_445 = arith.select %ge3A_435, %sub3A_441, %mul3A_444 : vector<16xi1>, vector<16xi32>
    %swap3A_446 = arith.constant 144 : index
    %swap3A_447 = tpu.vector_load %arg9[%swap3A_446] {strides = array<i32>} : memref<208xi32, #tpu.memory_space<vmem>>, vector<16xi32>,
    %swap3A_448 = vector.shape_cast %swap3A_447 : vector<16xi32> to vector<16xi32>
    %swap3A_449 = vector.shape_cast %select_n3A_445 : vector<16xi32> to vector<16xi32>
    tpu.vector_store %arg9[%swap3A_446], %swap3A_449 {strides = array<i32>} : memref<208xi32, #tpu.memory_space<vmem>>, vector<16xi32>,
    %get3A_450 = arith.constant 160 : index
    %get3A_451 = tpu.vector_load %arg8[%get3A_450] {strides = array<i32>} : memref<25616xi32, #tpu.memory_space<vmem>>, vector<16xi32>,
    %get3A_452 = vector.shape_cast %get3A_451 : vector<16xi32> to vector<16xi32>
    %get3A_453 = arith.constant 160 : index
    %get3A_454 = tpu.vector_load %arg13[%get3A_453] {strides = array<i32>} : memref<208xi32, #tpu.memory_space<vmem>>, vector<16xi32>,
    %get3A_455 = vector.shape_cast %get3A_454 : vector<16xi32> to vector<16xi32>
    %add3A_456 = arith.addi %get3A_452, %get3A_455 : vector<16xi32>
    %swap3A_457 = arith.constant 160 : index
    %swap3A_458 = tpu.vector_load %arg11[%swap3A_457] {strides = array<i32>} : memref<208xi32, #tpu.memory_space<vmem>>, vector<16xi32>,
    %swap3A_459 = vector.shape_cast %swap3A_458 : vector<16xi32> to vector<16xi32>
    %swap3A_460 = vector.shape_cast %add3A_456 : vector<16xi32> to vector<16xi32>
    tpu.vector_store %arg11[%swap3A_457], %swap3A_460 {strides = array<i32>} : memref<208xi32, #tpu.memory_space<vmem>>, vector<16xi32>,
    %get3A_461 = arith.constant 160 : index
    %get3A_462 = tpu.vector_load %arg7[%get3A_461] {strides = array<i32>} : memref<25616xi32, #tpu.memory_space<vmem>>, vector<16xi32>,
    %get3A_463 = vector.shape_cast %get3A_462 : vector<16xi32> to vector<16xi32>
    %ge3A_464 = arith.constant 499712 : i32
    %ge3A_465 = vector.broadcast %ge3A_464 : i32 to vector<16xi32>
    %ge3A_466 = arith.cmpi sge, %get3A_463, %ge3A_465 : vector<16xi32>
    %mul3A_467 = arith.constant 2 : i32
    %mul3A_468 = vector.broadcast %mul3A_467 : i32 to vector<16xi32>
    %mul3A_469 = arith.muli %get3A_463, %mul3A_468 : vector<16xi32>
    %sub3A_470 = arith.constant 999423 : i32
    %sub3A_471 = vector.broadcast %sub3A_470 : i32 to vector<16xi32>
    %sub3A_472 = arith.subi %mul3A_469, %sub3A_471 : vector<16xi32>
    %mul3A_473 = arith.constant 2 : i32
    %mul3A_474 = vector.broadcast %mul3A_473 : i32 to vector<16xi32>
    %mul3A_475 = arith.muli %get3A_463, %mul3A_474 : vector<16xi32>
    %select_n3A_476 = arith.select %ge3A_466, %sub3A_472, %mul3A_475 : vector<16xi1>, vector<16xi32>
    %swap3A_477 = arith.constant 160 : index
    %swap3A_478 = tpu.vector_load %arg9[%swap3A_477] {strides = array<i32>} : memref<208xi32, #tpu.memory_space<vmem>>, vector<16xi32>,
    %swap3A_479 = vector.shape_cast %swap3A_478 : vector<16xi32> to vector<16xi32>
    %swap3A_480 = vector.shape_cast %select_n3A_476 : vector<16xi32> to vector<16xi32>
    tpu.vector_store %arg9[%swap3A_477], %swap3A_480 {strides = array<i32>} : memref<208xi32, #tpu.memory_space<vmem>>, vector<16xi32>,
    %get3A_481 = arith.constant 176 : index
    %get3A_482 = tpu.vector_load %arg8[%get3A_481] {strides = array<i32>} : memref<25616xi32, #tpu.memory_space<vmem>>, vector<16xi32>,
    %get3A_483 = vector.shape_cast %get3A_482 : vector<16xi32> to vector<16xi32>
    %get3A_484 = arith.constant 176 : index
    %get3A_485 = tpu.vector_load %arg13[%get3A_484] {strides = array<i32>} : memref<208xi32, #tpu.memory_space<vmem>>, vector<16xi32>,
    %get3A_486 = vector.shape_cast %get3A_485 : vector<16xi32> to vector<16xi32>
    %add3A_487 = arith.addi %get3A_483, %get3A_486 : vector<16xi32>
    %swap3A_488 = arith.constant 176 : index
    %swap3A_489 = tpu.vector_load %arg11[%swap3A_488] {strides = array<i32>} : memref<208xi32, #tpu.memory_space<vmem>>, vector<16xi32>,
    %swap3A_490 = vector.shape_cast %swap3A_489 : vector<16xi32> to vector<16xi32>
    %swap3A_491 = vector.shape_cast %add3A_487 : vector<16xi32> to vector<16xi32>
    tpu.vector_store %arg11[%swap3A_488], %swap3A_491 {strides = array<i32>} : memref<208xi32, #tpu.memory_space<vmem>>, vector<16xi32>,
    %get3A_492 = arith.constant 176 : index
    %get3A_493 = tpu.vector_load %arg7[%get3A_492] {strides = array<i32>} : memref<25616xi32, #tpu.memory_space<vmem>>, vector<16xi32>,
    %get3A_494 = vector.shape_cast %get3A_493 : vector<16xi32> to vector<16xi32>
    %ge3A_495 = arith.constant 499712 : i32
    %ge3A_496 = vector.broadcast %ge3A_495 : i32 to vector<16xi32>
    %ge3A_497 = arith.cmpi sge, %get3A_494, %ge3A_496 : vector<16xi32>
    %mul3A_498 = arith.constant 2 : i32
    %mul3A_499 = vector.broadcast %mul3A_498 : i32 to vector<16xi32>
    %mul3A_500 = arith.muli %get3A_494, %mul3A_499 : vector<16xi32>
    %sub3A_501 = arith.constant 999423 : i32
    %sub3A_502 = vector.broadcast %sub3A_501 : i32 to vector<16xi32>
    %sub3A_503 = arith.subi %mul3A_500, %sub3A_502 : vector<16xi32>
    %mul3A_504 = arith.constant 2 : i32
    %mul3A_505 = vector.broadcast %mul3A_504 : i32 to vector<16xi32>
    %mul3A_506 = arith.muli %get3A_494, %mul3A_505 : vector<16xi32>
    %select_n3A_507 = arith.select %ge3A_497, %sub3A_503, %mul3A_506 : vector<16xi1>, vector<16xi32>
    %swap3A_508 = arith.constant 176 : index
    %swap3A_509 = tpu.vector_load %arg9[%swap3A_508] {strides = array<i32>} : memref<208xi32, #tpu.memory_space<vmem>>, vector<16xi32>,
    %swap3A_510 = vector.shape_cast %swap3A_509 : vector<16xi32> to vector<16xi32>
    %swap3A_511 = vector.shape_cast %select_n3A_507 : vector<16xi32> to vector<16xi32>
    tpu.vector_store %arg9[%swap3A_508], %swap3A_511 {strides = array<i32>} : memref<208xi32, #tpu.memory_space<vmem>>, vector<16xi32>,
    %get3A_512 = arith.constant 192 : index
    %get3A_513 = tpu.vector_load %arg8[%get3A_512] {strides = array<i32>} : memref<25616xi32, #tpu.memory_space<vmem>>, vector<16xi32>,
    %get3A_514 = vector.shape_cast %get3A_513 : vector<16xi32> to vector<16xi32>
    %get3A_515 = arith.constant 192 : index
    %get3A_516 = tpu.vector_load %arg13[%get3A_515] {strides = array<i32>} : memref<208xi32, #tpu.memory_space<vmem>>, vector<16xi32>,
    %get3A_517 = vector.shape_cast %get3A_516 : vector<16xi32> to vector<16xi32>
    %add3A_518 = arith.addi %get3A_514, %get3A_517 : vector<16xi32>
    %swap3A_519 = arith.constant 192 : index
    %swap3A_520 = tpu.vector_load %arg11[%swap3A_519] {strides = array<i32>} : memref<208xi32, #tpu.memory_space<vmem>>, vector<16xi32>,
    %swap3A_521 = vector.shape_cast %swap3A_520 : vector<16xi32> to vector<16xi32>
    %swap3A_522 = vector.shape_cast %add3A_518 : vector<16xi32> to vector<16xi32>
    tpu.vector_store %arg11[%swap3A_519], %swap3A_522 {strides = array<i32>} : memref<208xi32, #tpu.memory_space<vmem>>, vector<16xi32>,
    %get3A_523 = arith.constant 192 : index
    %get3A_524 = tpu.vector_load %arg7[%get3A_523] {strides = array<i32>} : memref<25616xi32, #tpu.memory_space<vmem>>, vector<16xi32>,
    %get3A_525 = vector.shape_cast %get3A_524 : vector<16xi32> to vector<16xi32>
    %ge3A_526 = arith.constant 499712 : i32
    %ge3A_527 = vector.broadcast %ge3A_526 : i32 to vector<16xi32>
    %ge3A_528 = arith.cmpi sge, %get3A_525, %ge3A_527 : vector<16xi32>
    %mul3A_529 = arith.constant 2 : i32
    %mul3A_530 = vector.broadcast %mul3A_529 : i32 to vector<16xi32>
    %mul3A_531 = arith.muli %get3A_525, %mul3A_530 : vector<16xi32>
    %sub3A_532 = arith.constant 999423 : i32
    %sub3A_533 = vector.broadcast %sub3A_532 : i32 to vector<16xi32>
    %sub3A_534 = arith.subi %mul3A_531, %sub3A_533 : vector<16xi32>
    %mul3A_535 = arith.constant 2 : i32
    %mul3A_536 = vector.broadcast %mul3A_535 : i32 to vector<16xi32>
    %mul3A_537 = arith.muli %get3A_525, %mul3A_536 : vector<16xi32>
    %select_n3A_538 = arith.select %ge3A_528, %sub3A_534, %mul3A_537 : vector<16xi1>, vector<16xi32>
    %swap3A_539 = arith.constant 192 : index
    %swap3A_540 = tpu.vector_load %arg9[%swap3A_539] {strides = array<i32>} : memref<208xi32, #tpu.memory_space<vmem>>, vector<16xi32>,
    %swap3A_541 = vector.shape_cast %swap3A_540 : vector<16xi32> to vector<16xi32>
    %swap3A_542 = vector.shape_cast %select_n3A_538 : vector<16xi32> to vector<16xi32>
    tpu.vector_store %arg9[%swap3A_539], %swap3A_542 {strides = array<i32>} : memref<208xi32, #tpu.memory_space<vmem>>, vector<16xi32>,
    %dma_start3A = arith.constant 0 : i32
    %dma_start3A_543 = arith.constant 0 : i32
    %dma_start3A_544 = tpu.memref_slice %arg14[%dma_start3A, %dma_start3A_543] : memref<200x64xf32, #tpu.memory_space<vmem>> -> memref<128x64xf32, #tpu.memory_space<vmem>>
    %dma_start3A_545 = arith.constant 0 : i32
    %dma_start3A_546 = tpu.memref_slice %arg9[%dma_start3A_545] : memref<208xi32, #tpu.memory_space<vmem>> -> memref<128xi32, #tpu.memory_space<vmem>>
    %dma_start3A_547 = arith.constant 0 : i32
    %dma_start3A_548 = arith.constant 0 : i32
    %dma_start3A_549 = tpu.memref_slice %arg4[%dma_start3A_547, %dma_start3A_548] : memref<1000576x64xf32, #tpu.memory_space<hbm>> -> memref<1000576x64xf32, #tpu.memory_space<hbm>>
    tpu.enqueue_indirect_dma source(%dma_start3A_549 : memref<1000576x64xf32, #tpu.memory_space<hbm>>) target(%dma_start3A_544 : memref<128x64xf32, #tpu.memory_space<vmem>>) offsets(%dma_start3A_546 : memref<128xi32, #tpu.memory_space<vmem>>) semaphore(%arg18 : memref<!tpu.dma_semaphore, #tpu.memory_space<semaphore_mem>>)
    %dma_start3A_550 = arith.constant 0 : i32
    %dma_start3A_551 = arith.constant 0 : i32
    %dma_start3A_552 = tpu.memref_slice %arg16[%dma_start3A_550, %dma_start3A_551] : memref<200x64xf32, #tpu.memory_space<vmem>> -> memref<128x64xf32, #tpu.memory_space<vmem>>
    %dma_start3A_553 = arith.constant 0 : i32
    %dma_start3A_554 = tpu.memref_slice %arg11[%dma_start3A_553] : memref<208xi32, #tpu.memory_space<vmem>> -> memref<128xi32, #tpu.memory_space<vmem>>
    %dma_start3A_555 = arith.constant 0 : i32
    %dma_start3A_556 = arith.constant 0 : i32
    %dma_start3A_557 = tpu.memref_slice %arg5[%dma_start3A_555, %dma_start3A_556] : memref<12800x64xf32, #tpu.memory_space<hbm>> -> memref<12800x64xf32, #tpu.memory_space<hbm>>
    tpu.enqueue_indirect_dma source(%dma_start3A_557 : memref<12800x64xf32, #tpu.memory_space<hbm>>) target(%dma_start3A_552 : memref<128x64xf32, #tpu.memory_space<vmem>>) offsets(%dma_start3A_554 : memref<128xi32, #tpu.memory_space<vmem>>) semaphore(%arg18 : memref<!tpu.dma_semaphore, #tpu.memory_space<semaphore_mem>>)
    %dma_start3A_558 = arith.constant 128 : i32
    %dma_start3A_559 = arith.constant 0 : i32
    %dma_start3A_560 = tpu.memref_slice %arg14[%dma_start3A_558, %dma_start3A_559] : memref<200x64xf32, #tpu.memory_space<vmem>> -> memref<72x64xf32, #tpu.memory_space<vmem>>
    %dma_start3A_561 = arith.constant 128 : i32
    %dma_start3A_562 = tpu.memref_slice %arg9[%dma_start3A_561] : memref<208xi32, #tpu.memory_space<vmem>> -> memref<72xi32, #tpu.memory_space<vmem>>
    %dma_start3A_563 = arith.constant 0 : i32
    %dma_start3A_564 = arith.constant 0 : i32
    %dma_start3A_565 = tpu.memref_slice %arg4[%dma_start3A_563, %dma_start3A_564] : memref<1000576x64xf32, #tpu.memory_space<hbm>> -> memref<1000576x64xf32, #tpu.memory_space<hbm>>
    tpu.enqueue_indirect_dma source(%dma_start3A_565 : memref<1000576x64xf32, #tpu.memory_space<hbm>>) target(%dma_start3A_560 : memref<72x64xf32, #tpu.memory_space<vmem>>) offsets(%dma_start3A_562 : memref<72xi32, #tpu.memory_space<vmem>>) semaphore(%arg18 : memref<!tpu.dma_semaphore, #tpu.memory_space<semaphore_mem>>)
    %dma_start3A_566 = arith.constant 128 : i32
    %dma_start3A_567 = arith.constant 0 : i32
    %dma_start3A_568 = tpu.memref_slice %arg16[%dma_start3A_566, %dma_start3A_567] : memref<200x64xf32, #tpu.memory_space<vmem>> -> memref<72x64xf32, #tpu.memory_space<vmem>>
    %dma_start3A_569 = arith.constant 128 : i32
    %dma_start3A_570 = tpu.memref_slice %arg11[%dma_start3A_569] : memref<208xi32, #tpu.memory_space<vmem>> -> memref<72xi32, #tpu.memory_space<vmem>>
    %dma_start3A_571 = arith.constant 0 : i32
    %dma_start3A_572 = arith.constant 0 : i32
    %dma_start3A_573 = tpu.memref_slice %arg5[%dma_start3A_571, %dma_start3A_572] : memref<12800x64xf32, #tpu.memory_space<hbm>> -> memref<12800x64xf32, #tpu.memory_space<hbm>>
    tpu.enqueue_indirect_dma source(%dma_start3A_573 : memref<12800x64xf32, #tpu.memory_space<hbm>>) target(%dma_start3A_568 : memref<72x64xf32, #tpu.memory_space<vmem>>) offsets(%dma_start3A_570 : memref<72xi32, #tpu.memory_space<vmem>>) semaphore(%arg18 : memref<!tpu.dma_semaphore, #tpu.memory_space<semaphore_mem>>)
    %scan3A = arith.constant 0 : i32
    %scan3A_574 = arith.constant 0 : i32
    %scan3A_575 = arith.constant 64 : i32
    %scan3A_576 = arith.addi %scan3A_574, %scan3A_575 : i32
    %scan3A_577 = arith.constant 1 : i32
    scf.for %scan3A_579 = %scan3A_574 to %scan3A_576 step %scan3A_577  : i32 {
      %mul3A_580 = arith.constant 2 : i32
      %mul3A_581 = arith.muli %scan3A_579, %mul3A_580 : i32
      %add3A_582 = arith.constant 1 : i32
      %add3A_583 = arith.addi %mul3A_581, %add3A_582 : i32
      %mul3A_584 = arith.constant 200 : i32
      %mul3A_585 = arith.muli %add3A_583, %mul3A_584 : i32
      %add3A_586 = arith.constant 0 : i32
      %add3A_587 = arith.addi %mul3A_585, %add3A_586 : i32
      %get3A_588 = arith.index_cast %add3A_587 : i32 to index
      %get3A_589 = tpu.vector_load %arg8[%get3A_588] {strides = array<i32>} : memref<25616xi32, #tpu.memory_space<vmem>>, vector<16xi32>,
      %get3A_590 = vector.shape_cast %get3A_589 : vector<16xi32> to vector<16xi32>
      %get3A_591 = arith.constant 0 : index
      %get3A_592 = tpu.vector_load %arg13[%get3A_591] {strides = array<i32>} : memref<208xi32, #tpu.memory_space<vmem>>, vector<16xi32>,
      %get3A_593 = vector.shape_cast %get3A_592 : vector<16xi32> to vector<16xi32>
      %add3A_594 = arith.addi %get3A_590, %get3A_593 : vector<16xi32>
      %swap3A_595 = arith.constant 0 : index
      %swap3A_596 = tpu.vector_load %arg12[%swap3A_595] {strides = array<i32>} : memref<208xi32, #tpu.memory_space<vmem>>, vector<16xi32>,
      %swap3A_597 = vector.shape_cast %swap3A_596 : vector<16xi32> to vector<16xi32>
      %swap3A_598 = vector.shape_cast %add3A_594 : vector<16xi32> to vector<16xi32>
      tpu.vector_store %arg12[%swap3A_595], %swap3A_598 {strides = array<i32>} : memref<208xi32, #tpu.memory_space<vmem>>, vector<16xi32>,
      %get3A_599 = arith.index_cast %add3A_587 : i32 to index
      %get3A_600 = tpu.vector_load %arg7[%get3A_599] {strides = array<i32>} : memref<25616xi32, #tpu.memory_space<vmem>>, vector<16xi32>,
      %get3A_601 = vector.shape_cast %get3A_600 : vector<16xi32> to vector<16xi32>
      %ge3A_602 = arith.constant 499712 : i32
      %ge3A_603 = vector.broadcast %ge3A_602 : i32 to vector<16xi32>
      %ge3A_604 = arith.cmpi sge, %get3A_601, %ge3A_603 : vector<16xi32>
      %mul3A_605 = arith.constant 2 : i32
      %mul3A_606 = vector.broadcast %mul3A_605 : i32 to vector<16xi32>
      %mul3A_607 = arith.muli %get3A_601, %mul3A_606 : vector<16xi32>
      %sub3A_608 = arith.constant 999423 : i32
      %sub3A_609 = vector.broadcast %sub3A_608 : i32 to vector<16xi32>
      %sub3A_610 = arith.subi %mul3A_607, %sub3A_609 : vector<16xi32>
      %mul3A_611 = arith.constant 2 : i32
      %mul3A_612 = vector.broadcast %mul3A_611 : i32 to vector<16xi32>
      %mul3A_613 = arith.muli %get3A_601, %mul3A_612 : vector<16xi32>
      %select_n3A_614 = arith.select %ge3A_604, %sub3A_610, %mul3A_613 : vector<16xi1>, vector<16xi32>
      %swap3A_615 = arith.constant 0 : index
      %swap3A_616 = tpu.vector_load %arg10[%swap3A_615] {strides = array<i32>} : memref<208xi32, #tpu.memory_space<vmem>>, vector<16xi32>,
      %swap3A_617 = vector.shape_cast %swap3A_616 : vector<16xi32> to vector<16xi32>
      %swap3A_618 = vector.shape_cast %select_n3A_614 : vector<16xi32> to vector<16xi32>
      tpu.vector_store %arg10[%swap3A_615], %swap3A_618 {strides = array<i32>} : memref<208xi32, #tpu.memory_space<vmem>>, vector<16xi32>,
      %mul3A_619 = arith.constant 200 : i32
      %mul3A_620 = arith.muli %add3A_583, %mul3A_619 : i32
      %add3A_621 = arith.constant 16 : i32
      %add3A_622 = arith.addi %mul3A_620, %add3A_621 : i32
      %get3A_623 = arith.index_cast %add3A_622 : i32 to index
      %get3A_624 = tpu.vector_load %arg8[%get3A_623] {strides = array<i32>} : memref<25616xi32, #tpu.memory_space<vmem>>, vector<16xi32>,
      %get3A_625 = vector.shape_cast %get3A_624 : vector<16xi32> to vector<16xi32>
      %get3A_626 = arith.constant 16 : index
      %get3A_627 = tpu.vector_load %arg13[%get3A_626] {strides = array<i32>} : memref<208xi32, #tpu.memory_space<vmem>>, vector<16xi32>,
      %get3A_628 = vector.shape_cast %get3A_627 : vector<16xi32> to vector<16xi32>
      %add3A_629 = arith.addi %get3A_625, %get3A_628 : vector<16xi32>
      %swap3A_630 = arith.constant 16 : index
      %swap3A_631 = tpu.vector_load %arg12[%swap3A_630] {strides = array<i32>} : memref<208xi32, #tpu.memory_space<vmem>>, vector<16xi32>,
      %swap3A_632 = vector.shape_cast %swap3A_631 : vector<16xi32> to vector<16xi32>
      %swap3A_633 = vector.shape_cast %add3A_629 : vector<16xi32> to vector<16xi32>
      tpu.vector_store %arg12[%swap3A_630], %swap3A_633 {strides = array<i32>} : memref<208xi32, #tpu.memory_space<vmem>>, vector<16xi32>,
      %get3A_634 = arith.index_cast %add3A_622 : i32 to index
      %get3A_635 = tpu.vector_load %arg7[%get3A_634] {strides = array<i32>} : memref<25616xi32, #tpu.memory_space<vmem>>, vector<16xi32>,
      %get3A_636 = vector.shape_cast %get3A_635 : vector<16xi32> to vector<16xi32>
      %ge3A_637 = arith.constant 499712 : i32
      %ge3A_638 = vector.broadcast %ge3A_637 : i32 to vector<16xi32>
      %ge3A_639 = arith.cmpi sge, %get3A_636, %ge3A_638 : vector<16xi32>
      %mul3A_640 = arith.constant 2 : i32
      %mul3A_641 = vector.broadcast %mul3A_640 : i32 to vector<16xi32>
      %mul3A_642 = arith.muli %get3A_636, %mul3A_641 : vector<16xi32>
      %sub3A_643 = arith.constant 999423 : i32
      %sub3A_644 = vector.broadcast %sub3A_643 : i32 to vector<16xi32>
      %sub3A_645 = arith.subi %mul3A_642, %sub3A_644 : vector<16xi32>
      %mul3A_646 = arith.constant 2 : i32
      %mul3A_647 = vector.broadcast %mul3A_646 : i32 to vector<16xi32>
      %mul3A_648 = arith.muli %get3A_636, %mul3A_647 : vector<16xi32>
      %select_n3A_649 = arith.select %ge3A_639, %sub3A_645, %mul3A_648 : vector<16xi1>, vector<16xi32>
      %swap3A_650 = arith.constant 16 : index
      %swap3A_651 = tpu.vector_load %arg10[%swap3A_650] {strides = array<i32>} : memref<208xi32, #tpu.memory_space<vmem>>, vector<16xi32>,
      %swap3A_652 = vector.shape_cast %swap3A_651 : vector<16xi32> to vector<16xi32>
      %swap3A_653 = vector.shape_cast %select_n3A_649 : vector<16xi32> to vector<16xi32>
      tpu.vector_store %arg10[%swap3A_650], %swap3A_653 {strides = array<i32>} : memref<208xi32, #tpu.memory_space<vmem>>, vector<16xi32>,
      %mul3A_654 = arith.constant 200 : i32
      %mul3A_655 = arith.muli %add3A_583, %mul3A_654 : i32
      %add3A_656 = arith.constant 32 : i32
      %add3A_657 = arith.addi %mul3A_655, %add3A_656 : i32
      %get3A_658 = arith.index_cast %add3A_657 : i32 to index
      %get3A_659 = tpu.vector_load %arg8[%get3A_658] {strides = array<i32>} : memref<25616xi32, #tpu.memory_space<vmem>>, vector<16xi32>,
      %get3A_660 = vector.shape_cast %get3A_659 : vector<16xi32> to vector<16xi32>
      %get3A_661 = arith.constant 32 : index
      %get3A_662 = tpu.vector_load %arg13[%get3A_661] {strides = array<i32>} : memref<208xi32, #tpu.memory_space<vmem>>, vector<16xi32>,
      %get3A_663 = vector.shape_cast %get3A_662 : vector<16xi32> to vector<16xi32>
      %add3A_664 = arith.addi %get3A_660, %get3A_663 : vector<16xi32>
      %swap3A_665 = arith.constant 32 : index
      %swap3A_666 = tpu.vector_load %arg12[%swap3A_665] {strides = array<i32>} : memref<208xi32, #tpu.memory_space<vmem>>, vector<16xi32>,
      %swap3A_667 = vector.shape_cast %swap3A_666 : vector<16xi32> to vector<16xi32>
      %swap3A_668 = vector.shape_cast %add3A_664 : vector<16xi32> to vector<16xi32>
      tpu.vector_store %arg12[%swap3A_665], %swap3A_668 {strides = array<i32>} : memref<208xi32, #tpu.memory_space<vmem>>, vector<16xi32>,
      %get3A_669 = arith.index_cast %add3A_657 : i32 to index
      %get3A_670 = tpu.vector_load %arg7[%get3A_669] {strides = array<i32>} : memref<25616xi32, #tpu.memory_space<vmem>>, vector<16xi32>,
      %get3A_671 = vector.shape_cast %get3A_670 : vector<16xi32> to vector<16xi32>
      %ge3A_672 = arith.constant 499712 : i32
      %ge3A_673 = vector.broadcast %ge3A_672 : i32 to vector<16xi32>
      %ge3A_674 = arith.cmpi sge, %get3A_671, %ge3A_673 : vector<16xi32>
      %mul3A_675 = arith.constant 2 : i32
      %mul3A_676 = vector.broadcast %mul3A_675 : i32 to vector<16xi32>
      %mul3A_677 = arith.muli %get3A_671, %mul3A_676 : vector<16xi32>
      %sub3A_678 = arith.constant 999423 : i32
      %sub3A_679 = vector.broadcast %sub3A_678 : i32 to vector<16xi32>
      %sub3A_680 = arith.subi %mul3A_677, %sub3A_679 : vector<16xi32>
      %mul3A_681 = arith.constant 2 : i32
      %mul3A_682 = vector.broadcast %mul3A_681 : i32 to vector<16xi32>
      %mul3A_683 = arith.muli %get3A_671, %mul3A_682 : vector<16xi32>
      %select_n3A_684 = arith.select %ge3A_674, %sub3A_680, %mul3A_683 : vector<16xi1>, vector<16xi32>
      %swap3A_685 = arith.constant 32 : index
      %swap3A_686 = tpu.vector_load %arg10[%swap3A_685] {strides = array<i32>} : memref<208xi32, #tpu.memory_space<vmem>>, vector<16xi32>,
      %swap3A_687 = vector.shape_cast %swap3A_686 : vector<16xi32> to vector<16xi32>
      %swap3A_688 = vector.shape_cast %select_n3A_684 : vector<16xi32> to vector<16xi32>
      tpu.vector_store %arg10[%swap3A_685], %swap3A_688 {strides = array<i32>} : memref<208xi32, #tpu.memory_space<vmem>>, vector<16xi32>,
      %mul3A_689 = arith.constant 200 : i32
      %mul3A_690 = arith.muli %add3A_583, %mul3A_689 : i32
      %add3A_691 = arith.constant 48 : i32
      %add3A_692 = arith.addi %mul3A_690, %add3A_691 : i32
      %get3A_693 = arith.index_cast %add3A_692 : i32 to index
      %get3A_694 = tpu.vector_load %arg8[%get3A_693] {strides = array<i32>} : memref<25616xi32, #tpu.memory_space<vmem>>, vector<16xi32>,
      %get3A_695 = vector.shape_cast %get3A_694 : vector<16xi32> to vector<16xi32>
      %get3A_696 = arith.constant 48 : index
      %get3A_697 = tpu.vector_load %arg13[%get3A_696] {strides = array<i32>} : memref<208xi32, #tpu.memory_space<vmem>>, vector<16xi32>,
      %get3A_698 = vector.shape_cast %get3A_697 : vector<16xi32> to vector<16xi32>
      %add3A_699 = arith.addi %get3A_695, %get3A_698 : vector<16xi32>
      %swap3A_700 = arith.constant 48 : index
      %swap3A_701 = tpu.vector_load %arg12[%swap3A_700] {strides = array<i32>} : memref<208xi32, #tpu.memory_space<vmem>>, vector<16xi32>,
      %swap3A_702 = vector.shape_cast %swap3A_701 : vector<16xi32> to vector<16xi32>
      %swap3A_703 = vector.shape_cast %add3A_699 : vector<16xi32> to vector<16xi32>
      tpu.vector_store %arg12[%swap3A_700], %swap3A_703 {strides = array<i32>} : memref<208xi32, #tpu.memory_space<vmem>>, vector<16xi32>,
      %get3A_704 = arith.index_cast %add3A_692 : i32 to index
      %get3A_705 = tpu.vector_load %arg7[%get3A_704] {strides = array<i32>} : memref<25616xi32, #tpu.memory_space<vmem>>, vector<16xi32>,
      %get3A_706 = vector.shape_cast %get3A_705 : vector<16xi32> to vector<16xi32>
      %ge3A_707 = arith.constant 499712 : i32
      %ge3A_708 = vector.broadcast %ge3A_707 : i32 to vector<16xi32>
      %ge3A_709 = arith.cmpi sge, %get3A_706, %ge3A_708 : vector<16xi32>
      %mul3A_710 = arith.constant 2 : i32
      %mul3A_711 = vector.broadcast %mul3A_710 : i32 to vector<16xi32>
      %mul3A_712 = arith.muli %get3A_706, %mul3A_711 : vector<16xi32>
      %sub3A_713 = arith.constant 999423 : i32
      %sub3A_714 = vector.broadcast %sub3A_713 : i32 to vector<16xi32>
      %sub3A_715 = arith.subi %mul3A_712, %sub3A_714 : vector<16xi32>
      %mul3A_716 = arith.constant 2 : i32
      %mul3A_717 = vector.broadcast %mul3A_716 : i32 to vector<16xi32>
      %mul3A_718 = arith.muli %get3A_706, %mul3A_717 : vector<16xi32>
      %select_n3A_719 = arith.select %ge3A_709, %sub3A_715, %mul3A_718 : vector<16xi1>, vector<16xi32>
      %swap3A_720 = arith.constant 48 : index
      %swap3A_721 = tpu.vector_load %arg10[%swap3A_720] {strides = array<i32>} : memref<208xi32, #tpu.memory_space<vmem>>, vector<16xi32>,
      %swap3A_722 = vector.shape_cast %swap3A_721 : vector<16xi32> to vector<16xi32>
      %swap3A_723 = vector.shape_cast %select_n3A_719 : vector<16xi32> to vector<16xi32>
      tpu.vector_store %arg10[%swap3A_720], %swap3A_723 {strides = array<i32>} : memref<208xi32, #tpu.memory_space<vmem>>, vector<16xi32>,
      %mul3A_724 = arith.constant 200 : i32
      %mul3A_725 = arith.muli %add3A_583, %mul3A_724 : i32
      %add3A_726 = arith.constant 64 : i32
      %add3A_727 = arith.addi %mul3A_725, %add3A_726 : i32
      %get3A_728 = arith.index_cast %add3A_727 : i32 to index
      %get3A_729 = tpu.vector_load %arg8[%get3A_728] {strides = array<i32>} : memref<25616xi32, #tpu.memory_space<vmem>>, vector<16xi32>,
      %get3A_730 = vector.shape_cast %get3A_729 : vector<16xi32> to vector<16xi32>
      %get3A_731 = arith.constant 64 : index
      %get3A_732 = tpu.vector_load %arg13[%get3A_731] {strides = array<i32>} : memref<208xi32, #tpu.memory_space<vmem>>, vector<16xi32>,
      %get3A_733 = vector.shape_cast %get3A_732 : vector<16xi32> to vector<16xi32>
      %add3A_734 = arith.addi %get3A_730, %get3A_733 : vector<16xi32>
      %swap3A_735 = arith.constant 64 : index
      %swap3A_736 = tpu.vector_load %arg12[%swap3A_735] {strides = array<i32>} : memref<208xi32, #tpu.memory_space<vmem>>, vector<16xi32>,
      %swap3A_737 = vector.shape_cast %swap3A_736 : vector<16xi32> to vector<16xi32>
      %swap3A_738 = vector.shape_cast %add3A_734 : vector<16xi32> to vector<16xi32>
      tpu.vector_store %arg12[%swap3A_735], %swap3A_738 {strides = array<i32>} : memref<208xi32, #tpu.memory_space<vmem>>, vector<16xi32>,
      %get3A_739 = arith.index_cast %add3A_727 : i32 to index
      %get3A_740 = tpu.vector_load %arg7[%get3A_739] {strides = array<i32>} : memref<25616xi32, #tpu.memory_space<vmem>>, vector<16xi32>,
      %get3A_741 = vector.shape_cast %get3A_740 : vector<16xi32> to vector<16xi32>
      %ge3A_742 = arith.constant 499712 : i32
      %ge3A_743 = vector.broadcast %ge3A_742 : i32 to vector<16xi32>
      %ge3A_744 = arith.cmpi sge, %get3A_741, %ge3A_743 : vector<16xi32>
      %mul3A_745 = arith.constant 2 : i32
      %mul3A_746 = vector.broadcast %mul3A_745 : i32 to vector<16xi32>
      %mul3A_747 = arith.muli %get3A_741, %mul3A_746 : vector<16xi32>
      %sub3A_748 = arith.constant 999423 : i32
      %sub3A_749 = vector.broadcast %sub3A_748 : i32 to vector<16xi32>
      %sub3A_750 = arith.subi %mul3A_747, %sub3A_749 : vector<16xi32>
      %mul3A_751 = arith.constant 2 : i32
      %mul3A_752 = vector.broadcast %mul3A_751 : i32 to vector<16xi32>
      %mul3A_753 = arith.muli %get3A_741, %mul3A_752 : vector<16xi32>
      %select_n3A_754 = arith.select %ge3A_744, %sub3A_750, %mul3A_753 : vector<16xi1>, vector<16xi32>
      %swap3A_755 = arith.constant 64 : index
      %swap3A_756 = tpu.vector_load %arg10[%swap3A_755] {strides = array<i32>} : memref<208xi32, #tpu.memory_space<vmem>>, vector<16xi32>,
      %swap3A_757 = vector.shape_cast %swap3A_756 : vector<16xi32> to vector<16xi32>
      %swap3A_758 = vector.shape_cast %select_n3A_754 : vector<16xi32> to vector<16xi32>
      tpu.vector_store %arg10[%swap3A_755], %swap3A_758 {strides = array<i32>} : memref<208xi32, #tpu.memory_space<vmem>>, vector<16xi32>,
      %mul3A_759 = arith.constant 200 : i32
      %mul3A_760 = arith.muli %add3A_583, %mul3A_759 : i32
      %add3A_761 = arith.constant 80 : i32
      %add3A_762 = arith.addi %mul3A_760, %add3A_761 : i32
      %get3A_763 = arith.index_cast %add3A_762 : i32 to index
      %get3A_764 = tpu.vector_load %arg8[%get3A_763] {strides = array<i32>} : memref<25616xi32, #tpu.memory_space<vmem>>, vector<16xi32>,
      %get3A_765 = vector.shape_cast %get3A_764 : vector<16xi32> to vector<16xi32>
      %get3A_766 = arith.constant 80 : index
      %get3A_767 = tpu.vector_load %arg13[%get3A_766] {strides = array<i32>} : memref<208xi32, #tpu.memory_space<vmem>>, vector<16xi32>,
      %get3A_768 = vector.shape_cast %get3A_767 : vector<16xi32> to vector<16xi32>
      %add3A_769 = arith.addi %get3A_765, %get3A_768 : vector<16xi32>
      %swap3A_770 = arith.constant 80 : index
      %swap3A_771 = tpu.vector_load %arg12[%swap3A_770] {strides = array<i32>} : memref<208xi32, #tpu.memory_space<vmem>>, vector<16xi32>,
      %swap3A_772 = vector.shape_cast %swap3A_771 : vector<16xi32> to vector<16xi32>
      %swap3A_773 = vector.shape_cast %add3A_769 : vector<16xi32> to vector<16xi32>
      tpu.vector_store %arg12[%swap3A_770], %swap3A_773 {strides = array<i32>} : memref<208xi32, #tpu.memory_space<vmem>>, vector<16xi32>,
      %get3A_774 = arith.index_cast %add3A_762 : i32 to index
      %get3A_775 = tpu.vector_load %arg7[%get3A_774] {strides = array<i32>} : memref<25616xi32, #tpu.memory_space<vmem>>, vector<16xi32>,
      %get3A_776 = vector.shape_cast %get3A_775 : vector<16xi32> to vector<16xi32>
      %ge3A_777 = arith.constant 499712 : i32
      %ge3A_778 = vector.broadcast %ge3A_777 : i32 to vector<16xi32>
      %ge3A_779 = arith.cmpi sge, %get3A_776, %ge3A_778 : vector<16xi32>
      %mul3A_780 = arith.constant 2 : i32
      %mul3A_781 = vector.broadcast %mul3A_780 : i32 to vector<16xi32>
      %mul3A_782 = arith.muli %get3A_776, %mul3A_781 : vector<16xi32>
      %sub3A_783 = arith.constant 999423 : i32
      %sub3A_784 = vector.broadcast %sub3A_783 : i32 to vector<16xi32>
      %sub3A_785 = arith.subi %mul3A_782, %sub3A_784 : vector<16xi32>
      %mul3A_786 = arith.constant 2 : i32
      %mul3A_787 = vector.broadcast %mul3A_786 : i32 to vector<16xi32>
      %mul3A_788 = arith.muli %get3A_776, %mul3A_787 : vector<16xi32>
      %select_n3A_789 = arith.select %ge3A_779, %sub3A_785, %mul3A_788 : vector<16xi1>, vector<16xi32>
      %swap3A_790 = arith.constant 80 : index
      %swap3A_791 = tpu.vector_load %arg10[%swap3A_790] {strides = array<i32>} : memref<208xi32, #tpu.memory_space<vmem>>, vector<16xi32>,
      %swap3A_792 = vector.shape_cast %swap3A_791 : vector<16xi32> to vector<16xi32>
      %swap3A_793 = vector.shape_cast %select_n3A_789 : vector<16xi32> to vector<16xi32>
      tpu.vector_store %arg10[%swap3A_790], %swap3A_793 {strides = array<i32>} : memref<208xi32, #tpu.memory_space<vmem>>, vector<16xi32>,
      %mul3A_794 = arith.constant 200 : i32
      %mul3A_795 = arith.muli %add3A_583, %mul3A_794 : i32
      %add3A_796 = arith.constant 96 : i32
      %add3A_797 = arith.addi %mul3A_795, %add3A_796 : i32
      %get3A_798 = arith.index_cast %add3A_797 : i32 to index
      %get3A_799 = tpu.vector_load %arg8[%get3A_798] {strides = array<i32>} : memref<25616xi32, #tpu.memory_space<vmem>>, vector<16xi32>,
      %get3A_800 = vector.shape_cast %get3A_799 : vector<16xi32> to vector<16xi32>
      %get3A_801 = arith.constant 96 : index
      %get3A_802 = tpu.vector_load %arg13[%get3A_801] {strides = array<i32>} : memref<208xi32, #tpu.memory_space<vmem>>, vector<16xi32>,
      %get3A_803 = vector.shape_cast %get3A_802 : vector<16xi32> to vector<16xi32>
      %add3A_804 = arith.addi %get3A_800, %get3A_803 : vector<16xi32>
      %swap3A_805 = arith.constant 96 : index
      %swap3A_806 = tpu.vector_load %arg12[%swap3A_805] {strides = array<i32>} : memref<208xi32, #tpu.memory_space<vmem>>, vector<16xi32>,
      %swap3A_807 = vector.shape_cast %swap3A_806 : vector<16xi32> to vector<16xi32>
      %swap3A_808 = vector.shape_cast %add3A_804 : vector<16xi32> to vector<16xi32>
      tpu.vector_store %arg12[%swap3A_805], %swap3A_808 {strides = array<i32>} : memref<208xi32, #tpu.memory_space<vmem>>, vector<16xi32>,
      %get3A_809 = arith.index_cast %add3A_797 : i32 to index
      %get3A_810 = tpu.vector_load %arg7[%get3A_809] {strides = array<i32>} : memref<25616xi32, #tpu.memory_space<vmem>>, vector<16xi32>,
      %get3A_811 = vector.shape_cast %get3A_810 : vector<16xi32> to vector<16xi32>
      %ge3A_812 = arith.constant 499712 : i32
      %ge3A_813 = vector.broadcast %ge3A_812 : i32 to vector<16xi32>
      %ge3A_814 = arith.cmpi sge, %get3A_811, %ge3A_813 : vector<16xi32>
      %mul3A_815 = arith.constant 2 : i32
      %mul3A_816 = vector.broadcast %mul3A_815 : i32 to vector<16xi32>
      %mul3A_817 = arith.muli %get3A_811, %mul3A_816 : vector<16xi32>
      %sub3A_818 = arith.constant 999423 : i32
      %sub3A_819 = vector.broadcast %sub3A_818 : i32 to vector<16xi32>
      %sub3A_820 = arith.subi %mul3A_817, %sub3A_819 : vector<16xi32>
      %mul3A_821 = arith.constant 2 : i32
      %mul3A_822 = vector.broadcast %mul3A_821 : i32 to vector<16xi32>
      %mul3A_823 = arith.muli %get3A_811, %mul3A_822 : vector<16xi32>
      %select_n3A_824 = arith.select %ge3A_814, %sub3A_820, %mul3A_823 : vector<16xi1>, vector<16xi32>
      %swap3A_825 = arith.constant 96 : index
      %swap3A_826 = tpu.vector_load %arg10[%swap3A_825] {strides = array<i32>} : memref<208xi32, #tpu.memory_space<vmem>>, vector<16xi32>,
      %swap3A_827 = vector.shape_cast %swap3A_826 : vector<16xi32> to vector<16xi32>
      %swap3A_828 = vector.shape_cast %select_n3A_824 : vector<16xi32> to vector<16xi32>
      tpu.vector_store %arg10[%swap3A_825], %swap3A_828 {strides = array<i32>} : memref<208xi32, #tpu.memory_space<vmem>>, vector<16xi32>,
      %mul3A_829 = arith.constant 200 : i32
      %mul3A_830 = arith.muli %add3A_583, %mul3A_829 : i32
      %add3A_831 = arith.constant 112 : i32
      %add3A_832 = arith.addi %mul3A_830, %add3A_831 : i32
      %get3A_833 = arith.index_cast %add3A_832 : i32 to index
      %get3A_834 = tpu.vector_load %arg8[%get3A_833] {strides = array<i32>} : memref<25616xi32, #tpu.memory_space<vmem>>, vector<16xi32>,
      %get3A_835 = vector.shape_cast %get3A_834 : vector<16xi32> to vector<16xi32>
      %get3A_836 = arith.constant 112 : index
      %get3A_837 = tpu.vector_load %arg13[%get3A_836] {strides = array<i32>} : memref<208xi32, #tpu.memory_space<vmem>>, vector<16xi32>,
      %get3A_838 = vector.shape_cast %get3A_837 : vector<16xi32> to vector<16xi32>
      %add3A_839 = arith.addi %get3A_835, %get3A_838 : vector<16xi32>
      %swap3A_840 = arith.constant 112 : index
      %swap3A_841 = tpu.vector_load %arg12[%swap3A_840] {strides = array<i32>} : memref<208xi32, #tpu.memory_space<vmem>>, vector<16xi32>,
      %swap3A_842 = vector.shape_cast %swap3A_841 : vector<16xi32> to vector<16xi32>
      %swap3A_843 = vector.shape_cast %add3A_839 : vector<16xi32> to vector<16xi32>
      tpu.vector_store %arg12[%swap3A_840], %swap3A_843 {strides = array<i32>} : memref<208xi32, #tpu.memory_space<vmem>>, vector<16xi32>,
      %get3A_844 = arith.index_cast %add3A_832 : i32 to index
      %get3A_845 = tpu.vector_load %arg7[%get3A_844] {strides = array<i32>} : memref<25616xi32, #tpu.memory_space<vmem>>, vector<16xi32>,
      %get3A_846 = vector.shape_cast %get3A_845 : vector<16xi32> to vector<16xi32>
      %ge3A_847 = arith.constant 499712 : i32
      %ge3A_848 = vector.broadcast %ge3A_847 : i32 to vector<16xi32>
      %ge3A_849 = arith.cmpi sge, %get3A_846, %ge3A_848 : vector<16xi32>
      %mul3A_850 = arith.constant 2 : i32
      %mul3A_851 = vector.broadcast %mul3A_850 : i32 to vector<16xi32>
      %mul3A_852 = arith.muli %get3A_846, %mul3A_851 : vector<16xi32>
      %sub3A_853 = arith.constant 999423 : i32
      %sub3A_854 = vector.broadcast %sub3A_853 : i32 to vector<16xi32>
      %sub3A_855 = arith.subi %mul3A_852, %sub3A_854 : vector<16xi32>
      %mul3A_856 = arith.constant 2 : i32
      %mul3A_857 = vector.broadcast %mul3A_856 : i32 to vector<16xi32>
      %mul3A_858 = arith.muli %get3A_846, %mul3A_857 : vector<16xi32>
      %select_n3A_859 = arith.select %ge3A_849, %sub3A_855, %mul3A_858 : vector<16xi1>, vector<16xi32>
      %swap3A_860 = arith.constant 112 : index
      %swap3A_861 = tpu.vector_load %arg10[%swap3A_860] {strides = array<i32>} : memref<208xi32, #tpu.memory_space<vmem>>, vector<16xi32>,
      %swap3A_862 = vector.shape_cast %swap3A_861 : vector<16xi32> to vector<16xi32>
      %swap3A_863 = vector.shape_cast %select_n3A_859 : vector<16xi32> to vector<16xi32>
      tpu.vector_store %arg10[%swap3A_860], %swap3A_863 {strides = array<i32>} : memref<208xi32, #tpu.memory_space<vmem>>, vector<16xi32>,
      %mul3A_864 = arith.constant 200 : i32
      %mul3A_865 = arith.muli %add3A_583, %mul3A_864 : i32
      %add3A_866 = arith.constant 128 : i32
      %add3A_867 = arith.addi %mul3A_865, %add3A_866 : i32
      %get3A_868 = arith.index_cast %add3A_867 : i32 to index
      %get3A_869 = tpu.vector_load %arg8[%get3A_868] {strides = array<i32>} : memref<25616xi32, #tpu.memory_space<vmem>>, vector<16xi32>,
      %get3A_870 = vector.shape_cast %get3A_869 : vector<16xi32> to vector<16xi32>
      %get3A_871 = arith.constant 128 : index
      %get3A_872 = tpu.vector_load %arg13[%get3A_871] {strides = array<i32>} : memref<208xi32, #tpu.memory_space<vmem>>, vector<16xi32>,
      %get3A_873 = vector.shape_cast %get3A_872 : vector<16xi32> to vector<16xi32>
      %add3A_874 = arith.addi %get3A_870, %get3A_873 : vector<16xi32>
      %swap3A_875 = arith.constant 128 : index
      %swap3A_876 = tpu.vector_load %arg12[%swap3A_875] {strides = array<i32>} : memref<208xi32, #tpu.memory_space<vmem>>, vector<16xi32>,
      %swap3A_877 = vector.shape_cast %swap3A_876 : vector<16xi32> to vector<16xi32>
      %swap3A_878 = vector.shape_cast %add3A_874 : vector<16xi32> to vector<16xi32>
      tpu.vector_store %arg12[%swap3A_875], %swap3A_878 {strides = array<i32>} : memref<208xi32, #tpu.memory_space<vmem>>, vector<16xi32>,
      %get3A_879 = arith.index_cast %add3A_867 : i32 to index
      %get3A_880 = tpu.vector_load %arg7[%get3A_879] {strides = array<i32>} : memref<25616xi32, #tpu.memory_space<vmem>>, vector<16xi32>,
      %get3A_881 = vector.shape_cast %get3A_880 : vector<16xi32> to vector<16xi32>
      %ge3A_882 = arith.constant 499712 : i32
      %ge3A_883 = vector.broadcast %ge3A_882 : i32 to vector<16xi32>
      %ge3A_884 = arith.cmpi sge, %get3A_881, %ge3A_883 : vector<16xi32>
      %mul3A_885 = arith.constant 2 : i32
      %mul3A_886 = vector.broadcast %mul3A_885 : i32 to vector<16xi32>
      %mul3A_887 = arith.muli %get3A_881, %mul3A_886 : vector<16xi32>
      %sub3A_888 = arith.constant 999423 : i32
      %sub3A_889 = vector.broadcast %sub3A_888 : i32 to vector<16xi32>
      %sub3A_890 = arith.subi %mul3A_887, %sub3A_889 : vector<16xi32>
      %mul3A_891 = arith.constant 2 : i32
      %mul3A_892 = vector.broadcast %mul3A_891 : i32 to vector<16xi32>
      %mul3A_893 = arith.muli %get3A_881, %mul3A_892 : vector<16xi32>
      %select_n3A_894 = arith.select %ge3A_884, %sub3A_890, %mul3A_893 : vector<16xi1>, vector<16xi32>
      %swap3A_895 = arith.constant 128 : index
      %swap3A_896 = tpu.vector_load %arg10[%swap3A_895] {strides = array<i32>} : memref<208xi32, #tpu.memory_space<vmem>>, vector<16xi32>,
      %swap3A_897 = vector.shape_cast %swap3A_896 : vector<16xi32> to vector<16xi32>
      %swap3A_898 = vector.shape_cast %select_n3A_894 : vector<16xi32> to vector<16xi32>
      tpu.vector_store %arg10[%swap3A_895], %swap3A_898 {strides = array<i32>} : memref<208xi32, #tpu.memory_space<vmem>>, vector<16xi32>,
      %mul3A_899 = arith.constant 200 : i32
      %mul3A_900 = arith.muli %add3A_583, %mul3A_899 : i32
      %add3A_901 = arith.constant 144 : i32
      %add3A_902 = arith.addi %mul3A_900, %add3A_901 : i32
      %get3A_903 = arith.index_cast %add3A_902 : i32 to index
      %get3A_904 = tpu.vector_load %arg8[%get3A_903] {strides = array<i32>} : memref<25616xi32, #tpu.memory_space<vmem>>, vector<16xi32>,
      %get3A_905 = vector.shape_cast %get3A_904 : vector<16xi32> to vector<16xi32>
      %get3A_906 = arith.constant 144 : index
      %get3A_907 = tpu.vector_load %arg13[%get3A_906] {strides = array<i32>} : memref<208xi32, #tpu.memory_space<vmem>>, vector<16xi32>,
      %get3A_908 = vector.shape_cast %get3A_907 : vector<16xi32> to vector<16xi32>
      %add3A_909 = arith.addi %get3A_905, %get3A_908 : vector<16xi32>
      %swap3A_910 = arith.constant 144 : index
      %swap3A_911 = tpu.vector_load %arg12[%swap3A_910] {strides = array<i32>} : memref<208xi32, #tpu.memory_space<vmem>>, vector<16xi32>,
      %swap3A_912 = vector.shape_cast %swap3A_911 : vector<16xi32> to vector<16xi32>
      %swap3A_913 = vector.shape_cast %add3A_909 : vector<16xi32> to vector<16xi32>
      tpu.vector_store %arg12[%swap3A_910], %swap3A_913 {strides = array<i32>} : memref<208xi32, #tpu.memory_space<vmem>>, vector<16xi32>,
      %get3A_914 = arith.index_cast %add3A_902 : i32 to index
      %get3A_915 = tpu.vector_load %arg7[%get3A_914] {strides = array<i32>} : memref<25616xi32, #tpu.memory_space<vmem>>, vector<16xi32>,
      %get3A_916 = vector.shape_cast %get3A_915 : vector<16xi32> to vector<16xi32>
      %ge3A_917 = arith.constant 499712 : i32
      %ge3A_918 = vector.broadcast %ge3A_917 : i32 to vector<16xi32>
      %ge3A_919 = arith.cmpi sge, %get3A_916, %ge3A_918 : vector<16xi32>
      %mul3A_920 = arith.constant 2 : i32
      %mul3A_921 = vector.broadcast %mul3A_920 : i32 to vector<16xi32>
      %mul3A_922 = arith.muli %get3A_916, %mul3A_921 : vector<16xi32>
      %sub3A_923 = arith.constant 999423 : i32
      %sub3A_924 = vector.broadcast %sub3A_923 : i32 to vector<16xi32>
      %sub3A_925 = arith.subi %mul3A_922, %sub3A_924 : vector<16xi32>
      %mul3A_926 = arith.constant 2 : i32
      %mul3A_927 = vector.broadcast %mul3A_926 : i32 to vector<16xi32>
      %mul3A_928 = arith.muli %get3A_916, %mul3A_927 : vector<16xi32>
      %select_n3A_929 = arith.select %ge3A_919, %sub3A_925, %mul3A_928 : vector<16xi1>, vector<16xi32>
      %swap3A_930 = arith.constant 144 : index
      %swap3A_931 = tpu.vector_load %arg10[%swap3A_930] {strides = array<i32>} : memref<208xi32, #tpu.memory_space<vmem>>, vector<16xi32>,
      %swap3A_932 = vector.shape_cast %swap3A_931 : vector<16xi32> to vector<16xi32>
      %swap3A_933 = vector.shape_cast %select_n3A_929 : vector<16xi32> to vector<16xi32>
      tpu.vector_store %arg10[%swap3A_930], %swap3A_933 {strides = array<i32>} : memref<208xi32, #tpu.memory_space<vmem>>, vector<16xi32>,
      %mul3A_934 = arith.constant 200 : i32
      %mul3A_935 = arith.muli %add3A_583, %mul3A_934 : i32
      %add3A_936 = arith.constant 160 : i32
      %add3A_937 = arith.addi %mul3A_935, %add3A_936 : i32
      %get3A_938 = arith.index_cast %add3A_937 : i32 to index
      %get3A_939 = tpu.vector_load %arg8[%get3A_938] {strides = array<i32>} : memref<25616xi32, #tpu.memory_space<vmem>>, vector<16xi32>,
      %get3A_940 = vector.shape_cast %get3A_939 : vector<16xi32> to vector<16xi32>
      %get3A_941 = arith.constant 160 : index
      %get3A_942 = tpu.vector_load %arg13[%get3A_941] {strides = array<i32>} : memref<208xi32, #tpu.memory_space<vmem>>, vector<16xi32>,
      %get3A_943 = vector.shape_cast %get3A_942 : vector<16xi32> to vector<16xi32>
      %add3A_944 = arith.addi %get3A_940, %get3A_943 : vector<16xi32>
      %swap3A_945 = arith.constant 160 : index
      %swap3A_946 = tpu.vector_load %arg12[%swap3A_945] {strides = array<i32>} : memref<208xi32, #tpu.memory_space<vmem>>, vector<16xi32>,
      %swap3A_947 = vector.shape_cast %swap3A_946 : vector<16xi32> to vector<16xi32>
      %swap3A_948 = vector.shape_cast %add3A_944 : vector<16xi32> to vector<16xi32>
      tpu.vector_store %arg12[%swap3A_945], %swap3A_948 {strides = array<i32>} : memref<208xi32, #tpu.memory_space<vmem>>, vector<16xi32>,
      %get3A_949 = arith.index_cast %add3A_937 : i32 to index
      %get3A_950 = tpu.vector_load %arg7[%get3A_949] {strides = array<i32>} : memref<25616xi32, #tpu.memory_space<vmem>>, vector<16xi32>,
      %get3A_951 = vector.shape_cast %get3A_950 : vector<16xi32> to vector<16xi32>
      %ge3A_952 = arith.constant 499712 : i32
      %ge3A_953 = vector.broadcast %ge3A_952 : i32 to vector<16xi32>
      %ge3A_954 = arith.cmpi sge, %get3A_951, %ge3A_953 : vector<16xi32>
      %mul3A_955 = arith.constant 2 : i32
      %mul3A_956 = vector.broadcast %mul3A_955 : i32 to vector<16xi32>
      %mul3A_957 = arith.muli %get3A_951, %mul3A_956 : vector<16xi32>
      %sub3A_958 = arith.constant 999423 : i32
      %sub3A_959 = vector.broadcast %sub3A_958 : i32 to vector<16xi32>
      %sub3A_960 = arith.subi %mul3A_957, %sub3A_959 : vector<16xi32>
      %mul3A_961 = arith.constant 2 : i32
      %mul3A_962 = vector.broadcast %mul3A_961 : i32 to vector<16xi32>
      %mul3A_963 = arith.muli %get3A_951, %mul3A_962 : vector<16xi32>
      %select_n3A_964 = arith.select %ge3A_954, %sub3A_960, %mul3A_963 : vector<16xi1>, vector<16xi32>
      %swap3A_965 = arith.constant 160 : index
      %swap3A_966 = tpu.vector_load %arg10[%swap3A_965] {strides = array<i32>} : memref<208xi32, #tpu.memory_space<vmem>>, vector<16xi32>,
      %swap3A_967 = vector.shape_cast %swap3A_966 : vector<16xi32> to vector<16xi32>
      %swap3A_968 = vector.shape_cast %select_n3A_964 : vector<16xi32> to vector<16xi32>
      tpu.vector_store %arg10[%swap3A_965], %swap3A_968 {strides = array<i32>} : memref<208xi32, #tpu.memory_space<vmem>>, vector<16xi32>,
      %mul3A_969 = arith.constant 200 : i32
      %mul3A_970 = arith.muli %add3A_583, %mul3A_969 : i32
      %add3A_971 = arith.constant 176 : i32
      %add3A_972 = arith.addi %mul3A_970, %add3A_971 : i32
      %get3A_973 = arith.index_cast %add3A_972 : i32 to index
      %get3A_974 = tpu.vector_load %arg8[%get3A_973] {strides = array<i32>} : memref<25616xi32, #tpu.memory_space<vmem>>, vector<16xi32>,
      %get3A_975 = vector.shape_cast %get3A_974 : vector<16xi32> to vector<16xi32>
      %get3A_976 = arith.constant 176 : index
      %get3A_977 = tpu.vector_load %arg13[%get3A_976] {strides = array<i32>} : memref<208xi32, #tpu.memory_space<vmem>>, vector<16xi32>,
      %get3A_978 = vector.shape_cast %get3A_977 : vector<16xi32> to vector<16xi32>
      %add3A_979 = arith.addi %get3A_975, %get3A_978 : vector<16xi32>
      %swap3A_980 = arith.constant 176 : index
      %swap3A_981 = tpu.vector_load %arg12[%swap3A_980] {strides = array<i32>} : memref<208xi32, #tpu.memory_space<vmem>>, vector<16xi32>,
      %swap3A_982 = vector.shape_cast %swap3A_981 : vector<16xi32> to vector<16xi32>
      %swap3A_983 = vector.shape_cast %add3A_979 : vector<16xi32> to vector<16xi32>
      tpu.vector_store %arg12[%swap3A_980], %swap3A_983 {strides = array<i32>} : memref<208xi32, #tpu.memory_space<vmem>>, vector<16xi32>,
      %get3A_984 = arith.index_cast %add3A_972 : i32 to index
      %get3A_985 = tpu.vector_load %arg7[%get3A_984] {strides = array<i32>} : memref<25616xi32, #tpu.memory_space<vmem>>, vector<16xi32>,
      %get3A_986 = vector.shape_cast %get3A_985 : vector<16xi32> to vector<16xi32>
      %ge3A_987 = arith.constant 499712 : i32
      %ge3A_988 = vector.broadcast %ge3A_987 : i32 to vector<16xi32>
      %ge3A_989 = arith.cmpi sge, %get3A_986, %ge3A_988 : vector<16xi32>
      %mul3A_990 = arith.constant 2 : i32
      %mul3A_991 = vector.broadcast %mul3A_990 : i32 to vector<16xi32>
      %mul3A_992 = arith.muli %get3A_986, %mul3A_991 : vector<16xi32>
      %sub3A_993 = arith.constant 999423 : i32
      %sub3A_994 = vector.broadcast %sub3A_993 : i32 to vector<16xi32>
      %sub3A_995 = arith.subi %mul3A_992, %sub3A_994 : vector<16xi32>
      %mul3A_996 = arith.constant 2 : i32
      %mul3A_997 = vector.broadcast %mul3A_996 : i32 to vector<16xi32>
      %mul3A_998 = arith.muli %get3A_986, %mul3A_997 : vector<16xi32>
      %select_n3A_999 = arith.select %ge3A_989, %sub3A_995, %mul3A_998 : vector<16xi1>, vector<16xi32>
      %swap3A_1000 = arith.constant 176 : index
      %swap3A_1001 = tpu.vector_load %arg10[%swap3A_1000] {strides = array<i32>} : memref<208xi32, #tpu.memory_space<vmem>>, vector<16xi32>,
      %swap3A_1002 = vector.shape_cast %swap3A_1001 : vector<16xi32> to vector<16xi32>
      %swap3A_1003 = vector.shape_cast %select_n3A_999 : vector<16xi32> to vector<16xi32>
      tpu.vector_store %arg10[%swap3A_1000], %swap3A_1003 {strides = array<i32>} : memref<208xi32, #tpu.memory_space<vmem>>, vector<16xi32>,
      %mul3A_1004 = arith.constant 200 : i32
      %mul3A_1005 = arith.muli %add3A_583, %mul3A_1004 : i32
      %add3A_1006 = arith.constant 192 : i32
      %add3A_1007 = arith.addi %mul3A_1005, %add3A_1006 : i32
      %get3A_1008 = arith.index_cast %add3A_1007 : i32 to index
      %get3A_1009 = tpu.vector_load %arg8[%get3A_1008] {strides = array<i32>} : memref<25616xi32, #tpu.memory_space<vmem>>, vector<16xi32>,
      %get3A_1010 = vector.shape_cast %get3A_1009 : vector<16xi32> to vector<16xi32>
      %get3A_1011 = arith.constant 192 : index
      %get3A_1012 = tpu.vector_load %arg13[%get3A_1011] {strides = array<i32>} : memref<208xi32, #tpu.memory_space<vmem>>, vector<16xi32>,
      %get3A_1013 = vector.shape_cast %get3A_1012 : vector<16xi32> to vector<16xi32>
      %add3A_1014 = arith.addi %get3A_1010, %get3A_1013 : vector<16xi32>
      %swap3A_1015 = arith.constant 192 : index
      %swap3A_1016 = tpu.vector_load %arg12[%swap3A_1015] {strides = array<i32>} : memref<208xi32, #tpu.memory_space<vmem>>, vector<16xi32>,
      %swap3A_1017 = vector.shape_cast %swap3A_1016 : vector<16xi32> to vector<16xi32>
      %swap3A_1018 = vector.shape_cast %add3A_1014 : vector<16xi32> to vector<16xi32>
      tpu.vector_store %arg12[%swap3A_1015], %swap3A_1018 {strides = array<i32>} : memref<208xi32, #tpu.memory_space<vmem>>, vector<16xi32>,
      %get3A_1019 = arith.index_cast %add3A_1007 : i32 to index
      %get3A_1020 = tpu.vector_load %arg7[%get3A_1019] {strides = array<i32>} : memref<25616xi32, #tpu.memory_space<vmem>>, vector<16xi32>,
      %get3A_1021 = vector.shape_cast %get3A_1020 : vector<16xi32> to vector<16xi32>
      %ge3A_1022 = arith.constant 499712 : i32
      %ge3A_1023 = vector.broadcast %ge3A_1022 : i32 to vector<16xi32>
      %ge3A_1024 = arith.cmpi sge, %get3A_1021, %ge3A_1023 : vector<16xi32>
      %mul3A_1025 = arith.constant 2 : i32
      %mul3A_1026 = vector.broadcast %mul3A_1025 : i32 to vector<16xi32>
      %mul3A_1027 = arith.muli %get3A_1021, %mul3A_1026 : vector<16xi32>
      %sub3A_1028 = arith.constant 999423 : i32
      %sub3A_1029 = vector.broadcast %sub3A_1028 : i32 to vector<16xi32>
      %sub3A_1030 = arith.subi %mul3A_1027, %sub3A_1029 : vector<16xi32>
      %mul3A_1031 = arith.constant 2 : i32
      %mul3A_1032 = vector.broadcast %mul3A_1031 : i32 to vector<16xi32>
      %mul3A_1033 = arith.muli %get3A_1021, %mul3A_1032 : vector<16xi32>
      %select_n3A_1034 = arith.select %ge3A_1024, %sub3A_1030, %mul3A_1033 : vector<16xi1>, vector<16xi32>
      %swap3A_1035 = arith.constant 192 : index
      %swap3A_1036 = tpu.vector_load %arg10[%swap3A_1035] {strides = array<i32>} : memref<208xi32, #tpu.memory_space<vmem>>, vector<16xi32>,
      %swap3A_1037 = vector.shape_cast %swap3A_1036 : vector<16xi32> to vector<16xi32>
      %swap3A_1038 = vector.shape_cast %select_n3A_1034 : vector<16xi32> to vector<16xi32>
      tpu.vector_store %arg10[%swap3A_1035], %swap3A_1038 {strides = array<i32>} : memref<208xi32, #tpu.memory_space<vmem>>, vector<16xi32>,
      %dma_start3A_1039 = arith.constant 0 : i32
      %dma_start3A_1040 = arith.constant 0 : i32
      %dma_start3A_1041 = tpu.memref_slice %arg15[%dma_start3A_1039, %dma_start3A_1040] : memref<200x64xf32, #tpu.memory_space<vmem>> -> memref<128x64xf32, #tpu.memory_space<vmem>>
      %dma_start3A_1042 = arith.constant 0 : i32
      %dma_start3A_1043 = tpu.memref_slice %arg10[%dma_start3A_1042] : memref<208xi32, #tpu.memory_space<vmem>> -> memref<128xi32, #tpu.memory_space<vmem>>
      %dma_start3A_1044 = arith.constant 0 : i32
      %dma_start3A_1045 = arith.constant 0 : i32
      %dma_start3A_1046 = tpu.memref_slice %arg4[%dma_start3A_1044, %dma_start3A_1045] : memref<1000576x64xf32, #tpu.memory_space<hbm>> -> memref<1000576x64xf32, #tpu.memory_space<hbm>>
      tpu.enqueue_indirect_dma source(%dma_start3A_1046 : memref<1000576x64xf32, #tpu.memory_space<hbm>>) target(%dma_start3A_1041 : memref<128x64xf32, #tpu.memory_space<vmem>>) offsets(%dma_start3A_1043 : memref<128xi32, #tpu.memory_space<vmem>>) semaphore(%arg19 : memref<!tpu.dma_semaphore, #tpu.memory_space<semaphore_mem>>)
      %dma_start3A_1047 = arith.constant 0 : i32
      %dma_start3A_1048 = arith.constant 0 : i32
      %dma_start3A_1049 = tpu.memref_slice %arg17[%dma_start3A_1047, %dma_start3A_1048] : memref<200x64xf32, #tpu.memory_space<vmem>> -> memref<128x64xf32, #tpu.memory_space<vmem>>
      %dma_start3A_1050 = arith.constant 0 : i32
      %dma_start3A_1051 = tpu.memref_slice %arg12[%dma_start3A_1050] : memref<208xi32, #tpu.memory_space<vmem>> -> memref<128xi32, #tpu.memory_space<vmem>>
      %dma_start3A_1052 = arith.constant 0 : i32
      %dma_start3A_1053 = arith.constant 0 : i32
      %dma_start3A_1054 = tpu.memref_slice %arg5[%dma_start3A_1052, %dma_start3A_1053] : memref<12800x64xf32, #tpu.memory_space<hbm>> -> memref<12800x64xf32, #tpu.memory_space<hbm>>
      tpu.enqueue_indirect_dma source(%dma_start3A_1054 : memref<12800x64xf32, #tpu.memory_space<hbm>>) target(%dma_start3A_1049 : memref<128x64xf32, #tpu.memory_space<vmem>>) offsets(%dma_start3A_1051 : memref<128xi32, #tpu.memory_space<vmem>>) semaphore(%arg19 : memref<!tpu.dma_semaphore, #tpu.memory_space<semaphore_mem>>)
      %dma_start3A_1055 = arith.constant 128 : i32
      %dma_start3A_1056 = arith.constant 0 : i32
      %dma_start3A_1057 = tpu.memref_slice %arg15[%dma_start3A_1055, %dma_start3A_1056] : memref<200x64xf32, #tpu.memory_space<vmem>> -> memref<72x64xf32, #tpu.memory_space<vmem>>
      %dma_start3A_1058 = arith.constant 128 : i32
      %dma_start3A_1059 = tpu.memref_slice %arg10[%dma_start3A_1058] : memref<208xi32, #tpu.memory_space<vmem>> -> memref<72xi32, #tpu.memory_space<vmem>>
      %dma_start3A_1060 = arith.constant 0 : i32
      %dma_start3A_1061 = arith.constant 0 : i32
      %dma_start3A_1062 = tpu.memref_slice %arg4[%dma_start3A_1060, %dma_start3A_1061] : memref<1000576x64xf32, #tpu.memory_space<hbm>> -> memref<1000576x64xf32, #tpu.memory_space<hbm>>
      tpu.enqueue_indirect_dma source(%dma_start3A_1062 : memref<1000576x64xf32, #tpu.memory_space<hbm>>) target(%dma_start3A_1057 : memref<72x64xf32, #tpu.memory_space<vmem>>) offsets(%dma_start3A_1059 : memref<72xi32, #tpu.memory_space<vmem>>) semaphore(%arg19 : memref<!tpu.dma_semaphore, #tpu.memory_space<semaphore_mem>>)
      %dma_start3A_1063 = arith.constant 128 : i32
      %dma_start3A_1064 = arith.constant 0 : i32
      %dma_start3A_1065 = tpu.memref_slice %arg17[%dma_start3A_1063, %dma_start3A_1064] : memref<200x64xf32, #tpu.memory_space<vmem>> -> memref<72x64xf32, #tpu.memory_space<vmem>>
      %dma_start3A_1066 = arith.constant 128 : i32
      %dma_start3A_1067 = tpu.memref_slice %arg12[%dma_start3A_1066] : memref<208xi32, #tpu.memory_space<vmem>> -> memref<72xi32, #tpu.memory_space<vmem>>
      %dma_start3A_1068 = arith.constant 0 : i32
      %dma_start3A_1069 = arith.constant 0 : i32
      %dma_start3A_1070 = tpu.memref_slice %arg5[%dma_start3A_1068, %dma_start3A_1069] : memref<12800x64xf32, #tpu.memory_space<hbm>> -> memref<12800x64xf32, #tpu.memory_space<hbm>>
      tpu.enqueue_indirect_dma source(%dma_start3A_1070 : memref<12800x64xf32, #tpu.memory_space<hbm>>) target(%dma_start3A_1065 : memref<72x64xf32, #tpu.memory_space<vmem>>) offsets(%dma_start3A_1067 : memref<72xi32, #tpu.memory_space<vmem>>) semaphore(%arg19 : memref<!tpu.dma_semaphore, #tpu.memory_space<semaphore_mem>>)
      %dma_wait3A = arith.constant 0 : i32
      %dma_wait3A_1071 = arith.constant 0 : i32
      %dma_wait3A_1072 = tpu.memref_slice %arg14[%dma_wait3A, %dma_wait3A_1071] : memref<200x64xf32, #tpu.memory_space<vmem>> -> memref<128x64xf32, #tpu.memory_space<vmem>>
      %dma_wait3A_1073 = arith.constant 0 : i32
      %dma_wait3A_1074 = tpu.memref_slice %arg9[%dma_wait3A_1073] : memref<208xi32, #tpu.memory_space<vmem>> -> memref<128xi32, #tpu.memory_space<vmem>>
      %dma_wait3A_1075 = arith.constant 0 : i32
      %dma_wait3A_1076 = arith.constant 0 : i32
      %dma_wait3A_1077 = tpu.memref_slice %arg4[%dma_wait3A_1075, %dma_wait3A_1076] : memref<1000576x64xf32, #tpu.memory_space<hbm>> -> memref<1000576x64xf32, #tpu.memory_space<hbm>>
      tpu.wait_indirect_dma semaphore(%arg18 : memref<!tpu.dma_semaphore, #tpu.memory_space<semaphore_mem>>) src(%dma_wait3A_1077 : memref<1000576x64xf32, #tpu.memory_space<hbm>>) dst(%dma_wait3A_1072 : memref<128x64xf32, #tpu.memory_space<vmem>>)
      %dma_wait3A_1078 = arith.constant 0 : i32
      %dma_wait3A_1079 = arith.constant 0 : i32
      %dma_wait3A_1080 = tpu.memref_slice %arg16[%dma_wait3A_1078, %dma_wait3A_1079] : memref<200x64xf32, #tpu.memory_space<vmem>> -> memref<128x64xf32, #tpu.memory_space<vmem>>
      %dma_wait3A_1081 = arith.constant 0 : i32
      %dma_wait3A_1082 = tpu.memref_slice %arg11[%dma_wait3A_1081] : memref<208xi32, #tpu.memory_space<vmem>> -> memref<128xi32, #tpu.memory_space<vmem>>
      %dma_wait3A_1083 = arith.constant 0 : i32
      %dma_wait3A_1084 = arith.constant 0 : i32
      %dma_wait3A_1085 = tpu.memref_slice %arg5[%dma_wait3A_1083, %dma_wait3A_1084] : memref<12800x64xf32, #tpu.memory_space<hbm>> -> memref<12800x64xf32, #tpu.memory_space<hbm>>
      tpu.wait_indirect_dma semaphore(%arg18 : memref<!tpu.dma_semaphore, #tpu.memory_space<semaphore_mem>>) src(%dma_wait3A_1085 : memref<12800x64xf32, #tpu.memory_space<hbm>>) dst(%dma_wait3A_1080 : memref<128x64xf32, #tpu.memory_space<vmem>>)
      %dma_wait3A_1086 = arith.constant 128 : i32
      %dma_wait3A_1087 = arith.constant 0 : i32
      %dma_wait3A_1088 = tpu.memref_slice %arg14[%dma_wait3A_1086, %dma_wait3A_1087] : memref<200x64xf32, #tpu.memory_space<vmem>> -> memref<72x64xf32, #tpu.memory_space<vmem>>
      %dma_wait3A_1089 = arith.constant 128 : i32
      %dma_wait3A_1090 = tpu.memref_slice %arg9[%dma_wait3A_1089] : memref<208xi32, #tpu.memory_space<vmem>> -> memref<72xi32, #tpu.memory_space<vmem>>
      %dma_wait3A_1091 = arith.constant 0 : i32
      %dma_wait3A_1092 = arith.constant 0 : i32
      %dma_wait3A_1093 = tpu.memref_slice %arg4[%dma_wait3A_1091, %dma_wait3A_1092] : memref<1000576x64xf32, #tpu.memory_space<hbm>> -> memref<1000576x64xf32, #tpu.memory_space<hbm>>
      tpu.wait_indirect_dma semaphore(%arg18 : memref<!tpu.dma_semaphore, #tpu.memory_space<semaphore_mem>>) src(%dma_wait3A_1093 : memref<1000576x64xf32, #tpu.memory_space<hbm>>) dst(%dma_wait3A_1088 : memref<72x64xf32, #tpu.memory_space<vmem>>)
      %dma_wait3A_1094 = arith.constant 128 : i32
      %dma_wait3A_1095 = arith.constant 0 : i32
      %dma_wait3A_1096 = tpu.memref_slice %arg16[%dma_wait3A_1094, %dma_wait3A_1095] : memref<200x64xf32, #tpu.memory_space<vmem>> -> memref<72x64xf32, #tpu.memory_space<vmem>>
      %dma_wait3A_1097 = arith.constant 128 : i32
      %dma_wait3A_1098 = tpu.memref_slice %arg11[%dma_wait3A_1097] : memref<208xi32, #tpu.memory_space<vmem>> -> memref<72xi32, #tpu.memory_space<vmem>>
      %dma_wait3A_1099 = arith.constant 0 : i32
      %dma_wait3A_1100 = arith.constant 0 : i32
      %dma_wait3A_1101 = tpu.memref_slice %arg5[%dma_wait3A_1099, %dma_wait3A_1100] : memref<12800x64xf32, #tpu.memory_space<hbm>> -> memref<12800x64xf32, #tpu.memory_space<hbm>>
      tpu.wait_indirect_dma semaphore(%arg18 : memref<!tpu.dma_semaphore, #tpu.memory_space<semaphore_mem>>) src(%dma_wait3A_1101 : memref<12800x64xf32, #tpu.memory_space<hbm>>) dst(%dma_wait3A_1096 : memref<72x64xf32, #tpu.memory_space<vmem>>)
      %scan3A_1102 = arith.constant 0 : i32
      %scan3A_1103 = arith.constant 0 : i32
      %scan3A_1104 = arith.constant 200 : i32
      %scan3A_1105 = arith.addi %scan3A_1103, %scan3A_1104 : i32
      %scan3A_1106 = arith.constant 1 : i32
      scf.for %scan3A_1196 = %scan3A_1103 to %scan3A_1105 step %scan3A_1106  : i32 {
        %get3A_1197 = arith.index_cast %scan3A_1196 : i32 to index
        %get3A_1198 = arith.constant 0 : index
        %get3A_1199 = tpu.vector_load %arg14[%get3A_1197, %get3A_1198] {strides = array<i32>} : memref<200x64xf32, #tpu.memory_space<vmem>>, vector<1x16xf32>,
        %get3A_1200 = vector.shape_cast %get3A_1199 : vector<1x16xf32> to vector<16xf32>
        %get3A_1201 = arith.index_cast %scan3A_1196 : i32 to index
        %get3A_1202 = arith.constant 0 : index
        %get3A_1203 = tpu.vector_load %arg16[%get3A_1201, %get3A_1202] {strides = array<i32>} : memref<200x64xf32, #tpu.memory_space<vmem>>, vector<1x16xf32>,
        %get3A_1204 = vector.shape_cast %get3A_1203 : vector<1x16xf32> to vector<16xf32>
        %add3A_1205 = arith.addf %get3A_1200, %get3A_1204 : vector<16xf32>
        %swap3A_1206 = arith.index_cast %scan3A_1196 : i32 to index
        %swap3A_1207 = arith.constant 0 : index
        %swap3A_1208 = tpu.vector_load %arg14[%swap3A_1206, %swap3A_1207] {strides = array<i32>} : memref<200x64xf32, #tpu.memory_space<vmem>>, vector<1x16xf32>,
        %swap3A_1209 = vector.shape_cast %swap3A_1208 : vector<1x16xf32> to vector<16xf32>
        %swap3A_1210 = vector.shape_cast %add3A_1205 : vector<16xf32> to vector<1x16xf32>
        tpu.vector_store %arg14[%swap3A_1206, %swap3A_1207], %swap3A_1210 {strides = array<i32>} : memref<200x64xf32, #tpu.memory_space<vmem>>, vector<1x16xf32>,
        %get3A_1211 = arith.index_cast %scan3A_1196 : i32 to index
        %get3A_1212 = arith.constant 16 : index
        %get3A_1213 = tpu.vector_load %arg14[%get3A_1211, %get3A_1212] {strides = array<i32>} : memref<200x64xf32, #tpu.memory_space<vmem>>, vector<1x16xf32>,
        %get3A_1214 = vector.shape_cast %get3A_1213 : vector<1x16xf32> to vector<16xf32>
        %get3A_1215 = arith.index_cast %scan3A_1196 : i32 to index
        %get3A_1216 = arith.constant 16 : index
        %get3A_1217 = tpu.vector_load %arg16[%get3A_1215, %get3A_1216] {strides = array<i32>} : memref<200x64xf32, #tpu.memory_space<vmem>>, vector<1x16xf32>,
        %get3A_1218 = vector.shape_cast %get3A_1217 : vector<1x16xf32> to vector<16xf32>
        %add3A_1219 = arith.addf %get3A_1214, %get3A_1218 : vector<16xf32>
        %swap3A_1220 = arith.index_cast %scan3A_1196 : i32 to index
        %swap3A_1221 = arith.constant 16 : index
        %swap3A_1222 = tpu.vector_load %arg14[%swap3A_1220, %swap3A_1221] {strides = array<i32>} : memref<200x64xf32, #tpu.memory_space<vmem>>, vector<1x16xf32>,
        %swap3A_1223 = vector.shape_cast %swap3A_1222 : vector<1x16xf32> to vector<16xf32>
        %swap3A_1224 = vector.shape_cast %add3A_1219 : vector<16xf32> to vector<1x16xf32>
        tpu.vector_store %arg14[%swap3A_1220, %swap3A_1221], %swap3A_1224 {strides = array<i32>} : memref<200x64xf32, #tpu.memory_space<vmem>>, vector<1x16xf32>,
        %get3A_1225 = arith.index_cast %scan3A_1196 : i32 to index
        %get3A_1226 = arith.constant 32 : index
        %get3A_1227 = tpu.vector_load %arg14[%get3A_1225, %get3A_1226] {strides = array<i32>} : memref<200x64xf32, #tpu.memory_space<vmem>>, vector<1x16xf32>,
        %get3A_1228 = vector.shape_cast %get3A_1227 : vector<1x16xf32> to vector<16xf32>
        %get3A_1229 = arith.index_cast %scan3A_1196 : i32 to index
        %get3A_1230 = arith.constant 32 : index
        %get3A_1231 = tpu.vector_load %arg16[%get3A_1229, %get3A_1230] {strides = array<i32>} : memref<200x64xf32, #tpu.memory_space<vmem>>, vector<1x16xf32>,
        %get3A_1232 = vector.shape_cast %get3A_1231 : vector<1x16xf32> to vector<16xf32>
        %add3A_1233 = arith.addf %get3A_1228, %get3A_1232 : vector<16xf32>
        %swap3A_1234 = arith.index_cast %scan3A_1196 : i32 to index
        %swap3A_1235 = arith.constant 32 : index
        %swap3A_1236 = tpu.vector_load %arg14[%swap3A_1234, %swap3A_1235] {strides = array<i32>} : memref<200x64xf32, #tpu.memory_space<vmem>>, vector<1x16xf32>,
        %swap3A_1237 = vector.shape_cast %swap3A_1236 : vector<1x16xf32> to vector<16xf32>
        %swap3A_1238 = vector.shape_cast %add3A_1233 : vector<16xf32> to vector<1x16xf32>
        tpu.vector_store %arg14[%swap3A_1234, %swap3A_1235], %swap3A_1238 {strides = array<i32>} : memref<200x64xf32, #tpu.memory_space<vmem>>, vector<1x16xf32>,
        %get3A_1239 = arith.index_cast %scan3A_1196 : i32 to index
        %get3A_1240 = arith.constant 48 : index
        %get3A_1241 = tpu.vector_load %arg14[%get3A_1239, %get3A_1240] {strides = array<i32>} : memref<200x64xf32, #tpu.memory_space<vmem>>, vector<1x16xf32>,
        %get3A_1242 = vector.shape_cast %get3A_1241 : vector<1x16xf32> to vector<16xf32>
        %get3A_1243 = arith.index_cast %scan3A_1196 : i32 to index
        %get3A_1244 = arith.constant 48 : index
        %get3A_1245 = tpu.vector_load %arg16[%get3A_1243, %get3A_1244] {strides = array<i32>} : memref<200x64xf32, #tpu.memory_space<vmem>>, vector<1x16xf32>,
        %get3A_1246 = vector.shape_cast %get3A_1245 : vector<1x16xf32> to vector<16xf32>
        %add3A_1247 = arith.addf %get3A_1242, %get3A_1246 : vector<16xf32>
        %swap3A_1248 = arith.index_cast %scan3A_1196 : i32 to index
        %swap3A_1249 = arith.constant 48 : index
        %swap3A_1250 = tpu.vector_load %arg14[%swap3A_1248, %swap3A_1249] {strides = array<i32>} : memref<200x64xf32, #tpu.memory_space<vmem>>, vector<1x16xf32>,
        %swap3A_1251 = vector.shape_cast %swap3A_1250 : vector<1x16xf32> to vector<16xf32>
        %swap3A_1252 = vector.shape_cast %add3A_1247 : vector<16xf32> to vector<1x16xf32>
        tpu.vector_store %arg14[%swap3A_1248, %swap3A_1249], %swap3A_1252 {strides = array<i32>} : memref<200x64xf32, #tpu.memory_space<vmem>>, vector<1x16xf32>,
      }
      %scan3A_1107 = arith.constant 200 : i32
      %jit3A = arith.constant 200 : i32
      %div3A = arith.divsi %mul3A_2, %jit3A : i32
      %sign3A = arith.constant 0 : i32
      %sign3A_1108 = arith.cmpi sgt, %mul3A_2, %sign3A : i32
      %sign3A_1109 = arith.extui %sign3A_1108 : i1 to i32
      %sign3A_1110 = arith.constant 0 : i32
      %sign3A_1111 = arith.cmpi slt, %mul3A_2, %sign3A_1110 : i32
      %sign3A_1112 = arith.extui %sign3A_1111 : i1 to i32
      %sign3A_1113 = arith.subi %sign3A_1109, %sign3A_1112 : i32
      %sign3A_1114 = arith.constant 0 : i32
      %sign3A_1115 = arith.cmpi sgt, %jit3A, %sign3A_1114 : i32
      %sign3A_1116 = arith.extui %sign3A_1115 : i1 to i32
      %sign3A_1117 = arith.constant 0 : i32
      %sign3A_1118 = arith.cmpi slt, %jit3A, %sign3A_1117 : i32
      %sign3A_1119 = arith.extui %sign3A_1118 : i1 to i32
      %sign3A_1120 = arith.subi %sign3A_1116, %sign3A_1119 : i32
      %ne3A = arith.cmpi ne, %sign3A_1113, %sign3A_1120 : i32
      %rem3A = arith.remsi %mul3A_2, %jit3A : i32
      %ne3A_1121 = arith.constant 0 : i32
      %ne3A_1122 = arith.cmpi ne, %rem3A, %ne3A_1121 : i32
      %and3A = arith.andi %ne3A, %ne3A_1122 : i1
      %sub3A_1123 = arith.constant 1 : i32
      %sub3A_1124 = arith.subi %div3A, %sub3A_1123 : i32
      %select_n3A_1125 = arith.select %and3A, %sub3A_1124, %div3A : i32
      %add3A_1126 = arith.addi %select_n3A_1125, %mul3A_581 : i32
      "tpu.region"() ({
        %run_scoped3A = tpu.sem_alloc : memref<!tpu.dma_semaphore, #tpu.memory_space<semaphore_mem>>
        %dma_start3A_1196 = arith.constant 0 : i32
        %dma_start3A_1197 = arith.constant 0 : i32
        %dma_start3A_1198 = tpu.memref_slice %arg6[%add3A_1126, %dma_start3A_1196, %dma_start3A_1197] : memref<4096x200x64xf32, #tpu.memory_space<hbm>> -> memref<1x200x64xf32, #tpu.memory_space<hbm>>
        %dma_start3A_1199 = tpu.memref_squeeze %dma_start3A_1198 : memref<1x200x64xf32, #tpu.memory_space<hbm>> -> memref<200x64xf32, #tpu.memory_space<hbm>>
        %dma_start3A_1200 = arith.constant 0 : i32
        %dma_start3A_1201 = arith.constant 0 : i32
        %dma_start3A_1202 = tpu.memref_slice %arg6[%add3A_1126, %dma_start3A_1200, %dma_start3A_1201] : memref<4096x200x64xf32, #tpu.memory_space<hbm>> -> memref<1x200x64xf32, #tpu.memory_space<hbm>>
        %dma_start3A_1203 = tpu.memref_squeeze %dma_start3A_1202 : memref<1x200x64xf32, #tpu.memory_space<hbm>> -> memref<200x64xf32, #tpu.memory_space<hbm>>
        tpu.enqueue_dma source(%arg14 : memref<200x64xf32, #tpu.memory_space<vmem>>) target(%dma_start3A_1203 : memref<200x64xf32, #tpu.memory_space<hbm>>) target_semaphore(%run_scoped3A : memref<!tpu.dma_semaphore, #tpu.memory_space<semaphore_mem>>)
        %dma_wait3A_1204 = arith.constant 0 : i32
        %dma_wait3A_1205 = arith.constant 0 : i32
        %dma_wait3A_1206 = tpu.memref_slice %arg6[%add3A_1126, %dma_wait3A_1204, %dma_wait3A_1205] : memref<4096x200x64xf32, #tpu.memory_space<hbm>> -> memref<1x200x64xf32, #tpu.memory_space<hbm>>
        %dma_wait3A_1207 = tpu.memref_squeeze %dma_wait3A_1206 : memref<1x200x64xf32, #tpu.memory_space<hbm>> -> memref<200x64xf32, #tpu.memory_space<hbm>>
        %dma_wait3A_1208 = arith.constant 0 : i32
        %dma_wait3A_1209 = arith.constant 0 : i32
        %dma_wait3A_1210 = tpu.memref_slice %arg6[%add3A_1126, %dma_wait3A_1208, %dma_wait3A_1209] : memref<4096x200x64xf32, #tpu.memory_space<hbm>> -> memref<1x200x64xf32, #tpu.memory_space<hbm>>
        %dma_wait3A_1211 = tpu.memref_squeeze %dma_wait3A_1210 : memref<1x200x64xf32, #tpu.memory_space<hbm>> -> memref<200x64xf32, #tpu.memory_space<hbm>>
        tpu.wait_dma2 semaphore(%run_scoped3A : memref<!tpu.dma_semaphore, #tpu.memory_space<semaphore_mem>>) src(%arg14 : memref<200x64xf32, #tpu.memory_space<vmem>>) dst(%dma_wait3A_1211 : memref<200x64xf32, #tpu.memory_space<hbm>>)
        tpu.yield
      }) : () -> ()
      %add3A_1127 = arith.constant 2 : i32
      %add3A_1128 = arith.addi %mul3A_581, %add3A_1127 : i32
      %lt3A = arith.constant 128 : i32
      %lt3A_1129 = arith.cmpi slt, %add3A_1128, %lt3A : i32
      %convert_element_type3A = arith.extui %lt3A_1129 : i1 to i32
      %cond3A = arith.constant 0 : i32
      %cond3A_1130 = arith.cmpi ne, %convert_element_type3A, %cond3A : i32
      scf.if %cond3A_1130 {
        %add3A_1196 = arith.constant 2 : i32
        %add3A_1197 = arith.addi %mul3A_581, %add3A_1196 : i32
        %mul3A_1198 = arith.constant 200 : i32
        %mul3A_1199 = arith.muli %add3A_1197, %mul3A_1198 : i32
        %add3A_1200 = arith.constant 0 : i32
        %add3A_1201 = arith.addi %mul3A_1199, %add3A_1200 : i32
        %get3A_1202 = arith.index_cast %add3A_1201 : i32 to index
        %get3A_1203 = tpu.vector_load %arg8[%get3A_1202] {strides = array<i32>} : memref<25616xi32, #tpu.memory_space<vmem>>, vector<16xi32>,
        %get3A_1204 = vector.shape_cast %get3A_1203 : vector<16xi32> to vector<16xi32>
        %get3A_1205 = arith.constant 0 : index
        %get3A_1206 = tpu.vector_load %arg13[%get3A_1205] {strides = array<i32>} : memref<208xi32, #tpu.memory_space<vmem>>, vector<16xi32>,
        %get3A_1207 = vector.shape_cast %get3A_1206 : vector<16xi32> to vector<16xi32>
        %add3A_1208 = arith.addi %get3A_1204, %get3A_1207 : vector<16xi32>
        %swap3A_1209 = arith.constant 0 : index
        %swap3A_1210 = tpu.vector_load %arg11[%swap3A_1209] {strides = array<i32>} : memref<208xi32, #tpu.memory_space<vmem>>, vector<16xi32>,
        %swap3A_1211 = vector.shape_cast %swap3A_1210 : vector<16xi32> to vector<16xi32>
        %swap3A_1212 = vector.shape_cast %add3A_1208 : vector<16xi32> to vector<16xi32>
        tpu.vector_store %arg11[%swap3A_1209], %swap3A_1212 {strides = array<i32>} : memref<208xi32, #tpu.memory_space<vmem>>, vector<16xi32>,
        %get3A_1213 = arith.index_cast %add3A_1201 : i32 to index
        %get3A_1214 = tpu.vector_load %arg7[%get3A_1213] {strides = array<i32>} : memref<25616xi32, #tpu.memory_space<vmem>>, vector<16xi32>,
        %get3A_1215 = vector.shape_cast %get3A_1214 : vector<16xi32> to vector<16xi32>
        %ge3A_1216 = arith.constant 499712 : i32
        %ge3A_1217 = vector.broadcast %ge3A_1216 : i32 to vector<16xi32>
        %ge3A_1218 = arith.cmpi sge, %get3A_1215, %ge3A_1217 : vector<16xi32>
        %mul3A_1219 = arith.constant 2 : i32
        %mul3A_1220 = vector.broadcast %mul3A_1219 : i32 to vector<16xi32>
        %mul3A_1221 = arith.muli %get3A_1215, %mul3A_1220 : vector<16xi32>
        %sub3A_1222 = arith.constant 999423 : i32
        %sub3A_1223 = vector.broadcast %sub3A_1222 : i32 to vector<16xi32>
        %sub3A_1224 = arith.subi %mul3A_1221, %sub3A_1223 : vector<16xi32>
        %mul3A_1225 = arith.constant 2 : i32
        %mul3A_1226 = vector.broadcast %mul3A_1225 : i32 to vector<16xi32>
        %mul3A_1227 = arith.muli %get3A_1215, %mul3A_1226 : vector<16xi32>
        %select_n3A_1228 = arith.select %ge3A_1218, %sub3A_1224, %mul3A_1227 : vector<16xi1>, vector<16xi32>
        %swap3A_1229 = arith.constant 0 : index
        %swap3A_1230 = tpu.vector_load %arg9[%swap3A_1229] {strides = array<i32>} : memref<208xi32, #tpu.memory_space<vmem>>, vector<16xi32>,
        %swap3A_1231 = vector.shape_cast %swap3A_1230 : vector<16xi32> to vector<16xi32>
        %swap3A_1232 = vector.shape_cast %select_n3A_1228 : vector<16xi32> to vector<16xi32>
        tpu.vector_store %arg9[%swap3A_1229], %swap3A_1232 {strides = array<i32>} : memref<208xi32, #tpu.memory_space<vmem>>, vector<16xi32>,
        %mul3A_1233 = arith.constant 200 : i32
        %mul3A_1234 = arith.muli %add3A_1197, %mul3A_1233 : i32
        %add3A_1235 = arith.constant 16 : i32
        %add3A_1236 = arith.addi %mul3A_1234, %add3A_1235 : i32
        %get3A_1237 = arith.index_cast %add3A_1236 : i32 to index
        %get3A_1238 = tpu.vector_load %arg8[%get3A_1237] {strides = array<i32>} : memref<25616xi32, #tpu.memory_space<vmem>>, vector<16xi32>,
        %get3A_1239 = vector.shape_cast %get3A_1238 : vector<16xi32> to vector<16xi32>
        %get3A_1240 = arith.constant 16 : index
        %get3A_1241 = tpu.vector_load %arg13[%get3A_1240] {strides = array<i32>} : memref<208xi32, #tpu.memory_space<vmem>>, vector<16xi32>,
        %get3A_1242 = vector.shape_cast %get3A_1241 : vector<16xi32> to vector<16xi32>
        %add3A_1243 = arith.addi %get3A_1239, %get3A_1242 : vector<16xi32>
        %swap3A_1244 = arith.constant 16 : index
        %swap3A_1245 = tpu.vector_load %arg11[%swap3A_1244] {strides = array<i32>} : memref<208xi32, #tpu.memory_space<vmem>>, vector<16xi32>,
        %swap3A_1246 = vector.shape_cast %swap3A_1245 : vector<16xi32> to vector<16xi32>
        %swap3A_1247 = vector.shape_cast %add3A_1243 : vector<16xi32> to vector<16xi32>
        tpu.vector_store %arg11[%swap3A_1244], %swap3A_1247 {strides = array<i32>} : memref<208xi32, #tpu.memory_space<vmem>>, vector<16xi32>,
        %get3A_1248 = arith.index_cast %add3A_1236 : i32 to index
        %get3A_1249 = tpu.vector_load %arg7[%get3A_1248] {strides = array<i32>} : memref<25616xi32, #tpu.memory_space<vmem>>, vector<16xi32>,
        %get3A_1250 = vector.shape_cast %get3A_1249 : vector<16xi32> to vector<16xi32>
        %ge3A_1251 = arith.constant 499712 : i32
        %ge3A_1252 = vector.broadcast %ge3A_1251 : i32 to vector<16xi32>
        %ge3A_1253 = arith.cmpi sge, %get3A_1250, %ge3A_1252 : vector<16xi32>
        %mul3A_1254 = arith.constant 2 : i32
        %mul3A_1255 = vector.broadcast %mul3A_1254 : i32 to vector<16xi32>
        %mul3A_1256 = arith.muli %get3A_1250, %mul3A_1255 : vector<16xi32>
        %sub3A_1257 = arith.constant 999423 : i32
        %sub3A_1258 = vector.broadcast %sub3A_1257 : i32 to vector<16xi32>
        %sub3A_1259 = arith.subi %mul3A_1256, %sub3A_1258 : vector<16xi32>
        %mul3A_1260 = arith.constant 2 : i32
        %mul3A_1261 = vector.broadcast %mul3A_1260 : i32 to vector<16xi32>
        %mul3A_1262 = arith.muli %get3A_1250, %mul3A_1261 : vector<16xi32>
        %select_n3A_1263 = arith.select %ge3A_1253, %sub3A_1259, %mul3A_1262 : vector<16xi1>, vector<16xi32>
        %swap3A_1264 = arith.constant 16 : index
        %swap3A_1265 = tpu.vector_load %arg9[%swap3A_1264] {strides = array<i32>} : memref<208xi32, #tpu.memory_space<vmem>>, vector<16xi32>,
        %swap3A_1266 = vector.shape_cast %swap3A_1265 : vector<16xi32> to vector<16xi32>
        %swap3A_1267 = vector.shape_cast %select_n3A_1263 : vector<16xi32> to vector<16xi32>
        tpu.vector_store %arg9[%swap3A_1264], %swap3A_1267 {strides = array<i32>} : memref<208xi32, #tpu.memory_space<vmem>>, vector<16xi32>,
        %mul3A_1268 = arith.constant 200 : i32
        %mul3A_1269 = arith.muli %add3A_1197, %mul3A_1268 : i32
        %add3A_1270 = arith.constant 32 : i32
        %add3A_1271 = arith.addi %mul3A_1269, %add3A_1270 : i32
        %get3A_1272 = arith.index_cast %add3A_1271 : i32 to index
        %get3A_1273 = tpu.vector_load %arg8[%get3A_1272] {strides = array<i32>} : memref<25616xi32, #tpu.memory_space<vmem>>, vector<16xi32>,
        %get3A_1274 = vector.shape_cast %get3A_1273 : vector<16xi32> to vector<16xi32>
        %get3A_1275 = arith.constant 32 : index
        %get3A_1276 = tpu.vector_load %arg13[%get3A_1275] {strides = array<i32>} : memref<208xi32, #tpu.memory_space<vmem>>, vector<16xi32>,
        %get3A_1277 = vector.shape_cast %get3A_1276 : vector<16xi32> to vector<16xi32>
        %add3A_1278 = arith.addi %get3A_1274, %get3A_1277 : vector<16xi32>
        %swap3A_1279 = arith.constant 32 : index
        %swap3A_1280 = tpu.vector_load %arg11[%swap3A_1279] {strides = array<i32>} : memref<208xi32, #tpu.memory_space<vmem>>, vector<16xi32>,
        %swap3A_1281 = vector.shape_cast %swap3A_1280 : vector<16xi32> to vector<16xi32>
        %swap3A_1282 = vector.shape_cast %add3A_1278 : vector<16xi32> to vector<16xi32>
        tpu.vector_store %arg11[%swap3A_1279], %swap3A_1282 {strides = array<i32>} : memref<208xi32, #tpu.memory_space<vmem>>, vector<16xi32>,
        %get3A_1283 = arith.index_cast %add3A_1271 : i32 to index
        %get3A_1284 = tpu.vector_load %arg7[%get3A_1283] {strides = array<i32>} : memref<25616xi32, #tpu.memory_space<vmem>>, vector<16xi32>,
        %get3A_1285 = vector.shape_cast %get3A_1284 : vector<16xi32> to vector<16xi32>
        %ge3A_1286 = arith.constant 499712 : i32
        %ge3A_1287 = vector.broadcast %ge3A_1286 : i32 to vector<16xi32>
        %ge3A_1288 = arith.cmpi sge, %get3A_1285, %ge3A_1287 : vector<16xi32>
        %mul3A_1289 = arith.constant 2 : i32
        %mul3A_1290 = vector.broadcast %mul3A_1289 : i32 to vector<16xi32>
        %mul3A_1291 = arith.muli %get3A_1285, %mul3A_1290 : vector<16xi32>
        %sub3A_1292 = arith.constant 999423 : i32
        %sub3A_1293 = vector.broadcast %sub3A_1292 : i32 to vector<16xi32>
        %sub3A_1294 = arith.subi %mul3A_1291, %sub3A_1293 : vector<16xi32>
        %mul3A_1295 = arith.constant 2 : i32
        %mul3A_1296 = vector.broadcast %mul3A_1295 : i32 to vector<16xi32>
        %mul3A_1297 = arith.muli %get3A_1285, %mul3A_1296 : vector<16xi32>
        %select_n3A_1298 = arith.select %ge3A_1288, %sub3A_1294, %mul3A_1297 : vector<16xi1>, vector<16xi32>
        %swap3A_1299 = arith.constant 32 : index
        %swap3A_1300 = tpu.vector_load %arg9[%swap3A_1299] {strides = array<i32>} : memref<208xi32, #tpu.memory_space<vmem>>, vector<16xi32>,
        %swap3A_1301 = vector.shape_cast %swap3A_1300 : vector<16xi32> to vector<16xi32>
        %swap3A_1302 = vector.shape_cast %select_n3A_1298 : vector<16xi32> to vector<16xi32>
        tpu.vector_store %arg9[%swap3A_1299], %swap3A_1302 {strides = array<i32>} : memref<208xi32, #tpu.memory_space<vmem>>, vector<16xi32>,
        %mul3A_1303 = arith.constant 200 : i32
        %mul3A_1304 = arith.muli %add3A_1197, %mul3A_1303 : i32
        %add3A_1305 = arith.constant 48 : i32
        %add3A_1306 = arith.addi %mul3A_1304, %add3A_1305 : i32
        %get3A_1307 = arith.index_cast %add3A_1306 : i32 to index
        %get3A_1308 = tpu.vector_load %arg8[%get3A_1307] {strides = array<i32>} : memref<25616xi32, #tpu.memory_space<vmem>>, vector<16xi32>,
        %get3A_1309 = vector.shape_cast %get3A_1308 : vector<16xi32> to vector<16xi32>
        %get3A_1310 = arith.constant 48 : index
        %get3A_1311 = tpu.vector_load %arg13[%get3A_1310] {strides = array<i32>} : memref<208xi32, #tpu.memory_space<vmem>>, vector<16xi32>,
        %get3A_1312 = vector.shape_cast %get3A_1311 : vector<16xi32> to vector<16xi32>
        %add3A_1313 = arith.addi %get3A_1309, %get3A_1312 : vector<16xi32>
        %swap3A_1314 = arith.constant 48 : index
        %swap3A_1315 = tpu.vector_load %arg11[%swap3A_1314] {strides = array<i32>} : memref<208xi32, #tpu.memory_space<vmem>>, vector<16xi32>,
        %swap3A_1316 = vector.shape_cast %swap3A_1315 : vector<16xi32> to vector<16xi32>
        %swap3A_1317 = vector.shape_cast %add3A_1313 : vector<16xi32> to vector<16xi32>
        tpu.vector_store %arg11[%swap3A_1314], %swap3A_1317 {strides = array<i32>} : memref<208xi32, #tpu.memory_space<vmem>>, vector<16xi32>,
        %get3A_1318 = arith.index_cast %add3A_1306 : i32 to index
        %get3A_1319 = tpu.vector_load %arg7[%get3A_1318] {strides = array<i32>} : memref<25616xi32, #tpu.memory_space<vmem>>, vector<16xi32>,
        %get3A_1320 = vector.shape_cast %get3A_1319 : vector<16xi32> to vector<16xi32>
        %ge3A_1321 = arith.constant 499712 : i32
        %ge3A_1322 = vector.broadcast %ge3A_1321 : i32 to vector<16xi32>
        %ge3A_1323 = arith.cmpi sge, %get3A_1320, %ge3A_1322 : vector<16xi32>
        %mul3A_1324 = arith.constant 2 : i32
        %mul3A_1325 = vector.broadcast %mul3A_1324 : i32 to vector<16xi32>
        %mul3A_1326 = arith.muli %get3A_1320, %mul3A_1325 : vector<16xi32>
        %sub3A_1327 = arith.constant 999423 : i32
        %sub3A_1328 = vector.broadcast %sub3A_1327 : i32 to vector<16xi32>
        %sub3A_1329 = arith.subi %mul3A_1326, %sub3A_1328 : vector<16xi32>
        %mul3A_1330 = arith.constant 2 : i32
        %mul3A_1331 = vector.broadcast %mul3A_1330 : i32 to vector<16xi32>
        %mul3A_1332 = arith.muli %get3A_1320, %mul3A_1331 : vector<16xi32>
        %select_n3A_1333 = arith.select %ge3A_1323, %sub3A_1329, %mul3A_1332 : vector<16xi1>, vector<16xi32>
        %swap3A_1334 = arith.constant 48 : index
        %swap3A_1335 = tpu.vector_load %arg9[%swap3A_1334] {strides = array<i32>} : memref<208xi32, #tpu.memory_space<vmem>>, vector<16xi32>,
        %swap3A_1336 = vector.shape_cast %swap3A_1335 : vector<16xi32> to vector<16xi32>
        %swap3A_1337 = vector.shape_cast %select_n3A_1333 : vector<16xi32> to vector<16xi32>
        tpu.vector_store %arg9[%swap3A_1334], %swap3A_1337 {strides = array<i32>} : memref<208xi32, #tpu.memory_space<vmem>>, vector<16xi32>,
        %mul3A_1338 = arith.constant 200 : i32
        %mul3A_1339 = arith.muli %add3A_1197, %mul3A_1338 : i32
        %add3A_1340 = arith.constant 64 : i32
        %add3A_1341 = arith.addi %mul3A_1339, %add3A_1340 : i32
        %get3A_1342 = arith.index_cast %add3A_1341 : i32 to index
        %get3A_1343 = tpu.vector_load %arg8[%get3A_1342] {strides = array<i32>} : memref<25616xi32, #tpu.memory_space<vmem>>, vector<16xi32>,
        %get3A_1344 = vector.shape_cast %get3A_1343 : vector<16xi32> to vector<16xi32>
        %get3A_1345 = arith.constant 64 : index
        %get3A_1346 = tpu.vector_load %arg13[%get3A_1345] {strides = array<i32>} : memref<208xi32, #tpu.memory_space<vmem>>, vector<16xi32>,
        %get3A_1347 = vector.shape_cast %get3A_1346 : vector<16xi32> to vector<16xi32>
        %add3A_1348 = arith.addi %get3A_1344, %get3A_1347 : vector<16xi32>
        %swap3A_1349 = arith.constant 64 : index
        %swap3A_1350 = tpu.vector_load %arg11[%swap3A_1349] {strides = array<i32>} : memref<208xi32, #tpu.memory_space<vmem>>, vector<16xi32>,
        %swap3A_1351 = vector.shape_cast %swap3A_1350 : vector<16xi32> to vector<16xi32>
        %swap3A_1352 = vector.shape_cast %add3A_1348 : vector<16xi32> to vector<16xi32>
        tpu.vector_store %arg11[%swap3A_1349], %swap3A_1352 {strides = array<i32>} : memref<208xi32, #tpu.memory_space<vmem>>, vector<16xi32>,
        %get3A_1353 = arith.index_cast %add3A_1341 : i32 to index
        %get3A_1354 = tpu.vector_load %arg7[%get3A_1353] {strides = array<i32>} : memref<25616xi32, #tpu.memory_space<vmem>>, vector<16xi32>,
        %get3A_1355 = vector.shape_cast %get3A_1354 : vector<16xi32> to vector<16xi32>
        %ge3A_1356 = arith.constant 499712 : i32
        %ge3A_1357 = vector.broadcast %ge3A_1356 : i32 to vector<16xi32>
        %ge3A_1358 = arith.cmpi sge, %get3A_1355, %ge3A_1357 : vector<16xi32>
        %mul3A_1359 = arith.constant 2 : i32
        %mul3A_1360 = vector.broadcast %mul3A_1359 : i32 to vector<16xi32>
        %mul3A_1361 = arith.muli %get3A_1355, %mul3A_1360 : vector<16xi32>
        %sub3A_1362 = arith.constant 999423 : i32
        %sub3A_1363 = vector.broadcast %sub3A_1362 : i32 to vector<16xi32>
        %sub3A_1364 = arith.subi %mul3A_1361, %sub3A_1363 : vector<16xi32>
        %mul3A_1365 = arith.constant 2 : i32
        %mul3A_1366 = vector.broadcast %mul3A_1365 : i32 to vector<16xi32>
        %mul3A_1367 = arith.muli %get3A_1355, %mul3A_1366 : vector<16xi32>
        %select_n3A_1368 = arith.select %ge3A_1358, %sub3A_1364, %mul3A_1367 : vector<16xi1>, vector<16xi32>
        %swap3A_1369 = arith.constant 64 : index
        %swap3A_1370 = tpu.vector_load %arg9[%swap3A_1369] {strides = array<i32>} : memref<208xi32, #tpu.memory_space<vmem>>, vector<16xi32>,
        %swap3A_1371 = vector.shape_cast %swap3A_1370 : vector<16xi32> to vector<16xi32>
        %swap3A_1372 = vector.shape_cast %select_n3A_1368 : vector<16xi32> to vector<16xi32>
        tpu.vector_store %arg9[%swap3A_1369], %swap3A_1372 {strides = array<i32>} : memref<208xi32, #tpu.memory_space<vmem>>, vector<16xi32>,
        %mul3A_1373 = arith.constant 200 : i32
        %mul3A_1374 = arith.muli %add3A_1197, %mul3A_1373 : i32
        %add3A_1375 = arith.constant 80 : i32
        %add3A_1376 = arith.addi %mul3A_1374, %add3A_1375 : i32
        %get3A_1377 = arith.index_cast %add3A_1376 : i32 to index
        %get3A_1378 = tpu.vector_load %arg8[%get3A_1377] {strides = array<i32>} : memref<25616xi32, #tpu.memory_space<vmem>>, vector<16xi32>,
        %get3A_1379 = vector.shape_cast %get3A_1378 : vector<16xi32> to vector<16xi32>
        %get3A_1380 = arith.constant 80 : index
        %get3A_1381 = tpu.vector_load %arg13[%get3A_1380] {strides = array<i32>} : memref<208xi32, #tpu.memory_space<vmem>>, vector<16xi32>,
        %get3A_1382 = vector.shape_cast %get3A_1381 : vector<16xi32> to vector<16xi32>
        %add3A_1383 = arith.addi %get3A_1379, %get3A_1382 : vector<16xi32>
        %swap3A_1384 = arith.constant 80 : index
        %swap3A_1385 = tpu.vector_load %arg11[%swap3A_1384] {strides = array<i32>} : memref<208xi32, #tpu.memory_space<vmem>>, vector<16xi32>,
        %swap3A_1386 = vector.shape_cast %swap3A_1385 : vector<16xi32> to vector<16xi32>
        %swap3A_1387 = vector.shape_cast %add3A_1383 : vector<16xi32> to vector<16xi32>
        tpu.vector_store %arg11[%swap3A_1384], %swap3A_1387 {strides = array<i32>} : memref<208xi32, #tpu.memory_space<vmem>>, vector<16xi32>,
        %get3A_1388 = arith.index_cast %add3A_1376 : i32 to index
        %get3A_1389 = tpu.vector_load %arg7[%get3A_1388] {strides = array<i32>} : memref<25616xi32, #tpu.memory_space<vmem>>, vector<16xi32>,
        %get3A_1390 = vector.shape_cast %get3A_1389 : vector<16xi32> to vector<16xi32>
        %ge3A_1391 = arith.constant 499712 : i32
        %ge3A_1392 = vector.broadcast %ge3A_1391 : i32 to vector<16xi32>
        %ge3A_1393 = arith.cmpi sge, %get3A_1390, %ge3A_1392 : vector<16xi32>
        %mul3A_1394 = arith.constant 2 : i32
        %mul3A_1395 = vector.broadcast %mul3A_1394 : i32 to vector<16xi32>
        %mul3A_1396 = arith.muli %get3A_1390, %mul3A_1395 : vector<16xi32>
        %sub3A_1397 = arith.constant 999423 : i32
        %sub3A_1398 = vector.broadcast %sub3A_1397 : i32 to vector<16xi32>
        %sub3A_1399 = arith.subi %mul3A_1396, %sub3A_1398 : vector<16xi32>
        %mul3A_1400 = arith.constant 2 : i32
        %mul3A_1401 = vector.broadcast %mul3A_1400 : i32 to vector<16xi32>
        %mul3A_1402 = arith.muli %get3A_1390, %mul3A_1401 : vector<16xi32>
        %select_n3A_1403 = arith.select %ge3A_1393, %sub3A_1399, %mul3A_1402 : vector<16xi1>, vector<16xi32>
        %swap3A_1404 = arith.constant 80 : index
        %swap3A_1405 = tpu.vector_load %arg9[%swap3A_1404] {strides = array<i32>} : memref<208xi32, #tpu.memory_space<vmem>>, vector<16xi32>,
        %swap3A_1406 = vector.shape_cast %swap3A_1405 : vector<16xi32> to vector<16xi32>
        %swap3A_1407 = vector.shape_cast %select_n3A_1403 : vector<16xi32> to vector<16xi32>
        tpu.vector_store %arg9[%swap3A_1404], %swap3A_1407 {strides = array<i32>} : memref<208xi32, #tpu.memory_space<vmem>>, vector<16xi32>,
        %mul3A_1408 = arith.constant 200 : i32
        %mul3A_1409 = arith.muli %add3A_1197, %mul3A_1408 : i32
        %add3A_1410 = arith.constant 96 : i32
        %add3A_1411 = arith.addi %mul3A_1409, %add3A_1410 : i32
        %get3A_1412 = arith.index_cast %add3A_1411 : i32 to index
        %get3A_1413 = tpu.vector_load %arg8[%get3A_1412] {strides = array<i32>} : memref<25616xi32, #tpu.memory_space<vmem>>, vector<16xi32>,
        %get3A_1414 = vector.shape_cast %get3A_1413 : vector<16xi32> to vector<16xi32>
        %get3A_1415 = arith.constant 96 : index
        %get3A_1416 = tpu.vector_load %arg13[%get3A_1415] {strides = array<i32>} : memref<208xi32, #tpu.memory_space<vmem>>, vector<16xi32>,
        %get3A_1417 = vector.shape_cast %get3A_1416 : vector<16xi32> to vector<16xi32>
        %add3A_1418 = arith.addi %get3A_1414, %get3A_1417 : vector<16xi32>
        %swap3A_1419 = arith.constant 96 : index
        %swap3A_1420 = tpu.vector_load %arg11[%swap3A_1419] {strides = array<i32>} : memref<208xi32, #tpu.memory_space<vmem>>, vector<16xi32>,
        %swap3A_1421 = vector.shape_cast %swap3A_1420 : vector<16xi32> to vector<16xi32>
        %swap3A_1422 = vector.shape_cast %add3A_1418 : vector<16xi32> to vector<16xi32>
        tpu.vector_store %arg11[%swap3A_1419], %swap3A_1422 {strides = array<i32>} : memref<208xi32, #tpu.memory_space<vmem>>, vector<16xi32>,
        %get3A_1423 = arith.index_cast %add3A_1411 : i32 to index
        %get3A_1424 = tpu.vector_load %arg7[%get3A_1423] {strides = array<i32>} : memref<25616xi32, #tpu.memory_space<vmem>>, vector<16xi32>,
        %get3A_1425 = vector.shape_cast %get3A_1424 : vector<16xi32> to vector<16xi32>
        %ge3A_1426 = arith.constant 499712 : i32
        %ge3A_1427 = vector.broadcast %ge3A_1426 : i32 to vector<16xi32>
        %ge3A_1428 = arith.cmpi sge, %get3A_1425, %ge3A_1427 : vector<16xi32>
        %mul3A_1429 = arith.constant 2 : i32
        %mul3A_1430 = vector.broadcast %mul3A_1429 : i32 to vector<16xi32>
        %mul3A_1431 = arith.muli %get3A_1425, %mul3A_1430 : vector<16xi32>
        %sub3A_1432 = arith.constant 999423 : i32
        %sub3A_1433 = vector.broadcast %sub3A_1432 : i32 to vector<16xi32>
        %sub3A_1434 = arith.subi %mul3A_1431, %sub3A_1433 : vector<16xi32>
        %mul3A_1435 = arith.constant 2 : i32
        %mul3A_1436 = vector.broadcast %mul3A_1435 : i32 to vector<16xi32>
        %mul3A_1437 = arith.muli %get3A_1425, %mul3A_1436 : vector<16xi32>
        %select_n3A_1438 = arith.select %ge3A_1428, %sub3A_1434, %mul3A_1437 : vector<16xi1>, vector<16xi32>
        %swap3A_1439 = arith.constant 96 : index
        %swap3A_1440 = tpu.vector_load %arg9[%swap3A_1439] {strides = array<i32>} : memref<208xi32, #tpu.memory_space<vmem>>, vector<16xi32>,
        %swap3A_1441 = vector.shape_cast %swap3A_1440 : vector<16xi32> to vector<16xi32>
        %swap3A_1442 = vector.shape_cast %select_n3A_1438 : vector<16xi32> to vector<16xi32>
        tpu.vector_store %arg9[%swap3A_1439], %swap3A_1442 {strides = array<i32>} : memref<208xi32, #tpu.memory_space<vmem>>, vector<16xi32>,
        %mul3A_1443 = arith.constant 200 : i32
        %mul3A_1444 = arith.muli %add3A_1197, %mul3A_1443 : i32
        %add3A_1445 = arith.constant 112 : i32
        %add3A_1446 = arith.addi %mul3A_1444, %add3A_1445 : i32
        %get3A_1447 = arith.index_cast %add3A_1446 : i32 to index
        %get3A_1448 = tpu.vector_load %arg8[%get3A_1447] {strides = array<i32>} : memref<25616xi32, #tpu.memory_space<vmem>>, vector<16xi32>,
        %get3A_1449 = vector.shape_cast %get3A_1448 : vector<16xi32> to vector<16xi32>
        %get3A_1450 = arith.constant 112 : index
        %get3A_1451 = tpu.vector_load %arg13[%get3A_1450] {strides = array<i32>} : memref<208xi32, #tpu.memory_space<vmem>>, vector<16xi32>,
        %get3A_1452 = vector.shape_cast %get3A_1451 : vector<16xi32> to vector<16xi32>
        %add3A_1453 = arith.addi %get3A_1449, %get3A_1452 : vector<16xi32>
        %swap3A_1454 = arith.constant 112 : index
        %swap3A_1455 = tpu.vector_load %arg11[%swap3A_1454] {strides = array<i32>} : memref<208xi32, #tpu.memory_space<vmem>>, vector<16xi32>,
        %swap3A_1456 = vector.shape_cast %swap3A_1455 : vector<16xi32> to vector<16xi32>
        %swap3A_1457 = vector.shape_cast %add3A_1453 : vector<16xi32> to vector<16xi32>
        tpu.vector_store %arg11[%swap3A_1454], %swap3A_1457 {strides = array<i32>} : memref<208xi32, #tpu.memory_space<vmem>>, vector<16xi32>,
        %get3A_1458 = arith.index_cast %add3A_1446 : i32 to index
        %get3A_1459 = tpu.vector_load %arg7[%get3A_1458] {strides = array<i32>} : memref<25616xi32, #tpu.memory_space<vmem>>, vector<16xi32>,
        %get3A_1460 = vector.shape_cast %get3A_1459 : vector<16xi32> to vector<16xi32>
        %ge3A_1461 = arith.constant 499712 : i32
        %ge3A_1462 = vector.broadcast %ge3A_1461 : i32 to vector<16xi32>
        %ge3A_1463 = arith.cmpi sge, %get3A_1460, %ge3A_1462 : vector<16xi32>
        %mul3A_1464 = arith.constant 2 : i32
        %mul3A_1465 = vector.broadcast %mul3A_1464 : i32 to vector<16xi32>
        %mul3A_1466 = arith.muli %get3A_1460, %mul3A_1465 : vector<16xi32>
        %sub3A_1467 = arith.constant 999423 : i32
        %sub3A_1468 = vector.broadcast %sub3A_1467 : i32 to vector<16xi32>
        %sub3A_1469 = arith.subi %mul3A_1466, %sub3A_1468 : vector<16xi32>
        %mul3A_1470 = arith.constant 2 : i32
        %mul3A_1471 = vector.broadcast %mul3A_1470 : i32 to vector<16xi32>
        %mul3A_1472 = arith.muli %get3A_1460, %mul3A_1471 : vector<16xi32>
        %select_n3A_1473 = arith.select %ge3A_1463, %sub3A_1469, %mul3A_1472 : vector<16xi1>, vector<16xi32>
        %swap3A_1474 = arith.constant 112 : index
        %swap3A_1475 = tpu.vector_load %arg9[%swap3A_1474] {strides = array<i32>} : memref<208xi32, #tpu.memory_space<vmem>>, vector<16xi32>,
        %swap3A_1476 = vector.shape_cast %swap3A_1475 : vector<16xi32> to vector<16xi32>
        %swap3A_1477 = vector.shape_cast %select_n3A_1473 : vector<16xi32> to vector<16xi32>
        tpu.vector_store %arg9[%swap3A_1474], %swap3A_1477 {strides = array<i32>} : memref<208xi32, #tpu.memory_space<vmem>>, vector<16xi32>,
        %mul3A_1478 = arith.constant 200 : i32
        %mul3A_1479 = arith.muli %add3A_1197, %mul3A_1478 : i32
        %add3A_1480 = arith.constant 128 : i32
        %add3A_1481 = arith.addi %mul3A_1479, %add3A_1480 : i32
        %get3A_1482 = arith.index_cast %add3A_1481 : i32 to index
        %get3A_1483 = tpu.vector_load %arg8[%get3A_1482] {strides = array<i32>} : memref<25616xi32, #tpu.memory_space<vmem>>, vector<16xi32>,
        %get3A_1484 = vector.shape_cast %get3A_1483 : vector<16xi32> to vector<16xi32>
        %get3A_1485 = arith.constant 128 : index
        %get3A_1486 = tpu.vector_load %arg13[%get3A_1485] {strides = array<i32>} : memref<208xi32, #tpu.memory_space<vmem>>, vector<16xi32>,
        %get3A_1487 = vector.shape_cast %get3A_1486 : vector<16xi32> to vector<16xi32>
        %add3A_1488 = arith.addi %get3A_1484, %get3A_1487 : vector<16xi32>
        %swap3A_1489 = arith.constant 128 : index
        %swap3A_1490 = tpu.vector_load %arg11[%swap3A_1489] {strides = array<i32>} : memref<208xi32, #tpu.memory_space<vmem>>, vector<16xi32>,
        %swap3A_1491 = vector.shape_cast %swap3A_1490 : vector<16xi32> to vector<16xi32>
        %swap3A_1492 = vector.shape_cast %add3A_1488 : vector<16xi32> to vector<16xi32>
        tpu.vector_store %arg11[%swap3A_1489], %swap3A_1492 {strides = array<i32>} : memref<208xi32, #tpu.memory_space<vmem>>, vector<16xi32>,
        %get3A_1493 = arith.index_cast %add3A_1481 : i32 to index
        %get3A_1494 = tpu.vector_load %arg7[%get3A_1493] {strides = array<i32>} : memref<25616xi32, #tpu.memory_space<vmem>>, vector<16xi32>,
        %get3A_1495 = vector.shape_cast %get3A_1494 : vector<16xi32> to vector<16xi32>
        %ge3A_1496 = arith.constant 499712 : i32
        %ge3A_1497 = vector.broadcast %ge3A_1496 : i32 to vector<16xi32>
        %ge3A_1498 = arith.cmpi sge, %get3A_1495, %ge3A_1497 : vector<16xi32>
        %mul3A_1499 = arith.constant 2 : i32
        %mul3A_1500 = vector.broadcast %mul3A_1499 : i32 to vector<16xi32>
        %mul3A_1501 = arith.muli %get3A_1495, %mul3A_1500 : vector<16xi32>
        %sub3A_1502 = arith.constant 999423 : i32
        %sub3A_1503 = vector.broadcast %sub3A_1502 : i32 to vector<16xi32>
        %sub3A_1504 = arith.subi %mul3A_1501, %sub3A_1503 : vector<16xi32>
        %mul3A_1505 = arith.constant 2 : i32
        %mul3A_1506 = vector.broadcast %mul3A_1505 : i32 to vector<16xi32>
        %mul3A_1507 = arith.muli %get3A_1495, %mul3A_1506 : vector<16xi32>
        %select_n3A_1508 = arith.select %ge3A_1498, %sub3A_1504, %mul3A_1507 : vector<16xi1>, vector<16xi32>
        %swap3A_1509 = arith.constant 128 : index
        %swap3A_1510 = tpu.vector_load %arg9[%swap3A_1509] {strides = array<i32>} : memref<208xi32, #tpu.memory_space<vmem>>, vector<16xi32>,
        %swap3A_1511 = vector.shape_cast %swap3A_1510 : vector<16xi32> to vector<16xi32>
        %swap3A_1512 = vector.shape_cast %select_n3A_1508 : vector<16xi32> to vector<16xi32>
        tpu.vector_store %arg9[%swap3A_1509], %swap3A_1512 {strides = array<i32>} : memref<208xi32, #tpu.memory_space<vmem>>, vector<16xi32>,
        %mul3A_1513 = arith.constant 200 : i32
        %mul3A_1514 = arith.muli %add3A_1197, %mul3A_1513 : i32
        %add3A_1515 = arith.constant 144 : i32
        %add3A_1516 = arith.addi %mul3A_1514, %add3A_1515 : i32
        %get3A_1517 = arith.index_cast %add3A_1516 : i32 to index
        %get3A_1518 = tpu.vector_load %arg8[%get3A_1517] {strides = array<i32>} : memref<25616xi32, #tpu.memory_space<vmem>>, vector<16xi32>,
        %get3A_1519 = vector.shape_cast %get3A_1518 : vector<16xi32> to vector<16xi32>
        %get3A_1520 = arith.constant 144 : index
        %get3A_1521 = tpu.vector_load %arg13[%get3A_1520] {strides = array<i32>} : memref<208xi32, #tpu.memory_space<vmem>>, vector<16xi32>,
        %get3A_1522 = vector.shape_cast %get3A_1521 : vector<16xi32> to vector<16xi32>
        %add3A_1523 = arith.addi %get3A_1519, %get3A_1522 : vector<16xi32>
        %swap3A_1524 = arith.constant 144 : index
        %swap3A_1525 = tpu.vector_load %arg11[%swap3A_1524] {strides = array<i32>} : memref<208xi32, #tpu.memory_space<vmem>>, vector<16xi32>,
        %swap3A_1526 = vector.shape_cast %swap3A_1525 : vector<16xi32> to vector<16xi32>
        %swap3A_1527 = vector.shape_cast %add3A_1523 : vector<16xi32> to vector<16xi32>
        tpu.vector_store %arg11[%swap3A_1524], %swap3A_1527 {strides = array<i32>} : memref<208xi32, #tpu.memory_space<vmem>>, vector<16xi32>,
        %get3A_1528 = arith.index_cast %add3A_1516 : i32 to index
        %get3A_1529 = tpu.vector_load %arg7[%get3A_1528] {strides = array<i32>} : memref<25616xi32, #tpu.memory_space<vmem>>, vector<16xi32>,
        %get3A_1530 = vector.shape_cast %get3A_1529 : vector<16xi32> to vector<16xi32>
        %ge3A_1531 = arith.constant 499712 : i32
        %ge3A_1532 = vector.broadcast %ge3A_1531 : i32 to vector<16xi32>
        %ge3A_1533 = arith.cmpi sge, %get3A_1530, %ge3A_1532 : vector<16xi32>
        %mul3A_1534 = arith.constant 2 : i32
        %mul3A_1535 = vector.broadcast %mul3A_1534 : i32 to vector<16xi32>
        %mul3A_1536 = arith.muli %get3A_1530, %mul3A_1535 : vector<16xi32>
        %sub3A_1537 = arith.constant 999423 : i32
        %sub3A_1538 = vector.broadcast %sub3A_1537 : i32 to vector<16xi32>
        %sub3A_1539 = arith.subi %mul3A_1536, %sub3A_1538 : vector<16xi32>
        %mul3A_1540 = arith.constant 2 : i32
        %mul3A_1541 = vector.broadcast %mul3A_1540 : i32 to vector<16xi32>
        %mul3A_1542 = arith.muli %get3A_1530, %mul3A_1541 : vector<16xi32>
        %select_n3A_1543 = arith.select %ge3A_1533, %sub3A_1539, %mul3A_1542 : vector<16xi1>, vector<16xi32>
        %swap3A_1544 = arith.constant 144 : index
        %swap3A_1545 = tpu.vector_load %arg9[%swap3A_1544] {strides = array<i32>} : memref<208xi32, #tpu.memory_space<vmem>>, vector<16xi32>,
        %swap3A_1546 = vector.shape_cast %swap3A_1545 : vector<16xi32> to vector<16xi32>
        %swap3A_1547 = vector.shape_cast %select_n3A_1543 : vector<16xi32> to vector<16xi32>
        tpu.vector_store %arg9[%swap3A_1544], %swap3A_1547 {strides = array<i32>} : memref<208xi32, #tpu.memory_space<vmem>>, vector<16xi32>,
        %mul3A_1548 = arith.constant 200 : i32
        %mul3A_1549 = arith.muli %add3A_1197, %mul3A_1548 : i32
        %add3A_1550 = arith.constant 160 : i32
        %add3A_1551 = arith.addi %mul3A_1549, %add3A_1550 : i32
        %get3A_1552 = arith.index_cast %add3A_1551 : i32 to index
        %get3A_1553 = tpu.vector_load %arg8[%get3A_1552] {strides = array<i32>} : memref<25616xi32, #tpu.memory_space<vmem>>, vector<16xi32>,
        %get3A_1554 = vector.shape_cast %get3A_1553 : vector<16xi32> to vector<16xi32>
        %get3A_1555 = arith.constant 160 : index
        %get3A_1556 = tpu.vector_load %arg13[%get3A_1555] {strides = array<i32>} : memref<208xi32, #tpu.memory_space<vmem>>, vector<16xi32>,
        %get3A_1557 = vector.shape_cast %get3A_1556 : vector<16xi32> to vector<16xi32>
        %add3A_1558 = arith.addi %get3A_1554, %get3A_1557 : vector<16xi32>
        %swap3A_1559 = arith.constant 160 : index
        %swap3A_1560 = tpu.vector_load %arg11[%swap3A_1559] {strides = array<i32>} : memref<208xi32, #tpu.memory_space<vmem>>, vector<16xi32>,
        %swap3A_1561 = vector.shape_cast %swap3A_1560 : vector<16xi32> to vector<16xi32>
        %swap3A_1562 = vector.shape_cast %add3A_1558 : vector<16xi32> to vector<16xi32>
        tpu.vector_store %arg11[%swap3A_1559], %swap3A_1562 {strides = array<i32>} : memref<208xi32, #tpu.memory_space<vmem>>, vector<16xi32>,
        %get3A_1563 = arith.index_cast %add3A_1551 : i32 to index
        %get3A_1564 = tpu.vector_load %arg7[%get3A_1563] {strides = array<i32>} : memref<25616xi32, #tpu.memory_space<vmem>>, vector<16xi32>,
        %get3A_1565 = vector.shape_cast %get3A_1564 : vector<16xi32> to vector<16xi32>
        %ge3A_1566 = arith.constant 499712 : i32
        %ge3A_1567 = vector.broadcast %ge3A_1566 : i32 to vector<16xi32>
        %ge3A_1568 = arith.cmpi sge, %get3A_1565, %ge3A_1567 : vector<16xi32>
        %mul3A_1569 = arith.constant 2 : i32
        %mul3A_1570 = vector.broadcast %mul3A_1569 : i32 to vector<16xi32>
        %mul3A_1571 = arith.muli %get3A_1565, %mul3A_1570 : vector<16xi32>
        %sub3A_1572 = arith.constant 999423 : i32
        %sub3A_1573 = vector.broadcast %sub3A_1572 : i32 to vector<16xi32>
        %sub3A_1574 = arith.subi %mul3A_1571, %sub3A_1573 : vector<16xi32>
        %mul3A_1575 = arith.constant 2 : i32
        %mul3A_1576 = vector.broadcast %mul3A_1575 : i32 to vector<16xi32>
        %mul3A_1577 = arith.muli %get3A_1565, %mul3A_1576 : vector<16xi32>
        %select_n3A_1578 = arith.select %ge3A_1568, %sub3A_1574, %mul3A_1577 : vector<16xi1>, vector<16xi32>
        %swap3A_1579 = arith.constant 160 : index
        %swap3A_1580 = tpu.vector_load %arg9[%swap3A_1579] {strides = array<i32>} : memref<208xi32, #tpu.memory_space<vmem>>, vector<16xi32>,
        %swap3A_1581 = vector.shape_cast %swap3A_1580 : vector<16xi32> to vector<16xi32>
        %swap3A_1582 = vector.shape_cast %select_n3A_1578 : vector<16xi32> to vector<16xi32>
        tpu.vector_store %arg9[%swap3A_1579], %swap3A_1582 {strides = array<i32>} : memref<208xi32, #tpu.memory_space<vmem>>, vector<16xi32>,
        %mul3A_1583 = arith.constant 200 : i32
        %mul3A_1584 = arith.muli %add3A_1197, %mul3A_1583 : i32
        %add3A_1585 = arith.constant 176 : i32
        %add3A_1586 = arith.addi %mul3A_1584, %add3A_1585 : i32
        %get3A_1587 = arith.index_cast %add3A_1586 : i32 to index
        %get3A_1588 = tpu.vector_load %arg8[%get3A_1587] {strides = array<i32>} : memref<25616xi32, #tpu.memory_space<vmem>>, vector<16xi32>,
        %get3A_1589 = vector.shape_cast %get3A_1588 : vector<16xi32> to vector<16xi32>
        %get3A_1590 = arith.constant 176 : index
        %get3A_1591 = tpu.vector_load %arg13[%get3A_1590] {strides = array<i32>} : memref<208xi32, #tpu.memory_space<vmem>>, vector<16xi32>,
        %get3A_1592 = vector.shape_cast %get3A_1591 : vector<16xi32> to vector<16xi32>
        %add3A_1593 = arith.addi %get3A_1589, %get3A_1592 : vector<16xi32>
        %swap3A_1594 = arith.constant 176 : index
        %swap3A_1595 = tpu.vector_load %arg11[%swap3A_1594] {strides = array<i32>} : memref<208xi32, #tpu.memory_space<vmem>>, vector<16xi32>,
        %swap3A_1596 = vector.shape_cast %swap3A_1595 : vector<16xi32> to vector<16xi32>
        %swap3A_1597 = vector.shape_cast %add3A_1593 : vector<16xi32> to vector<16xi32>
        tpu.vector_store %arg11[%swap3A_1594], %swap3A_1597 {strides = array<i32>} : memref<208xi32, #tpu.memory_space<vmem>>, vector<16xi32>,
        %get3A_1598 = arith.index_cast %add3A_1586 : i32 to index
        %get3A_1599 = tpu.vector_load %arg7[%get3A_1598] {strides = array<i32>} : memref<25616xi32, #tpu.memory_space<vmem>>, vector<16xi32>,
        %get3A_1600 = vector.shape_cast %get3A_1599 : vector<16xi32> to vector<16xi32>
        %ge3A_1601 = arith.constant 499712 : i32
        %ge3A_1602 = vector.broadcast %ge3A_1601 : i32 to vector<16xi32>
        %ge3A_1603 = arith.cmpi sge, %get3A_1600, %ge3A_1602 : vector<16xi32>
        %mul3A_1604 = arith.constant 2 : i32
        %mul3A_1605 = vector.broadcast %mul3A_1604 : i32 to vector<16xi32>
        %mul3A_1606 = arith.muli %get3A_1600, %mul3A_1605 : vector<16xi32>
        %sub3A_1607 = arith.constant 999423 : i32
        %sub3A_1608 = vector.broadcast %sub3A_1607 : i32 to vector<16xi32>
        %sub3A_1609 = arith.subi %mul3A_1606, %sub3A_1608 : vector<16xi32>
        %mul3A_1610 = arith.constant 2 : i32
        %mul3A_1611 = vector.broadcast %mul3A_1610 : i32 to vector<16xi32>
        %mul3A_1612 = arith.muli %get3A_1600, %mul3A_1611 : vector<16xi32>
        %select_n3A_1613 = arith.select %ge3A_1603, %sub3A_1609, %mul3A_1612 : vector<16xi1>, vector<16xi32>
        %swap3A_1614 = arith.constant 176 : index
        %swap3A_1615 = tpu.vector_load %arg9[%swap3A_1614] {strides = array<i32>} : memref<208xi32, #tpu.memory_space<vmem>>, vector<16xi32>,
        %swap3A_1616 = vector.shape_cast %swap3A_1615 : vector<16xi32> to vector<16xi32>
        %swap3A_1617 = vector.shape_cast %select_n3A_1613 : vector<16xi32> to vector<16xi32>
        tpu.vector_store %arg9[%swap3A_1614], %swap3A_1617 {strides = array<i32>} : memref<208xi32, #tpu.memory_space<vmem>>, vector<16xi32>,
        %mul3A_1618 = arith.constant 200 : i32
        %mul3A_1619 = arith.muli %add3A_1197, %mul3A_1618 : i32
        %add3A_1620 = arith.constant 192 : i32
        %add3A_1621 = arith.addi %mul3A_1619, %add3A_1620 : i32
        %get3A_1622 = arith.index_cast %add3A_1621 : i32 to index
        %get3A_1623 = tpu.vector_load %arg8[%get3A_1622] {strides = array<i32>} : memref<25616xi32, #tpu.memory_space<vmem>>, vector<16xi32>,
        %get3A_1624 = vector.shape_cast %get3A_1623 : vector<16xi32> to vector<16xi32>
        %get3A_1625 = arith.constant 192 : index
        %get3A_1626 = tpu.vector_load %arg13[%get3A_1625] {strides = array<i32>} : memref<208xi32, #tpu.memory_space<vmem>>, vector<16xi32>,
        %get3A_1627 = vector.shape_cast %get3A_1626 : vector<16xi32> to vector<16xi32>
        %add3A_1628 = arith.addi %get3A_1624, %get3A_1627 : vector<16xi32>
        %swap3A_1629 = arith.constant 192 : index
        %swap3A_1630 = tpu.vector_load %arg11[%swap3A_1629] {strides = array<i32>} : memref<208xi32, #tpu.memory_space<vmem>>, vector<16xi32>,
        %swap3A_1631 = vector.shape_cast %swap3A_1630 : vector<16xi32> to vector<16xi32>
        %swap3A_1632 = vector.shape_cast %add3A_1628 : vector<16xi32> to vector<16xi32>
        tpu.vector_store %arg11[%swap3A_1629], %swap3A_1632 {strides = array<i32>} : memref<208xi32, #tpu.memory_space<vmem>>, vector<16xi32>,
        %get3A_1633 = arith.index_cast %add3A_1621 : i32 to index
        %get3A_1634 = tpu.vector_load %arg7[%get3A_1633] {strides = array<i32>} : memref<25616xi32, #tpu.memory_space<vmem>>, vector<16xi32>,
        %get3A_1635 = vector.shape_cast %get3A_1634 : vector<16xi32> to vector<16xi32>
        %ge3A_1636 = arith.constant 499712 : i32
        %ge3A_1637 = vector.broadcast %ge3A_1636 : i32 to vector<16xi32>
        %ge3A_1638 = arith.cmpi sge, %get3A_1635, %ge3A_1637 : vector<16xi32>
        %mul3A_1639 = arith.constant 2 : i32
        %mul3A_1640 = vector.broadcast %mul3A_1639 : i32 to vector<16xi32>
        %mul3A_1641 = arith.muli %get3A_1635, %mul3A_1640 : vector<16xi32>
        %sub3A_1642 = arith.constant 999423 : i32
        %sub3A_1643 = vector.broadcast %sub3A_1642 : i32 to vector<16xi32>
        %sub3A_1644 = arith.subi %mul3A_1641, %sub3A_1643 : vector<16xi32>
        %mul3A_1645 = arith.constant 2 : i32
        %mul3A_1646 = vector.broadcast %mul3A_1645 : i32 to vector<16xi32>
        %mul3A_1647 = arith.muli %get3A_1635, %mul3A_1646 : vector<16xi32>
        %select_n3A_1648 = arith.select %ge3A_1638, %sub3A_1644, %mul3A_1647 : vector<16xi1>, vector<16xi32>
        %swap3A_1649 = arith.constant 192 : index
        %swap3A_1650 = tpu.vector_load %arg9[%swap3A_1649] {strides = array<i32>} : memref<208xi32, #tpu.memory_space<vmem>>, vector<16xi32>,
        %swap3A_1651 = vector.shape_cast %swap3A_1650 : vector<16xi32> to vector<16xi32>
        %swap3A_1652 = vector.shape_cast %select_n3A_1648 : vector<16xi32> to vector<16xi32>
        tpu.vector_store %arg9[%swap3A_1649], %swap3A_1652 {strides = array<i32>} : memref<208xi32, #tpu.memory_space<vmem>>, vector<16xi32>,
        %dma_start3A_1653 = arith.constant 0 : i32
        %dma_start3A_1654 = arith.constant 0 : i32
        %dma_start3A_1655 = tpu.memref_slice %arg14[%dma_start3A_1653, %dma_start3A_1654] : memref<200x64xf32, #tpu.memory_space<vmem>> -> memref<128x64xf32, #tpu.memory_space<vmem>>
        %dma_start3A_1656 = arith.constant 0 : i32
        %dma_start3A_1657 = tpu.memref_slice %arg9[%dma_start3A_1656] : memref<208xi32, #tpu.memory_space<vmem>> -> memref<128xi32, #tpu.memory_space<vmem>>
        %dma_start3A_1658 = arith.constant 0 : i32
        %dma_start3A_1659 = arith.constant 0 : i32
        %dma_start3A_1660 = tpu.memref_slice %arg4[%dma_start3A_1658, %dma_start3A_1659] : memref<1000576x64xf32, #tpu.memory_space<hbm>> -> memref<1000576x64xf32, #tpu.memory_space<hbm>>
        tpu.enqueue_indirect_dma source(%dma_start3A_1660 : memref<1000576x64xf32, #tpu.memory_space<hbm>>) target(%dma_start3A_1655 : memref<128x64xf32, #tpu.memory_space<vmem>>) offsets(%dma_start3A_1657 : memref<128xi32, #tpu.memory_space<vmem>>) semaphore(%arg18 : memref<!tpu.dma_semaphore, #tpu.memory_space<semaphore_mem>>)
        %dma_start3A_1661 = arith.constant 0 : i32
        %dma_start3A_1662 = arith.constant 0 : i32
        %dma_start3A_1663 = tpu.memref_slice %arg16[%dma_start3A_1661, %dma_start3A_1662] : memref<200x64xf32, #tpu.memory_space<vmem>> -> memref<128x64xf32, #tpu.memory_space<vmem>>
        %dma_start3A_1664 = arith.constant 0 : i32
        %dma_start3A_1665 = tpu.memref_slice %arg11[%dma_start3A_1664] : memref<208xi32, #tpu.memory_space<vmem>> -> memref<128xi32, #tpu.memory_space<vmem>>
        %dma_start3A_1666 = arith.constant 0 : i32
        %dma_start3A_1667 = arith.constant 0 : i32
        %dma_start3A_1668 = tpu.memref_slice %arg5[%dma_start3A_1666, %dma_start3A_1667] : memref<12800x64xf32, #tpu.memory_space<hbm>> -> memref<12800x64xf32, #tpu.memory_space<hbm>>
        tpu.enqueue_indirect_dma source(%dma_start3A_1668 : memref<12800x64xf32, #tpu.memory_space<hbm>>) target(%dma_start3A_1663 : memref<128x64xf32, #tpu.memory_space<vmem>>) offsets(%dma_start3A_1665 : memref<128xi32, #tpu.memory_space<vmem>>) semaphore(%arg18 : memref<!tpu.dma_semaphore, #tpu.memory_space<semaphore_mem>>)
        %dma_start3A_1669 = arith.constant 128 : i32
        %dma_start3A_1670 = arith.constant 0 : i32
        %dma_start3A_1671 = tpu.memref_slice %arg14[%dma_start3A_1669, %dma_start3A_1670] : memref<200x64xf32, #tpu.memory_space<vmem>> -> memref<72x64xf32, #tpu.memory_space<vmem>>
        %dma_start3A_1672 = arith.constant 128 : i32
        %dma_start3A_1673 = tpu.memref_slice %arg9[%dma_start3A_1672] : memref<208xi32, #tpu.memory_space<vmem>> -> memref<72xi32, #tpu.memory_space<vmem>>
        %dma_start3A_1674 = arith.constant 0 : i32
        %dma_start3A_1675 = arith.constant 0 : i32
        %dma_start3A_1676 = tpu.memref_slice %arg4[%dma_start3A_1674, %dma_start3A_1675] : memref<1000576x64xf32, #tpu.memory_space<hbm>> -> memref<1000576x64xf32, #tpu.memory_space<hbm>>
        tpu.enqueue_indirect_dma source(%dma_start3A_1676 : memref<1000576x64xf32, #tpu.memory_space<hbm>>) target(%dma_start3A_1671 : memref<72x64xf32, #tpu.memory_space<vmem>>) offsets(%dma_start3A_1673 : memref<72xi32, #tpu.memory_space<vmem>>) semaphore(%arg18 : memref<!tpu.dma_semaphore, #tpu.memory_space<semaphore_mem>>)
        %dma_start3A_1677 = arith.constant 128 : i32
        %dma_start3A_1678 = arith.constant 0 : i32
        %dma_start3A_1679 = tpu.memref_slice %arg16[%dma_start3A_1677, %dma_start3A_1678] : memref<200x64xf32, #tpu.memory_space<vmem>> -> memref<72x64xf32, #tpu.memory_space<vmem>>
        %dma_start3A_1680 = arith.constant 128 : i32
        %dma_start3A_1681 = tpu.memref_slice %arg11[%dma_start3A_1680] : memref<208xi32, #tpu.memory_space<vmem>> -> memref<72xi32, #tpu.memory_space<vmem>>
        %dma_start3A_1682 = arith.constant 0 : i32
        %dma_start3A_1683 = arith.constant 0 : i32
        %dma_start3A_1684 = tpu.memref_slice %arg5[%dma_start3A_1682, %dma_start3A_1683] : memref<12800x64xf32, #tpu.memory_space<hbm>> -> memref<12800x64xf32, #tpu.memory_space<hbm>>
        tpu.enqueue_indirect_dma source(%dma_start3A_1684 : memref<12800x64xf32, #tpu.memory_space<hbm>>) target(%dma_start3A_1679 : memref<72x64xf32, #tpu.memory_space<vmem>>) offsets(%dma_start3A_1681 : memref<72xi32, #tpu.memory_space<vmem>>) semaphore(%arg18 : memref<!tpu.dma_semaphore, #tpu.memory_space<semaphore_mem>>)
      } else {
      }
      %add3A_1131 = arith.constant 1 : i32
      %add3A_1132 = arith.addi %mul3A_581, %add3A_1131 : i32
      %dma_wait3A_1133 = arith.constant 0 : i32
      %dma_wait3A_1134 = arith.constant 0 : i32
      %dma_wait3A_1135 = tpu.memref_slice %arg15[%dma_wait3A_1133, %dma_wait3A_1134] : memref<200x64xf32, #tpu.memory_space<vmem>> -> memref<128x64xf32, #tpu.memory_space<vmem>>
      %dma_wait3A_1136 = arith.constant 0 : i32
      %dma_wait3A_1137 = tpu.memref_slice %arg10[%dma_wait3A_1136] : memref<208xi32, #tpu.memory_space<vmem>> -> memref<128xi32, #tpu.memory_space<vmem>>
      %dma_wait3A_1138 = arith.constant 0 : i32
      %dma_wait3A_1139 = arith.constant 0 : i32
      %dma_wait3A_1140 = tpu.memref_slice %arg4[%dma_wait3A_1138, %dma_wait3A_1139] : memref<1000576x64xf32, #tpu.memory_space<hbm>> -> memref<1000576x64xf32, #tpu.memory_space<hbm>>
      tpu.wait_indirect_dma semaphore(%arg19 : memref<!tpu.dma_semaphore, #tpu.memory_space<semaphore_mem>>) src(%dma_wait3A_1140 : memref<1000576x64xf32, #tpu.memory_space<hbm>>) dst(%dma_wait3A_1135 : memref<128x64xf32, #tpu.memory_space<vmem>>)
      %dma_wait3A_1141 = arith.constant 0 : i32
      %dma_wait3A_1142 = arith.constant 0 : i32
      %dma_wait3A_1143 = tpu.memref_slice %arg17[%dma_wait3A_1141, %dma_wait3A_1142] : memref<200x64xf32, #tpu.memory_space<vmem>> -> memref<128x64xf32, #tpu.memory_space<vmem>>
      %dma_wait3A_1144 = arith.constant 0 : i32
      %dma_wait3A_1145 = tpu.memref_slice %arg12[%dma_wait3A_1144] : memref<208xi32, #tpu.memory_space<vmem>> -> memref<128xi32, #tpu.memory_space<vmem>>
      %dma_wait3A_1146 = arith.constant 0 : i32
      %dma_wait3A_1147 = arith.constant 0 : i32
      %dma_wait3A_1148 = tpu.memref_slice %arg5[%dma_wait3A_1146, %dma_wait3A_1147] : memref<12800x64xf32, #tpu.memory_space<hbm>> -> memref<12800x64xf32, #tpu.memory_space<hbm>>
      tpu.wait_indirect_dma semaphore(%arg19 : memref<!tpu.dma_semaphore, #tpu.memory_space<semaphore_mem>>) src(%dma_wait3A_1148 : memref<12800x64xf32, #tpu.memory_space<hbm>>) dst(%dma_wait3A_1143 : memref<128x64xf32, #tpu.memory_space<vmem>>)
      %dma_wait3A_1149 = arith.constant 128 : i32
      %dma_wait3A_1150 = arith.constant 0 : i32
      %dma_wait3A_1151 = tpu.memref_slice %arg15[%dma_wait3A_1149, %dma_wait3A_1150] : memref<200x64xf32, #tpu.memory_space<vmem>> -> memref<72x64xf32, #tpu.memory_space<vmem>>
      %dma_wait3A_1152 = arith.constant 128 : i32
      %dma_wait3A_1153 = tpu.memref_slice %arg10[%dma_wait3A_1152] : memref<208xi32, #tpu.memory_space<vmem>> -> memref<72xi32, #tpu.memory_space<vmem>>
      %dma_wait3A_1154 = arith.constant 0 : i32
      %dma_wait3A_1155 = arith.constant 0 : i32
      %dma_wait3A_1156 = tpu.memref_slice %arg4[%dma_wait3A_1154, %dma_wait3A_1155] : memref<1000576x64xf32, #tpu.memory_space<hbm>> -> memref<1000576x64xf32, #tpu.memory_space<hbm>>
      tpu.wait_indirect_dma semaphore(%arg19 : memref<!tpu.dma_semaphore, #tpu.memory_space<semaphore_mem>>) src(%dma_wait3A_1156 : memref<1000576x64xf32, #tpu.memory_space<hbm>>) dst(%dma_wait3A_1151 : memref<72x64xf32, #tpu.memory_space<vmem>>)
      %dma_wait3A_1157 = arith.constant 128 : i32
      %dma_wait3A_1158 = arith.constant 0 : i32
      %dma_wait3A_1159 = tpu.memref_slice %arg17[%dma_wait3A_1157, %dma_wait3A_1158] : memref<200x64xf32, #tpu.memory_space<vmem>> -> memref<72x64xf32, #tpu.memory_space<vmem>>
      %dma_wait3A_1160 = arith.constant 128 : i32
      %dma_wait3A_1161 = tpu.memref_slice %arg12[%dma_wait3A_1160] : memref<208xi32, #tpu.memory_space<vmem>> -> memref<72xi32, #tpu.memory_space<vmem>>
      %dma_wait3A_1162 = arith.constant 0 : i32
      %dma_wait3A_1163 = arith.constant 0 : i32
      %dma_wait3A_1164 = tpu.memref_slice %arg5[%dma_wait3A_1162, %dma_wait3A_1163] : memref<12800x64xf32, #tpu.memory_space<hbm>> -> memref<12800x64xf32, #tpu.memory_space<hbm>>
      tpu.wait_indirect_dma semaphore(%arg19 : memref<!tpu.dma_semaphore, #tpu.memory_space<semaphore_mem>>) src(%dma_wait3A_1164 : memref<12800x64xf32, #tpu.memory_space<hbm>>) dst(%dma_wait3A_1159 : memref<72x64xf32, #tpu.memory_space<vmem>>)
      %scan3A_1165 = arith.constant 0 : i32
      %scan3A_1166 = arith.constant 0 : i32
      %scan3A_1167 = arith.constant 200 : i32
      %scan3A_1168 = arith.addi %scan3A_1166, %scan3A_1167 : i32
      %scan3A_1169 = arith.constant 1 : i32
      scf.for %scan3A_1196 = %scan3A_1166 to %scan3A_1168 step %scan3A_1169  : i32 {
        %get3A_1197 = arith.index_cast %scan3A_1196 : i32 to index
        %get3A_1198 = arith.constant 0 : index
        %get3A_1199 = tpu.vector_load %arg15[%get3A_1197, %get3A_1198] {strides = array<i32>} : memref<200x64xf32, #tpu.memory_space<vmem>>, vector<1x16xf32>,
        %get3A_1200 = vector.shape_cast %get3A_1199 : vector<1x16xf32> to vector<16xf32>
        %get3A_1201 = arith.index_cast %scan3A_1196 : i32 to index
        %get3A_1202 = arith.constant 0 : index
        %get3A_1203 = tpu.vector_load %arg17[%get3A_1201, %get3A_1202] {strides = array<i32>} : memref<200x64xf32, #tpu.memory_space<vmem>>, vector<1x16xf32>,
        %get3A_1204 = vector.shape_cast %get3A_1203 : vector<1x16xf32> to vector<16xf32>
        %add3A_1205 = arith.addf %get3A_1200, %get3A_1204 : vector<16xf32>
        %swap3A_1206 = arith.index_cast %scan3A_1196 : i32 to index
        %swap3A_1207 = arith.constant 0 : index
        %swap3A_1208 = tpu.vector_load %arg15[%swap3A_1206, %swap3A_1207] {strides = array<i32>} : memref<200x64xf32, #tpu.memory_space<vmem>>, vector<1x16xf32>,
        %swap3A_1209 = vector.shape_cast %swap3A_1208 : vector<1x16xf32> to vector<16xf32>
        %swap3A_1210 = vector.shape_cast %add3A_1205 : vector<16xf32> to vector<1x16xf32>
        tpu.vector_store %arg15[%swap3A_1206, %swap3A_1207], %swap3A_1210 {strides = array<i32>} : memref<200x64xf32, #tpu.memory_space<vmem>>, vector<1x16xf32>,
        %get3A_1211 = arith.index_cast %scan3A_1196 : i32 to index
        %get3A_1212 = arith.constant 16 : index
        %get3A_1213 = tpu.vector_load %arg15[%get3A_1211, %get3A_1212] {strides = array<i32>} : memref<200x64xf32, #tpu.memory_space<vmem>>, vector<1x16xf32>,
        %get3A_1214 = vector.shape_cast %get3A_1213 : vector<1x16xf32> to vector<16xf32>
        %get3A_1215 = arith.index_cast %scan3A_1196 : i32 to index
        %get3A_1216 = arith.constant 16 : index
        %get3A_1217 = tpu.vector_load %arg17[%get3A_1215, %get3A_1216] {strides = array<i32>} : memref<200x64xf32, #tpu.memory_space<vmem>>, vector<1x16xf32>,
        %get3A_1218 = vector.shape_cast %get3A_1217 : vector<1x16xf32> to vector<16xf32>
        %add3A_1219 = arith.addf %get3A_1214, %get3A_1218 : vector<16xf32>
        %swap3A_1220 = arith.index_cast %scan3A_1196 : i32 to index
        %swap3A_1221 = arith.constant 16 : index
        %swap3A_1222 = tpu.vector_load %arg15[%swap3A_1220, %swap3A_1221] {strides = array<i32>} : memref<200x64xf32, #tpu.memory_space<vmem>>, vector<1x16xf32>,
        %swap3A_1223 = vector.shape_cast %swap3A_1222 : vector<1x16xf32> to vector<16xf32>
        %swap3A_1224 = vector.shape_cast %add3A_1219 : vector<16xf32> to vector<1x16xf32>
        tpu.vector_store %arg15[%swap3A_1220, %swap3A_1221], %swap3A_1224 {strides = array<i32>} : memref<200x64xf32, #tpu.memory_space<vmem>>, vector<1x16xf32>,
        %get3A_1225 = arith.index_cast %scan3A_1196 : i32 to index
        %get3A_1226 = arith.constant 32 : index
        %get3A_1227 = tpu.vector_load %arg15[%get3A_1225, %get3A_1226] {strides = array<i32>} : memref<200x64xf32, #tpu.memory_space<vmem>>, vector<1x16xf32>,
        %get3A_1228 = vector.shape_cast %get3A_1227 : vector<1x16xf32> to vector<16xf32>
        %get3A_1229 = arith.index_cast %scan3A_1196 : i32 to index
        %get3A_1230 = arith.constant 32 : index
        %get3A_1231 = tpu.vector_load %arg17[%get3A_1229, %get3A_1230] {strides = array<i32>} : memref<200x64xf32, #tpu.memory_space<vmem>>, vector<1x16xf32>,
        %get3A_1232 = vector.shape_cast %get3A_1231 : vector<1x16xf32> to vector<16xf32>
        %add3A_1233 = arith.addf %get3A_1228, %get3A_1232 : vector<16xf32>
        %swap3A_1234 = arith.index_cast %scan3A_1196 : i32 to index
        %swap3A_1235 = arith.constant 32 : index
        %swap3A_1236 = tpu.vector_load %arg15[%swap3A_1234, %swap3A_1235] {strides = array<i32>} : memref<200x64xf32, #tpu.memory_space<vmem>>, vector<1x16xf32>,
        %swap3A_1237 = vector.shape_cast %swap3A_1236 : vector<1x16xf32> to vector<16xf32>
        %swap3A_1238 = vector.shape_cast %add3A_1233 : vector<16xf32> to vector<1x16xf32>
        tpu.vector_store %arg15[%swap3A_1234, %swap3A_1235], %swap3A_1238 {strides = array<i32>} : memref<200x64xf32, #tpu.memory_space<vmem>>, vector<1x16xf32>,
        %get3A_1239 = arith.index_cast %scan3A_1196 : i32 to index
        %get3A_1240 = arith.constant 48 : index
        %get3A_1241 = tpu.vector_load %arg15[%get3A_1239, %get3A_1240] {strides = array<i32>} : memref<200x64xf32, #tpu.memory_space<vmem>>, vector<1x16xf32>,
        %get3A_1242 = vector.shape_cast %get3A_1241 : vector<1x16xf32> to vector<16xf32>
        %get3A_1243 = arith.index_cast %scan3A_1196 : i32 to index
        %get3A_1244 = arith.constant 48 : index
        %get3A_1245 = tpu.vector_load %arg17[%get3A_1243, %get3A_1244] {strides = array<i32>} : memref<200x64xf32, #tpu.memory_space<vmem>>, vector<1x16xf32>,
        %get3A_1246 = vector.shape_cast %get3A_1245 : vector<1x16xf32> to vector<16xf32>
        %add3A_1247 = arith.addf %get3A_1242, %get3A_1246 : vector<16xf32>
        %swap3A_1248 = arith.index_cast %scan3A_1196 : i32 to index
        %swap3A_1249 = arith.constant 48 : index
        %swap3A_1250 = tpu.vector_load %arg15[%swap3A_1248, %swap3A_1249] {strides = array<i32>} : memref<200x64xf32, #tpu.memory_space<vmem>>, vector<1x16xf32>,
        %swap3A_1251 = vector.shape_cast %swap3A_1250 : vector<1x16xf32> to vector<16xf32>
        %swap3A_1252 = vector.shape_cast %add3A_1247 : vector<16xf32> to vector<1x16xf32>
        tpu.vector_store %arg15[%swap3A_1248, %swap3A_1249], %swap3A_1252 {strides = array<i32>} : memref<200x64xf32, #tpu.memory_space<vmem>>, vector<1x16xf32>,
      }
      %scan3A_1170 = arith.constant 200 : i32
      %jit3A_1171 = arith.constant 200 : i32
      %div3A_1172 = arith.divsi %mul3A_2, %jit3A_1171 : i32
      %sign3A_1173 = arith.constant 0 : i32
      %sign3A_1174 = arith.cmpi sgt, %mul3A_2, %sign3A_1173 : i32
      %sign3A_1175 = arith.extui %sign3A_1174 : i1 to i32
      %sign3A_1176 = arith.constant 0 : i32
      %sign3A_1177 = arith.cmpi slt, %mul3A_2, %sign3A_1176 : i32
      %sign3A_1178 = arith.extui %sign3A_1177 : i1 to i32
      %sign3A_1179 = arith.subi %sign3A_1175, %sign3A_1178 : i32
      %sign3A_1180 = arith.constant 0 : i32
      %sign3A_1181 = arith.cmpi sgt, %jit3A_1171, %sign3A_1180 : i32
      %sign3A_1182 = arith.extui %sign3A_1181 : i1 to i32
      %sign3A_1183 = arith.constant 0 : i32
      %sign3A_1184 = arith.cmpi slt, %jit3A_1171, %sign3A_1183 : i32
      %sign3A_1185 = arith.extui %sign3A_1184 : i1 to i32
      %sign3A_1186 = arith.subi %sign3A_1182, %sign3A_1185 : i32
      %ne3A_1187 = arith.cmpi ne, %sign3A_1179, %sign3A_1186 : i32
      %rem3A_1188 = arith.remsi %mul3A_2, %jit3A_1171 : i32
      %ne3A_1189 = arith.constant 0 : i32
      %ne3A_1190 = arith.cmpi ne, %rem3A_1188, %ne3A_1189 : i32
      %and3A_1191 = arith.andi %ne3A_1187, %ne3A_1190 : i1
      %sub3A_1192 = arith.constant 1 : i32
      %sub3A_1193 = arith.subi %div3A_1172, %sub3A_1192 : i32
      %select_n3A_1194 = arith.select %and3A_1191, %sub3A_1193, %div3A_1172 : i32
      %add3A_1195 = arith.addi %select_n3A_1194, %add3A_1132 : i32
      "tpu.region"() ({
        %run_scoped3A = tpu.sem_alloc : memref<!tpu.dma_semaphore, #tpu.memory_space<semaphore_mem>>
        %dma_start3A_1196 = arith.constant 0 : i32
        %dma_start3A_1197 = arith.constant 0 : i32
        %dma_start3A_1198 = tpu.memref_slice %arg6[%add3A_1195, %dma_start3A_1196, %dma_start3A_1197] : memref<4096x200x64xf32, #tpu.memory_space<hbm>> -> memref<1x200x64xf32, #tpu.memory_space<hbm>>
        %dma_start3A_1199 = tpu.memref_squeeze %dma_start3A_1198 : memref<1x200x64xf32, #tpu.memory_space<hbm>> -> memref<200x64xf32, #tpu.memory_space<hbm>>
        %dma_start3A_1200 = arith.constant 0 : i32
        %dma_start3A_1201 = arith.constant 0 : i32
        %dma_start3A_1202 = tpu.memref_slice %arg6[%add3A_1195, %dma_start3A_1200, %dma_start3A_1201] : memref<4096x200x64xf32, #tpu.memory_space<hbm>> -> memref<1x200x64xf32, #tpu.memory_space<hbm>>
        %dma_start3A_1203 = tpu.memref_squeeze %dma_start3A_1202 : memref<1x200x64xf32, #tpu.memory_space<hbm>> -> memref<200x64xf32, #tpu.memory_space<hbm>>
        tpu.enqueue_dma source(%arg15 : memref<200x64xf32, #tpu.memory_space<vmem>>) target(%dma_start3A_1203 : memref<200x64xf32, #tpu.memory_space<hbm>>) target_semaphore(%run_scoped3A : memref<!tpu.dma_semaphore, #tpu.memory_space<semaphore_mem>>)
        %dma_wait3A_1204 = arith.constant 0 : i32
        %dma_wait3A_1205 = arith.constant 0 : i32
        %dma_wait3A_1206 = tpu.memref_slice %arg6[%add3A_1195, %dma_wait3A_1204, %dma_wait3A_1205] : memref<4096x200x64xf32, #tpu.memory_space<hbm>> -> memref<1x200x64xf32, #tpu.memory_space<hbm>>
        %dma_wait3A_1207 = tpu.memref_squeeze %dma_wait3A_1206 : memref<1x200x64xf32, #tpu.memory_space<hbm>> -> memref<200x64xf32, #tpu.memory_space<hbm>>
        %dma_wait3A_1208 = arith.constant 0 : i32
        %dma_wait3A_1209 = arith.constant 0 : i32
        %dma_wait3A_1210 = tpu.memref_slice %arg6[%add3A_1195, %dma_wait3A_1208, %dma_wait3A_1209] : memref<4096x200x64xf32, #tpu.memory_space<hbm>> -> memref<1x200x64xf32, #tpu.memory_space<hbm>>
        %dma_wait3A_1211 = tpu.memref_squeeze %dma_wait3A_1210 : memref<1x200x64xf32, #tpu.memory_space<hbm>> -> memref<200x64xf32, #tpu.memory_space<hbm>>
        tpu.wait_dma2 semaphore(%run_scoped3A : memref<!tpu.dma_semaphore, #tpu.memory_space<semaphore_mem>>) src(%arg15 : memref<200x64xf32, #tpu.memory_space<vmem>>) dst(%dma_wait3A_1211 : memref<200x64xf32, #tpu.memory_space<hbm>>)
        tpu.yield
      }) : () -> ()
    }
    %scan3A_578 = arith.constant 64 : i32
    return
  }
}

module attributes {stable_mosaic.version = 14 : i64} {
  func.func @body(%arg0: memref<200x64xf32, #tpu.memory_space<vmem>>, %arg1: memref<64x64xf32, #tpu.memory_space<vmem>>, %arg2: memref<200x64x64xf32, #tpu.memory_space<vmem>>) attributes {dimension_semantics = [], scalar_prefetch = 0 : i64, scratch_operands = 0 : i64, tpu.core_type = #tpu.core_type<tc>} {
    %get3A = arith.constant 0 : index
    %get3A_0 = arith.constant 0 : index
    %get3A_1 = vector.load %arg0[%get3A, %get3A_0] : memref<200x64xf32, #tpu.memory_space<vmem>>, vector<200x64xf32>
    %broadcast_in_dim3A = vector.shape_cast %get3A_1 : vector<200x64xf32> to vector<200x1x64xf32>
    %get3A_2 = arith.constant 0 : index
    %get3A_3 = arith.constant 0 : index
    %get3A_4 = vector.load %arg1[%get3A_2, %get3A_3] : memref<64x64xf32, #tpu.memory_space<vmem>>, vector<64x64xf32>
    %broadcast_in_dim3A_5 = vector.shape_cast %get3A_4 : vector<64x64xf32> to vector<1x64x64xf32>
    %add3A = vector.broadcast %broadcast_in_dim3A : vector<200x1x64xf32> to vector<200x64x64xf32>
    %add3A_6 = vector.broadcast %broadcast_in_dim3A_5 : vector<1x64x64xf32> to vector<200x64x64xf32>
    %add3A_7 = arith.addf %add3A, %add3A_6 : vector<200x64x64xf32>
    %swap3A = arith.constant 0 : index
    %swap3A_8 = arith.constant 0 : index
    %swap3A_9 = arith.constant 0 : index
    %swap3A_10 = vector.load %arg2[%swap3A, %swap3A_8, %swap3A_9] : memref<200x64x64xf32, #tpu.memory_space<vmem>>, vector<200x64x64xf32>
    tpu.vector_store %arg2[%swap3A, %swap3A_8, %swap3A_9], %add3A_7 {strides = array<i32>} : memref<200x64x64xf32, #tpu.memory_space<vmem>>, vector<200x64x64xf32>,
    return
  }
}

module attributes {stable_mosaic.version = 14 : i64} {
  func.func @body(%arg0: i32, %arg1: memref<64x8192xf32, #tpu.memory_space<vmem>>, %arg2: memref<64x8192xf32, #tpu.memory_space<vmem>>, %arg3: memref<8192x128xf32, #tpu.memory_space<vmem>>) attributes {dimension_semantics = [#tpu.dimension_semantics<arbitrary>], iteration_bounds = array<i64: 62>, scalar_prefetch = 0 : i64, scratch_operands = 0 : i64, tpu.core_type = #tpu.core_type<tc>, window_params = [{transform_indices = @transform_0, window_bounds = array<i64: 64, 8192>}, {transform_indices = @transform_1, window_bounds = array<i64: 64, 8192>}, {transform_indices = @transform_2, window_bounds = array<i64: 8192, 128>}]} {
    %get3A = arith.constant 0 : index
    %get3A_0 = arith.constant 0 : index
    %get3A_1 = vector.load %arg1[%get3A, %get3A_0] : memref<64x8192xf32, #tpu.memory_space<vmem>>, vector<64x8192xf32>
    %transpose3A = tpu.transpose %get3A_1, [1, 0] : vector<64x8192xf32> -> vector<8192x64xf32>
    %get3A_2 = arith.constant 0 : index
    %get3A_3 = arith.constant 0 : index
    %get3A_4 = vector.load %arg2[%get3A_2, %get3A_3] : memref<64x8192xf32, #tpu.memory_space<vmem>>, vector<64x8192xf32>
    %transpose3A_5 = tpu.transpose %get3A_4, [1, 0] : vector<64x8192xf32> -> vector<8192x64xf32>
    %concatenate3A = tpu.concatenate %transpose3A, %transpose3A_5 in 1 : vector<8192x64xf32>, vector<8192x64xf32> -> vector<8192x128xf32>
    %swap3A = arith.constant 0 : index
    %swap3A_6 = arith.constant 0 : index
    %swap3A_7 = vector.load %arg3[%swap3A, %swap3A_6] : memref<8192x128xf32, #tpu.memory_space<vmem>>, vector<8192x128xf32>
    tpu.vector_store %arg3[%swap3A, %swap3A_6], %concatenate3A {strides = array<i32>} : memref<8192x128xf32, #tpu.memory_space<vmem>>, vector<8192x128xf32>,
    return
  }
  func.func @transform_0(%arg0: i32) -> (i32, i32) {
    %c0_i32 = arith.constant 0 : i32
    %c0_i32_0 = arith.constant 0 : i32
    return %c0_i32, %arg0 : i32, i32
  }
  func.func @transform_1(%arg0: i32) -> (i32, i32) {
    %add3A = arith.constant 61 : i32
    %add3A_0 = arith.addi %arg0, %add3A : i32
    %c0_i32 = arith.constant 0 : i32
    %c0_i32_1 = arith.constant 0 : i32
    return %c0_i32, %add3A_0 : i32, i32
  }
  func.func @transform_2(%arg0: i32) -> (i32, i32) {
    %c0_i32 = arith.constant 0 : i32
    %c0_i32_0 = arith.constant 0 : i32
    return %arg0, %c0_i32 : i32, i32
  }
}

module attributes {stable_mosaic.version = 14 : i64} {
  func.func @body(%arg0: i32, %arg1: memref<12800x128xf32, #tpu.memory_space<vmem>>, %arg2: memref<200x64x128xf32, #tpu.memory_space<vmem>>) attributes {dimension_semantics = [#tpu.dimension_semantics<arbitrary>], iteration_bounds = array<i64: 32>, scalar_prefetch = 0 : i64, scratch_operands = 0 : i64, tpu.core_type = #tpu.core_type<tc>, window_params = [{transform_indices = @transform_0, window_bounds = array<i64: 12800, 128>}, {transform_indices = @transform_1, window_bounds = array<i64: 200, 64, 128>}]} {
    %get3A = arith.constant 0 : index
    %get3A_0 = arith.constant 0 : index
    %get3A_1 = vector.load %arg1[%get3A, %get3A_0] : memref<12800x128xf32, #tpu.memory_space<vmem>>, vector<12800x128xf32>
    %reshape3A = vector.shape_cast %get3A_1 : vector<12800x128xf32> to vector<128x100x128xf32>
    %transpose3A = tpu.transpose %reshape3A, [1, 0, 2] : vector<128x100x128xf32> -> vector<100x128x128xf32>
    %transpose3A_2 = tpu.transpose %transpose3A, [0, 2, 1] : vector<100x128x128xf32> -> vector<100x128x128xf32>
    %reshape3A_3 = vector.shape_cast %transpose3A_2 : vector<100x128x128xf32> to vector<200x64x128xf32>
    %swap3A = arith.constant 0 : index
    %swap3A_4 = arith.constant 0 : index
    %swap3A_5 = arith.constant 0 : index
    %swap3A_6 = vector.load %arg2[%swap3A, %swap3A_4, %swap3A_5] : memref<200x64x128xf32, #tpu.memory_space<vmem>>, vector<200x64x128xf32>
    tpu.vector_store %arg2[%swap3A, %swap3A_4, %swap3A_5], %reshape3A_3 {strides = array<i32>} : memref<200x64x128xf32, #tpu.memory_space<vmem>>, vector<200x64x128xf32>,
    return
  }
  func.func @transform_0(%arg0: i32) -> (i32, i32) {
    %c0_i32 = arith.constant 0 : i32
    %c0_i32_0 = arith.constant 0 : i32
    return %arg0, %c0_i32 : i32, i32
  }
  func.func @transform_1(%arg0: i32) -> (i32, i32, i32) {
    %c0_i32 = arith.constant 0 : i32
    %c0_i32_0 = arith.constant 0 : i32
    %c0_i32_1 = arith.constant 0 : i32
    return %c0_i32, %c0_i32_0, %arg0 : i32, i32, i32
  }
}

</mosaic_0001>

<sc_bundles>
// kernel: kernel.6.cloned.1.call-start
scs
__scs_entry_jumppad:
0x0: {  	(pc) =	sbr.rel $0x88, $3  }
0x1: {  	(tag) =	ssettag $0x0;
	lr =	simm.s32 $0x1  }
0x2: {  	[smem:$0x3F9D] =	sst lr;
	_ =	strace $0xD0000000  }
0x3: {  	_ = 	snop  }
0x4: {  	_ = 	snop  }
0x5: {  	_ = 	snop  }
0x6: {  	_ = 	snop  }
0x7: {  	_ = 	snop  }
__scs_overlays_trampoline_lowered:
0x8: {  	[smem:$0x3FAC] =	sst s0  }
0x9: {  	[smem:$0x3FAD] =	sst s1  }
0xa: {  	[smem:$0x3FAE] =	sst s2  }
0xb: {  	[smem:$0x3FAF] =	sst s3  }
0xc: {  	[smem:$0x3FB0] =	sst s4  }
0xd: {  	[smem:$0x3FB1] =	sst s5  }
0xe: {  	[smem:$0x3FB2] =	sst s6  }
0xf: {  	[smem:$0x3FB3] =	sst s7  }
0x10: {  	[smem:$0x3FB4] =	sst s8  }
0x11: {  	[smem:$0x3FB5] =	sst s9;
	s0 =	simm.s32 @!p0 $0x0  }
0x12: {  	s1 =	sld [smem:$0x3F9B];
	s0 =	simm.s32 @p0 $0x1  }
0x13: {  	[smem:$0x3FB6] =	sst s0;
	s0 =	simm.s32 @!p1 $0x0  }
0x14: {  	s2 =	sld [smem:$0x3F9A];
	s0 =	simm.s32 @p1 $0x1  }
0x15: {  	[smem:$0x3FB7] =	sst s0;
	s0 =	simm.s32 @!p2 $0x0  }
0x16: {  	s3 =	sld [smem:$0x3FDB];
	s0 =	simm.s32 @p2 $0x1  }
0x17: {  	s4 =	simm.s32 $0x1BF5;
	[smem:$0x3FB9] =	sst s0  }
0x18: {  	s0 =	sld [smem:$0x3F9C];
	_ =	swait.ge [sflag:s4], $0x0  }
0x19: {  	s7 =	sld [smem:$0x3F9D]  }
0x1a: {  	s8 =	sadd.s32 $0xFFFFE003, lr  }
0x1b: {  	s9 =	sadd.s32 $0xFFFFFEF7, lr;
	s5 =	simm.s32 $0xFFFFFFFF;
	p2 =	slt.u32 s8, $0xFFFFF086  }
0x1c: {  	p1 =	slt.u32 s9, $0xF7A;
	s5 =	simm.s32 @!p2 $0x0  }
0x1d: {  	s5 =	simm.s32 @p1 $0x1;
	p0 =	seq.s32 s7, s2  }
0x1e: {  	s7 =	smul.u32 @!p0 $0xF7A, s2;
	p2 =	seq.s32 @!p0 s5, $0x0  }
0x1f: {  	s9 =	smul.u32 $0xF7A, s1;
	s8 =	simm.s32 @!p0 $0x1BF5;
	p2 =	por !p2, p0  }
0x20: {  	[sflag:s8] =	ssyncset.s32 @!p0 $0xFFFFF086;
	s6 =	sadd.s32 @!p0 s3, s7;
	s7 =	simm.s32 @!p0 $0x108  }
0x21: {  	s3 =	sadd.s32 s3, s9;
	s6 =	sadd.s32 @!p0 $0x88, s6;
	s7 =	simm.s32 @p2 $0x1082  }
0x22: {  	[simem:s7], [sflag:s8] =	dma.local @!p0 [hbm:s6], $0xF7A  }
0x23: {  	s9 =	sor.u32 $0xD0000000, s2;
	s6 =	simm.s32 $0x108;
	_ =	swait.ge @!p0 [sflag:s8], $0x0  }
0x24: {  	s3 =	sadd.s32 $0x88, s3;
	s6 =	simm.s32 @!p1 $0x1082;
	[sflag:s4] =	ssyncset.s32 $0xFFFFF086  }
0x25: {  	[simem:s6], [sflag:s4] =	dma.local [hbm:s3], $0xF7A  }
0x26: {  	[smem:$0x3F9D] =	sst s1;
	(tag) =	ssettag s2;
	_ =	strace s9  }
0x27: {  	s1 =	sld [smem:$0x3FAD]  }
0x28: {  	s2 =	sld [smem:$0x3FAE]  }
0x29: {  	s4 =	sld [smem:$0x3FB0]  }
0x2a: {  	p0 =	seq.s32 s5, $0x0;
	s5 =	sld [smem:$0x3FB1]  }
0x2b: {  	s6 =	sld [smem:$0x3FB2]  }
0x2c: {  	s7 =	sld [smem:$0x3FB3]  }
0x2d: {  	s3 =	simm.s32 $0x108;
	s8 =	sld [smem:$0x3FB4]  }
0x2e: {  	s3 =	simm.s32 @!p0 $0x1082;
	s9 =	sld [smem:$0x3FB5]  }
0x2f: {  	lr =	sadd.s32 s0, s3;
	s0 =	sld [smem:$0x3FAC]  }
0x30: {  	s3 =	sld [smem:$0x3FAF]  }
0x31: {  	[smem:$0x3FB8] =	sst s10  }
0x32: {  	s10 =	sld [smem:$0x3FB6];
	_ =	sdelay $0x3  }
0x33: {  	p0 =	seq.s32 s10, $0x1;
	s10 =	sld [smem:$0x3FB8];
	_ =	sdelay $0x3  }
0x34: {  	[smem:$0x3FB8] =	sst s10  }
0x35: {  	s10 =	sld [smem:$0x3FB7];
	_ =	sdelay $0x3  }
0x36: {  	p1 =	seq.s32 s10, $0x1;
	s10 =	sld [smem:$0x3FB8];
	_ =	sdelay $0x3  }
0x37: {  	[smem:$0x3FB8] =	sst s10  }
0x38: {  	s10 =	sld [smem:$0x3FB9]  }
0x39: {  	_ = 	snop;
	(pc) =	sbr.ind lr, $3  }
0x3a: {  	_ = 	snop  }
0x3b: {  	_ = 	snop  }
0x3c: {  	p2 =	seq.s32 s10, $0x1;
	s10 =	sld [smem:$0x3FB8]  }
0x3d: {  	_ =	shalt  }
0x3e: {  	_ =	shalt  }
0x3f: {  	_ =	shalt  }
0x40: {  	_ =	shalt  }
0x41: {  	_ =	shalt  }
0x42: {  	_ =	shalt  }
0x43: {  	_ =	shalt  }
0x44: {  	_ =	shalt  }
0x45: {  	_ =	shalt  }
0x46: {  	_ =	shalt  }
0x47: {  	_ =	shalt  }
0x48: {  	_ =	shalt  }
0x49: {  	_ =	shalt  }
0x4a: {  	_ =	shalt  }
0x4b: {  	_ =	shalt  }
0x4c: {  	_ =	shalt  }
0x4d: {  	_ =	shalt  }
0x4e: {  	_ =	shalt  }
0x4f: {  	_ =	shalt  }
0x50: {  	_ =	shalt  }
0x51: {  	_ =	shalt  }
0x52: {  	_ =	shalt  }
0x53: {  	_ =	shalt  }
0x54: {  	_ =	shalt  }
0x55: {  	_ =	shalt  }
0x56: {  	_ =	shalt  }
0x57: {  	_ =	shalt  }
0x58: {  	_ =	shalt  }
0x59: {  	_ =	shalt  }
0x5a: {  	_ =	shalt  }
0x5b: {  	_ =	shalt  }
0x5c: {  	_ =	shalt  }
0x5d: {  	_ =	shalt  }
0x5e: {  	_ =	shalt  }
0x5f: {  	_ =	shalt  }
0x60: {  	_ =	shalt  }
0x61: {  	_ =	shalt  }
0x62: {  	_ =	shalt  }
0x63: {  	_ =	shalt  }
0x64: {  	_ =	shalt  }
0x65: {  	_ =	shalt  }
0x66: {  	_ =	shalt  }
0x67: {  	_ =	shalt  }
0x68: {  	_ =	shalt  }
0x69: {  	_ =	shalt  }
0x6a: {  	_ =	shalt  }
0x6b: {  	_ =	shalt  }
0x6c: {  	_ =	shalt  }
0x6d: {  	_ =	shalt  }
0x6e: {  	_ =	shalt  }
0x6f: {  	_ =	shalt  }
0x70: {  	_ =	shalt  }
0x71: {  	_ =	shalt  }
0x72: {  	_ =	shalt  }
0x73: {  	_ =	shalt  }
0x74: {  	_ =	shalt  }
0x75: {  	_ =	shalt  }
0x76: {  	_ =	shalt  }
0x77: {  	_ =	shalt  }
0x78: {  	_ =	shalt  }
0x79: {  	_ =	shalt  }
0x7a: {  	_ =	shalt  }
0x7b: {  	_ =	shalt  }
0x7c: {  	_ =	shalt  }
0x7d: {  	_ =	shalt  }
0x7e: {  	_ =	shalt  }
0x7f: {  	_ =	shalt  }
0x80: {  	_ =	shalt  }
0x81: {  	_ =	shalt  }
0x82: {  	_ =	shalt  }
0x83: {  	_ =	shalt  }
0x84: {  	_ =	shalt  }
0x85: {  	_ =	shalt  }
0x86: {  	_ =	shalt  }
0x87: {  	_ =	shalt  }
.Lfunc_end0:
.L_simem_size_0:
called_computation_lowered:
.L_overlay_start_0:
0x88: {  	s2 =	sld [smem:$0x3FD9]  }
0x89: {  	s3 =	sld [smem:$0x3FFE];
	_ =	sdelay $0x1  }
0x8a: {  	s1 =	srdreg.scid  }
0x8b: {  	s0 =	sand.u32 $0x1, s1  }
0x8c: {  	s17 =	sshll.u32 s0, $0xA;
	s2 =	sadd.s32 s3, s2  }
0x8d: {  	s2 =	sadd.s32 s2, s17  }
0x8e: {  	[smem:$0x3FC4] =	sst s2  }
0x8f: {  	_ = 	snop  }
0x90: {  	s2 =	sld [smem:$0x3FD0];
	(tm) =	ssettm $0x1  }
0x91: {  	s18 =	sld [smem:$0x3FFB];
	_ =	sdelay $0x3  }
0x92: {  	_ =	strace s18  }
0x93: {  	s3 =	sld [smem:$0x3FFC];
	_ =	sdelay $0x3  }
0x94: {  	_ =	strace s3  }
0x95: {  	s3 =	sld [smem:$0x3FFD];
	_ =	sdelay $0x3  }
0x96: {  	_ =	strace s3  }
0x97: {  	_ =	strace $0x8FFFFFFF  }
0x98: {  	s19 =	sld [smem:$0x3FDB];
	_ =	sdelay $0x1  }
0x99: {  	s4 =	simm.s32 $_scs_section_size  }
0x9a: {  	s5 =	simm.s32 $_size__tile_overlayer_lowered;
	s6 =	simm.s32 $_tile_overlayer_lowered  }
0x9b: {  	s22 =	simm.s32 $0x1BFF;
	s21 =	sshll.u32 s6, $0x1;
	s3 =	sadd.s32 s4, s19  }
0x9c: {  	s7 =	simm.s32 $0x0;
	s20 =	sshll.u32 s5, $0x1;
	s5 =	sadd.s32 s21, s3  }
0x9d: {  	[timem:s7], [sflag:s22] =	dma.local [hbm:s5], s20  }
0x9e: {  	_ =	swait.ge [sflag:s22], s20  }
0x9f: {  	s4 =	ssub.s32 $0x0, s20;
	[sflag:s22] =	ssyncset.done $0x0  }
0xa0: {  	[sflag:s22] =	ssyncadd.s32 s4;
	_ =	sdelay $0x1  }
0xa1: {  	s23 =	simm.s32 $0x1B8B  }
0xa2: {  	_ =	swait.ge [sflag:s23], $0x1  }
0xa3: {  	[sflag:s23] =	ssyncset.done $0x0  }
0xa4: {  	s25 =	simm.s32 $0x1B8E;
	s24 =	sld [smem:$0x3FFE];
	[sflag:s23] =	ssyncadd.s32 $0xFFFFFFFF  }
0xa5: {  	s26 =	simm.s32 $execute0_lowered;
	[smem:$0x3FD2] =	sst s25  }
0xa6: {  	s5 =	sshll.u32 s26, $0x1;
	_ =	strace $0x80000046;
	[dreg:$0x1] =	wrdreg $0xFFFFFFFF  }
0xa7: {  	s28 =	simm.s32 $_size_execute0_lowered;
	s3 =	sadd.s32 s3, s5;
	[dreg:$0x0] =	wrdreg $0x0  }
0xa8: {  	s5 =	sshll.u32 s28, $0x1;
	[dreg:$0x2] =	wrdreg s3  }
0xa9: {  	[dreg:$0x3] =	wrdreg s5  }
0xaa: {  	[dreg:$0x4] =	wrdreg $0xC0  }
0xab: {  	_ =	task [dreg:s7], $0x5FFFF  }
0xac: {  	[dreg:$0x1] =	wrdreg $0xFFFFFFFF  }
0xad: {  	[dreg:$0x0] =	wrdreg $0x60  }
0xae: {  	[dreg:$0x2] =	wrdreg s2  }
0xaf: {  	[dreg:$0x3] =	wrdreg s24  }
0xb0: {  	[dreg:$0x4] =	wrdreg $0x9  }
0xb1: {  	_ =	task.clear_ibuf [dreg:s7], $0x5FFFF;
	_ =	strace $0x90000046  }
0xb2: {  	s29 =	simm.s32 $0x9;
	_ =	strace $0x80000048  }
0xb3: {  	_ =	swait.ge [sflag:s29], $0x1  }
0xb4: {  	[sflag:s29] =	ssyncadd.s32 $0xFFFFFFFF  }
0xb5: {  	_ =	strace $0x90000048  }
0xb6: {  	_ =	sfence  }
0xb7: {  	s30 =	sld [smem:$0x0];
	_ =	sdelay $0x2  }
0xb8: {  	s31 =	sshll.u32 s1, $0xD;
	s1 =	sshrl.u32 s1, $0x2  }
0xb9: {  	s3 =	sand.u32 $0x4000, s31;
	s1 =	sadd.s32 s1, s30  }
0xba: {  	s0 =	sor.u32 s3, s0;
	s1 =	sshll.u32 s1, $0x11  }
0xbb: {  	s0 =	sor.u32 s1, s0  }
0xbc: {  	s0 =	sadd.s32 $0x8F2B, s0  }
0xbd: {  	[sflag:s0] =	ssyncadd.remote.s32 $0x1  }
0xbe: {  	_ =	sfence.sel $0xFFFF  }
0xbf: {  	[dreg:$0x0] =	wrdreg $0xFFFFFFFF;
	(pc) =	sbr.abs _section_cstart, $3  }
0xc0: {  	[dreg:$0x1] =	wrdreg $0xFFFFFFFF  }
0xc1: {  	_ =	task.clear_ibuf [dreg:s7], $0x2FFFF;
	_ =	strace $0x9FFFFFFF  }
0xc2: {  	(tm) =	ssettm $0x7FFFFFFF  }
0xc3: {  	_ =	shalt  }
tec
execute0_lowered:
.L_overlay_start_1:
0x0: {  	(tag) =	ssettag $0x1  }
0x1: {  	s0 =	rddreg [dreg:$0x0];
	s1 =	srdreg.scid  }
0x2: {  	s2 =	stileid.u32;
	s5 =	rddreg [dreg:$0x1]  }
0x3: {  	s10 =	simm.s32 $0x3;
	s12 =	simm.s32 $0x80;
	s14 =	simm.s32 $0xCC30  }
0x4: {  	s15 =	simm.s32 $0xC9C0;
	s16 =	simm.s32 $0x13030;
	s17 =	simm.s32 $0x48  }
0x5: {  	s18 =	simm.s32 $0xC8A0;
	s19 =	simm.s32 $0xEC30;
	s20 =	simm.s32 $0xCA40  }
0x6: {  	s21 =	simm.s32 $0x15030;
	s22 =	simm.s32 $0xC8F0;
	s23 =	simm.s32 $0xFE30  }
0x7: {  	s24 =	simm.s32 $0xCA90;
	s28 =	simm.s32 $0x11E30;
	s29 =	simm.s32 $0xCB10  }
0x8: {  	s30 =	simm.s32 $0x18230;
	s1 =	sand.u32 $0x1, s1;
	s3 =	sshll.u32 s2, $0x1  }
0x9: {  	s31 =	simm.s32 $0x1;
	s2 =	simm.s32 $0x0;
	s6 =	sor.u32 s1, s3  }
0xa: {  	v0 =	vlaneseq.u32;
	s4 =	sadd.s32 $0x19200, s5;
	s1 =	ssub.s32 $0x2, s1;
	s7 =	smul.u32 $0xC80, s6  }
0xb: {  	v0 =	vmul.u32 $0x40, v0;
	[smem:$0x7FF] =	sst s2;
	s3 =	sadd.s32 $0x32200, s5;
	s9 =	sshrl.u32 s1, $0x1  }
0xc: {  	_ =	strace $0x80000047;
	s1 =	ssub.s32 s1, s9;
	s8 =	sadd.s32 s7, s5  }
0xd: {  	v1 =	vor.u32 $0x400, v0;
	v2 =	vor.u32 $0x800, v0;
	v3 =	vor.u32 $0xC00, v0;
	s5 =	sadd.s32 $0x7D4600, s5;
	s0 =	sadd.s32 s0, s7;
	s26 =	smax.u32 s1, $0x1  }
0xe: {  	v4 =	vor.u32 $0x1000, v0;
	v5 =	vor.u32 $0x1400, v0;
	v6 =	vor.u32 $0x1800, v0;
	s1 =	simm.s32 $0x2;
	[dreg:$0x3] =	wrdreg s0;
	s25 =	sadd.s32 $0x200, s8  }
0xf: {  	v7 =	vor.u32 $0x1C00, v0;
	v8 =	vor.u32 $0x2000, v0;
	v9 =	vor.u32 $0x2400, v0;
	s8 =	sshll.u32 s6, $0x7;
	[dreg:$0x5] =	wrdreg s26;
	s26 =	simm.s32 $0xC970  }
0x10: {  	v10 =	vor.u32 $0x2800, v0;
	v11 =	vor.u32 $0x2C00, v0;
	v12 =	vor.u32 $0x3000, v0;
	s6 =	simm.s32 $0x0;
	[dreg:$0x4] =	wrdreg s25;
	s25 =	simm.s32 $0x16230  }
.LBB2_1:
0x11: {  	[dreg:$0x6] =	wrdreg s6  }
0x12: {  	s0 =	rddreg [dreg:$0x3]  }
0x13: {  	[tilespmem:s2], [sflag:$0x3] =	stream.linear.gather [hbm4b:s0+s2], $0x6400, $0x38;
	[tilespmem:$0x19430] =	vst v63  }
0x14: {  	_ =	swait.ge [sflag:s10], $0x6400  }
0x15: {  	[sflag:s10] =	ssyncset.done $0x0  }
0x16: {  	s11 =	simm.s32 $0x6410;
	s9 =	rddreg [dreg:$0x4];
	[sflag:s10] =	ssyncadd.s32 $0xFFFF9C00  }
0x17: {  	[tilespmem:s11], [sflag:$0x3] =	stream.linear.gather [hbm4b:s9+s2], $0x6400, $0x38;
	[tilespmem:$0x19430] =	vst v63  }
0x18: {  	_ =	swait.ge [sflag:s10], $0x6400  }
0x19: {  	[sflag:s10] =	ssyncset.done $0x0  }
0x1a: {  	[sflag:s10] =	ssyncadd.s32 $0xFFFF9C00  }
0x1b: {  	v13 =	vld [tilespmem:$0x6410]  }
0x1c: {  	v14 =	vld [tilespmem:$0x0]  }
0x1d: {  	v15 =	vld [tilespmem:$0x6420]  }
0x1e: {  	v17 =	vld [tilespmem:$0x10]  }
0x1f: {  	v18 =	vld [tilespmem:$0x6430]  }
0x20: {  	v20 =	vld [tilespmem:$0x20]  }
0x21: {  	[tilespmem:$0xCB70] =	vst v1;
	v21 =	vld [tilespmem:$0x6440]  }
0x22: {  	v16 =	vld [tilespmem:$0xCB70]  }
0x23: {  	[tilespmem:$0xCB80] =	vst v2;
	v34 =	vld [tilespmem:$0x6450]  }
0x24: {  	[tilespmem:$0xCB90] =	vst v3;
	v36 =	vld [tilespmem:$0x40];
	v13 =	vadd.s32 v0, v13;
	v22 =	vshll.u32 v14, $0x1  }
0x25: {  	v19 =	vld [tilespmem:$0xCB80];
	vm0 =	vgt.s32 v14, $0x79FFF;
	[tilespmem:$0xC9C0] =	vst v13;
	v13 =	vadd.s32 $0xFFF0C001, v22  }
0x26: {  	[tilespmem:$0xCBA0] =	vst v4;
	v39 =	vld [tilespmem:$0x50];
	v13 =	vsel vm0, v13, v22  }
0x27: {  	v23 =	vld [tilespmem:$0xCB90];
	[tilespmem:$0xC820] =	vst v13;
	v13 =	vadd.s32 v15, v16;
	v15 =	vshll.u32 v17, $0x1  }
0x28: {  	v14 =	vld [tilespmem:$0x30];
	vm4 =	vgt.s32 v17, $0x79FFF;
	[tilespmem:$0xC9D0] =	vst v13;
	v13 =	vadd.s32 $0xFFF0C001, v15  }
0x29: {  	[tilespmem:$0xCBB0] =	vst v5;
	v40 =	vld [tilespmem:$0x6470];
	v13 =	vsel vm4, v13, v15  }
0x2a: {  	v43 =	vld [tilespmem:$0x6480];
	v37 =	vshll.u32 v20, $0x1;
	[tilespmem:$0xC830] =	vst v13;
	v13 =	vadd.s32 v18, v19  }
0x2b: {  	v35 =	vld [tilespmem:$0xCBA0];
	vm5 =	vgt.s32 v20, $0x79FFF;
	[tilespmem:$0xC9E0] =	vst v13;
	v13 =	vadd.s32 $0xFFF0C001, v37  }
0x2c: {  	[tilespmem:$0xCBC0] =	vst v6;
	v46 =	vld [tilespmem:$0x70];
	v13 =	vsel vm5, v13, v37  }
0x2d: {  	v38 =	vld [tilespmem:$0xCBB0];
	v41 =	vshll.u32 v14, $0x1;
	[tilespmem:$0xC840] =	vst v13;
	v13 =	vadd.s32 v21, v23  }
0x2e: {  	v15 =	vld [tilespmem:$0x6460];
	vm6 =	vgt.s32 v14, $0x79FFF;
	[tilespmem:$0xC9F0] =	vst v13;
	v13 =	vadd.s32 $0xFFF0C001, v41  }
0x2f: {  	[tilespmem:$0xCBD0] =	vst v7;
	v47 =	vld [tilespmem:$0x6490];
	v13 =	vsel vm6, v13, v41  }
0x30: {  	v42 =	vld [tilespmem:$0xCBC0];
	v44 =	vshll.u32 v36, $0x1;
	[tilespmem:$0xC850] =	vst v13;
	v13 =	vadd.s32 v34, v35  }
0x31: {  	vm7 =	vgt.s32 v36, $0x79FFF;
	v14 =	vld [tilespmem:$0x60];
	[tilespmem:$0xCA00] =	vst v13;
	v13 =	vadd.s32 $0xFFF0C001, v44  }
0x32: {  	[tilespmem:$0xCBE0] =	vst v8;
	v49 =	vld [tilespmem:$0x80];
	v13 =	vsel vm7, v13, v44  }
0x33: {  	v52 =	vld [tilespmem:$0x64B0];
	[tilespmem:$0xC860] =	vst v13;
	v13 =	vadd.s32 v15, v38;
	v15 =	vshll.u32 v39, $0x1  }
0x34: {  	v45 =	vld [tilespmem:$0xCBD0];
	vm8 =	vgt.s32 v39, $0x79FFF;
	[tilespmem:$0xCA10] =	vst v13;
	v13 =	vadd.s32 $0xFFF0C001, v15  }
0x35: {  	[tilespmem:$0xCBF0] =	vst v9;
	v55 =	vld [tilespmem:$0xA0];
	v13 =	vsel vm8, v13, v15  }
0x36: {  	v56 =	vld [tilespmem:$0x64C0];
	v50 =	vshll.u32 v14, $0x1;
	[tilespmem:$0xC870] =	vst v13;
	v13 =	vadd.s32 v40, v42  }
0x37: {  	v48 =	vld [tilespmem:$0xCBE0];
	vm9 =	vgt.s32 v14, $0x79FFF;
	[tilespmem:$0xCA20] =	vst v13;
	v13 =	vadd.s32 $0xFFF0C001, v50  }
0x38: {  	[tilespmem:$0xCC00] =	vst v10;
	v51 =	vld [tilespmem:$0xCBF0];
	v13 =	vsel vm9, v13, v50  }
0x39: {  	v53 =	vshll.u32 v46, $0x1;
	v14 =	vld [tilespmem:$0x90];
	[tilespmem:$0xC880] =	vst v13;
	v13 =	vadd.s32 v43, v45  }
0x3a: {  	vm10 =	vgt.s32 v46, $0x79FFF;
	v15 =	vld [tilespmem:$0x64A0];
	[tilespmem:$0xCA30] =	vst v13;
	v13 =	vadd.s32 $0xFFF0C001, v53  }
0x3b: {  	[tilespmem:$0xCC10] =	vst v11;
	v59 =	vld [tilespmem:$0xB0];
	v13 =	vsel vm10, v13, v53  }
0x3c: {  	v54 =	vld [tilespmem:$0xCC00];
	v57 =	vshll.u32 v49, $0x1;
	[tilespmem:$0xC890] =	vst v13;
	v13 =	vadd.s32 v47, v48  }
0x3d: {  	v24 =	vld [tilespmem:$0x64D0];
	vm11 =	vgt.s32 v49, $0x79FFF;
	[tilespmem:$0xCA40] =	vst v13;
	v13 =	vadd.s32 $0xFFF0C001, v57  }
0x3e: {  	[tilespmem:$0xCC20] =	vst v12;
	v58 =	vld [tilespmem:$0xCC10];
	v60 =	vshll.u32 v14, $0x1;
	v13 =	vsel vm11, v13, v57  }
0x3f: {  	v61 =	vld [tilespmem:$0xC0];
	vm12 =	vgt.s32 v14, $0x79FFF;
	v14 =	vadd.s32 $0xFFF0C001, v60;
	[tilespmem:$0xC8A0] =	vst v13;
	v13 =	vadd.s32 v15, v51  }
0x40: {  	v15 =	vld [tilespmem:$0xCC20];
	[tilespmem:$0xCA50] =	vst v13;
	v13 =	vsel vm12, v14, v60;
	v14 =	vshll.u32 v55, $0x1  }
0x41: {  	vm13 =	vgt.s32 v55, $0x79FFF;
	[tilespmem:$0xC8B0] =	vst v13;
	v13 =	vadd.s32 v52, v54;
	v62 =	vadd.s32 $0xFFF0C001, v14  }
0x42: {  	v14 =	vsel vm13, v62, v14;
	[tilespmem:$0xCA60] =	vst v13;
	v13 =	vshll.u32 v59, $0x1  }
0x43: {  	vm14 =	vgt.s32 v59, $0x79FFF;
	[tilespmem:$0xC8C0] =	vst v14;
	v14 =	vadd.s32 v56, v58;
	v63 =	vadd.s32 $0xFFF0C001, v13  }
0x44: {  	[tilespmem:$0xCA70] =	vst v14;
	v13 =	vsel vm14, v63, v13  }
0x45: {  	v14 =	vshll.u32 v61, $0x1;
	[tilespmem:$0xC8D0] =	vst v13;
	v13 =	vadd.s32 v24, v15  }
0x46: {  	vm15 =	vgt.s32 v61, $0x79FFF;
	[tilespmem:$0xCA80] =	vst v13;
	v13 =	vadd.s32 $0xFFF0C001, v14  }
0x47: {  	[tilespmem:$0xCB60] =	vst v0;
	v13 =	vsel vm15, v13, v14  }
0x48: {  	s13 =	simm.s32 $0xC820;
	[tilespmem:$0xC8E0] =	vst v13  }
0x49: {  	[tilespmem:s14], [sflag:$0x1] =	stream.indirect.gather [hbm4b:s3+s12], $0x40, s13, s12, $0xb8;
	[tilespmem:$0x19430] =	vst v63  }
0x4a: {  	_ = 	snop  }
0x4b: {  	[tilespmem:s16], [sflag:$0x1] =	stream.indirect.gather [hbm4b:s4+s12], $0x40, s15, s12, $0xb8;
	[tilespmem:$0x19430] =	vst v63  }
0x4c: {  	_ = 	snop  }
0x4d: {  	[tilespmem:s19], [sflag:$0x1] =	stream.indirect.gather [hbm4b:s3+s17], $0x40, s18, s17, $0xb8;
	[tilespmem:$0x19430] =	vst v63  }
0x4e: {  	s11 =	simm.s32 $0x0  }
0x4f: {  	[tilespmem:s21], [sflag:$0x1] =	stream.indirect.gather [hbm4b:s4+s17], $0x40, s20, s17, $0xb8;
	[tilespmem:$0x19430] =	vst v63  }
.LBB2_2:
0x50: {  	s6 =	sshllo.u32 s11, $0x1  }
0x51: {  	s7 =	smul.u32 $0xC8, s6  }
0x52: {  	v14 =	vld [tilespmem:$0xCB60]  }
0x53: {  	v13 =	vld [tilespmem:s7+$0x6410];
	_ =	sdelay $0x4  }
0x54: {  	v13 =	vadd.s32 v13, v14  }
0x55: {  	[tilespmem:$0xCA90] =	vst v13  }
0x56: {  	v13 =	vld [tilespmem:s7+$0x0];
	_ =	sdelay $0x4  }
0x57: {  	v14 =	vshll.u32 v13, $0x1  }
0x58: {  	vm0 =	vgt.s32 v13, $0x79FFF;
	v13 =	vadd.s32 $0xFFF0C001, v14  }
0x59: {  	v13 =	vsel vm0, v13, v14  }
0x5a: {  	v14 =	vld [tilespmem:$0xCB70];
	[tilespmem:$0xC8F0] =	vst v13  }
0x5b: {  	v13 =	vld [tilespmem:s7+$0x6420];
	_ =	sdelay $0x4  }
0x5c: {  	v13 =	vadd.s32 v13, v14  }
0x5d: {  	[tilespmem:$0xCAA0] =	vst v13  }
0x5e: {  	v13 =	vld [tilespmem:s7+$0x10];
	_ =	sdelay $0x4  }
0x5f: {  	v14 =	vshll.u32 v13, $0x1  }
0x60: {  	vm4 =	vgt.s32 v13, $0x79FFF;
	v13 =	vadd.s32 $0xFFF0C001, v14  }
0x61: {  	v13 =	vsel vm4, v13, v14  }
0x62: {  	v14 =	vld [tilespmem:$0xCB80];
	[tilespmem:$0xC900] =	vst v13  }
0x63: {  	v13 =	vld [tilespmem:s7+$0x6430];
	_ =	sdelay $0x4  }
0x64: {  	v13 =	vadd.s32 v13, v14  }
0x65: {  	[tilespmem:$0xCAB0] =	vst v13  }
0x66: {  	v13 =	vld [tilespmem:s7+$0x20];
	_ =	sdelay $0x4  }
0x67: {  	v14 =	vshll.u32 v13, $0x1  }
0x68: {  	vm5 =	vgt.s32 v13, $0x79FFF;
	v13 =	vadd.s32 $0xFFF0C001, v14  }
0x69: {  	v13 =	vsel vm5, v13, v14  }
0x6a: {  	v14 =	vld [tilespmem:$0xCB90];
	[tilespmem:$0xC910] =	vst v13  }
0x6b: {  	v13 =	vld [tilespmem:s7+$0x6440];
	_ =	sdelay $0x4  }
0x6c: {  	v13 =	vadd.s32 v13, v14  }
0x6d: {  	[tilespmem:$0xCAC0] =	vst v13  }
0x6e: {  	v13 =	vld [tilespmem:s7+$0x30];
	_ =	sdelay $0x4  }
0x6f: {  	v14 =	vshll.u32 v13, $0x1  }
0x70: {  	vm6 =	vgt.s32 v13, $0x79FFF;
	v13 =	vadd.s32 $0xFFF0C001, v14  }
0x71: {  	v13 =	vsel vm6, v13, v14  }
0x72: {  	v14 =	vld [tilespmem:$0xCBA0];
	[tilespmem:$0xC920] =	vst v13  }
0x73: {  	v13 =	vld [tilespmem:s7+$0x6450];
	_ =	sdelay $0x4  }
0x74: {  	v13 =	vadd.s32 v13, v14  }
0x75: {  	[tilespmem:$0xCAD0] =	vst v13  }
0x76: {  	v13 =	vld [tilespmem:s7+$0x40];
	_ =	sdelay $0x4  }
0x77: {  	v14 =	vshll.u32 v13, $0x1  }
0x78: {  	vm7 =	vgt.s32 v13, $0x79FFF;
	v13 =	vadd.s32 $0xFFF0C001, v14  }
0x79: {  	v13 =	vsel vm7, v13, v14  }
0x7a: {  	v14 =	vld [tilespmem:$0xCBB0];
	[tilespmem:$0xC930] =	vst v13  }
0x7b: {  	v13 =	vld [tilespmem:s7+$0x6460];
	_ =	sdelay $0x4  }
0x7c: {  	v13 =	vadd.s32 v13, v14  }
0x7d: {  	[tilespmem:$0xCAE0] =	vst v13  }
0x7e: {  	v13 =	vld [tilespmem:s7+$0x50];
	_ =	sdelay $0x4  }
0x7f: {  	v14 =	vshll.u32 v13, $0x1  }
0x80: {  	vm8 =	vgt.s32 v13, $0x79FFF;
	v13 =	vadd.s32 $0xFFF0C001, v14  }
0x81: {  	v13 =	vsel vm8, v13, v14  }
0x82: {  	v14 =	vld [tilespmem:$0xCBC0];
	[tilespmem:$0xC940] =	vst v13  }
0x83: {  	v13 =	vld [tilespmem:s7+$0x6470];
	_ =	sdelay $0x4  }
0x84: {  	v13 =	vadd.s32 v13, v14  }
0x85: {  	[tilespmem:$0xCAF0] =	vst v13  }
0x86: {  	v13 =	vld [tilespmem:s7+$0x60];
	_ =	sdelay $0x4  }
0x87: {  	v14 =	vshll.u32 v13, $0x1  }
0x88: {  	vm9 =	vgt.s32 v13, $0x79FFF;
	v13 =	vadd.s32 $0xFFF0C001, v14  }
0x89: {  	v13 =	vsel vm9, v13, v14  }
0x8a: {  	v14 =	vld [tilespmem:$0xCBD0];
	[tilespmem:$0xC950] =	vst v13  }
0x8b: {  	v13 =	vld [tilespmem:s7+$0x6480];
	_ =	sdelay $0x4  }
0x8c: {  	v13 =	vadd.s32 v13, v14  }
0x8d: {  	[tilespmem:$0xCB00] =	vst v13  }
0x8e: {  	v13 =	vld [tilespmem:s7+$0x70];
	_ =	sdelay $0x4  }
0x8f: {  	v14 =	vshll.u32 v13, $0x1  }
0x90: {  	vm10 =	vgt.s32 v13, $0x79FFF;
	v13 =	vadd.s32 $0xFFF0C001, v14  }
0x91: {  	v13 =	vsel vm10, v13, v14  }
0x92: {  	v14 =	vld [tilespmem:$0xCBE0];
	[tilespmem:$0xC960] =	vst v13  }
0x93: {  	v13 =	vld [tilespmem:s7+$0x6490];
	_ =	sdelay $0x4  }
0x94: {  	v13 =	vadd.s32 v13, v14  }
0x95: {  	[tilespmem:$0xCB10] =	vst v13  }
0x96: {  	v13 =	vld [tilespmem:s7+$0x80];
	_ =	sdelay $0x4  }
0x97: {  	v14 =	vshll.u32 v13, $0x1  }
0x98: {  	vm11 =	vgt.s32 v13, $0x79FFF;
	v13 =	vadd.s32 $0xFFF0C001, v14  }
0x99: {  	v13 =	vsel vm11, v13, v14  }
0x9a: {  	v14 =	vld [tilespmem:$0xCBF0];
	[tilespmem:$0xC970] =	vst v13  }
0x9b: {  	v13 =	vld [tilespmem:s7+$0x64A0];
	_ =	sdelay $0x4  }
0x9c: {  	v13 =	vadd.s32 v13, v14  }
0x9d: {  	[tilespmem:$0xCB20] =	vst v13  }
0x9e: {  	v13 =	vld [tilespmem:s7+$0x90];
	_ =	sdelay $0x4  }
0x9f: {  	v14 =	vshll.u32 v13, $0x1  }
0xa0: {  	vm12 =	vgt.s32 v13, $0x79FFF;
	v13 =	vadd.s32 $0xFFF0C001, v14  }
0xa1: {  	v13 =	vsel vm12, v13, v14  }
0xa2: {  	v14 =	vld [tilespmem:$0xCC00];
	[tilespmem:$0xC980] =	vst v13  }
0xa3: {  	v13 =	vld [tilespmem:s7+$0x64B0];
	_ =	sdelay $0x4  }
0xa4: {  	v13 =	vadd.s32 v13, v14  }
0xa5: {  	[tilespmem:$0xCB30] =	vst v13  }
0xa6: {  	v13 =	vld [tilespmem:s7+$0xA0];
	_ =	sdelay $0x4  }
0xa7: {  	v14 =	vshll.u32 v13, $0x1  }
0xa8: {  	vm13 =	vgt.s32 v13, $0x79FFF;
	v13 =	vadd.s32 $0xFFF0C001, v14  }
0xa9: {  	v13 =	vsel vm13, v13, v14  }
0xaa: {  	v14 =	vld [tilespmem:$0xCC10];
	[tilespmem:$0xC990] =	vst v13  }
0xab: {  	v13 =	vld [tilespmem:s7+$0x64C0];
	_ =	sdelay $0x4  }
0xac: {  	v13 =	vadd.s32 v13, v14  }
0xad: {  	[tilespmem:$0xCB40] =	vst v13  }
0xae: {  	v13 =	vld [tilespmem:s7+$0xB0];
	_ =	sdelay $0x4  }
0xaf: {  	v14 =	vshll.u32 v13, $0x1  }
0xb0: {  	vm14 =	vgt.s32 v13, $0x79FFF;
	v13 =	vadd.s32 $0xFFF0C001, v14  }
0xb1: {  	v13 =	vsel vm14, v13, v14  }
0xb2: {  	v14 =	vld [tilespmem:$0xCC20];
	[tilespmem:$0xC9A0] =	vst v13  }
0xb3: {  	v13 =	vld [tilespmem:s7+$0x64D0];
	_ =	sdelay $0x4  }
0xb4: {  	v13 =	vadd.s32 v13, v14  }
0xb5: {  	[tilespmem:$0xCB50] =	vst v13  }
0xb6: {  	v13 =	vld [tilespmem:s7+$0xC0];
	_ =	sdelay $0x4  }
0xb7: {  	v14 =	vshll.u32 v13, $0x1  }
0xb8: {  	vm15 =	vgt.s32 v13, $0x79FFF;
	v13 =	vadd.s32 $0xFFF0C001, v14  }
0xb9: {  	v13 =	vsel vm15, v13, v14  }
0xba: {  	[tilespmem:$0xC9B0] =	vst v13  }
0xbb: {  	[tilespmem:s23], [sflag:$0x2] =	stream.indirect.gather [hbm4b:s3+s12], $0x40, s22, s12, $0xb8;
	[tilespmem:$0x19430] =	vst v63  }
0xbc: {  	_ = 	snop  }
0xbd: {  	[tilespmem:s25], [sflag:$0x2] =	stream.indirect.gather [hbm4b:s4+s12], $0x40, s24, s12, $0xb8;
	[tilespmem:$0x19430] =	vst v63  }
0xbe: {  	_ = 	snop  }
0xbf: {  	[tilespmem:s28], [sflag:$0x2] =	stream.indirect.gather [hbm4b:s3+s17], $0x40, s26, s17, $0xb8;
	[tilespmem:$0x19430] =	vst v63  }
0xc0: {  	_ = 	snop  }
0xc1: {  	[tilespmem:s30], [sflag:$0x2] =	stream.indirect.gather [hbm4b:s4+s17], $0x40, s29, s17, $0xb8;
	[tilespmem:$0x19430] =	vst v63  }
0xc2: {  	_ =	swait.ge [sflag:s31], $0x2000  }
0xc3: {  	[sflag:s31] =	ssyncset.done $0x0  }
0xc4: {  	[sflag:s31] =	ssyncadd.s32 $0xFFFFE000  }
0xc5: {  	_ =	swait.ge [sflag:s31], $0x2000  }
0xc6: {  	[sflag:s31] =	ssyncset.done $0x0  }
0xc7: {  	[sflag:s31] =	ssyncadd.s32 $0xFFFFE000  }
0xc8: {  	_ =	swait.ge [sflag:s31], $0x1200  }
0xc9: {  	[sflag:s31] =	ssyncset.done $0x0  }
0xca: {  	[sflag:s31] =	ssyncadd.s32 $0xFFFFEE00  }
0xcb: {  	_ =	swait.ge [sflag:s31], $0x1200  }
0xcc: {  	[sflag:s31] =	ssyncset.done $0x0  }
0xcd: {  	s7 =	simm.s32 $0x0;
	[sflag:s31] =	ssyncadd.s32 $0xFFFFEE00  }
0xce: {  	v18 =	vld [tilespmem:s7+$0x13030]  }
0xcf: {  	v19 =	vld [tilespmem:s7+$0x13040]  }
0xd0: {  	v14 =	vld [tilespmem:s7+$0x13050]  }
0xd1: {  	v13 =	vld [tilespmem:s7+$0x13060]  }
0xd2: {  	v15 =	vld [tilespmem:s7+$0xCC30]  }
0xd3: {  	v16 =	vld [tilespmem:s7+$0xCC40]  }
0xd4: {  	s9 =	sshll.u32 s11, $0x1;
	s0 =	simm.s32 $0x100;
	v17 =	vld [tilespmem:s7+$0xCC50]  }
.LBB2_3:
0xd5: {  	s13 =	sshra.s32 s0, $0x2;
	p0 =	sne.s32 s0, $0xC700;
	v20 =	vld [tilespmem:s7+$0xCC60];
	v21 =	vmov v14  }
0xd6: {  	v22 =	vld [tilespmem:s13+$0x13030];
	v23 =	vmov v13  }
0xd7: {  	v24 =	vld [tilespmem:s13+$0x13040];
	v15 =	vadd.f32 v18, v15  }
.Ltmp0:
0xd8: {  	v14 =	vld [tilespmem:s13+$0x13050];
	v16 =	vadd.f32 v19, v16;
	(pc) =	sbr.rel @p0 .LBB2_3-.Ltmp0, $4  }
0xd9: {  	v13 =	vld [tilespmem:s13+$0x13060];
	[tilespmem:s7+$0xCC30] =	vst v15;
	v17 =	vadd.f32 v21, v17  }
0xda: {  	v15 =	vld [tilespmem:s13+$0xCC30];
	[tilespmem:s7+$0xCC40] =	vst v16;
	v20 =	vadd.f32 v23, v20  }
0xdb: {  	v16 =	vld [tilespmem:s13+$0xCC40];
	[tilespmem:s7+$0xCC50] =	vst v17;
	v18 =	vmov v22  }
0xdc: {  	s0 =	sadd.s32 $0x100, s0;
	v17 =	vld [tilespmem:s13+$0xCC50];
	[tilespmem:s7+$0xCC60] =	vst v20;
	v19 =	vmov v24;
	s7 =	smov.u32 s13  }
0xdd: {  	v20 =	vld [tilespmem:s7+$0xCC60];
	_ =	sdelay $0x1  }
0xde: {  	v15 =	vadd.f32 v18, v15  }
0xdf: {  	v16 =	vadd.f32 v19, v16  }
0xe0: {  	s0 =	sadd.s32 s8, s9;
	[tilespmem:s7+$0xCC30] =	vst v15;
	v14 =	vadd.f32 v14, v17  }
0xe1: {  	s0 =	smul.u32 $0x640, s0;
	[tilespmem:s7+$0xCC40] =	vst v16;
	v13 =	vadd.f32 v13, v20  }
0xe2: {  	p0 =	seq.s32 s11, $0x3F;
	[tilespmem:s7+$0xCC50] =	vst v14  }
.Ltmp1:
0xe3: {  	s0 =	sadd.s32 s5, s0;
	[tilespmem:s7+$0xCC60] =	vst v13;
	(pc) =	sbr.rel @p0 .LBB2_6-.Ltmp1, $4  }
0xe4: {  	[hbm4b:s0+s2] =	stream.linear.scatter [tilespmem:s14], [sflag:$0x3], $0x3200, $0x38;
	[tilespmem:$0x19430] =	vst v63  }
0xe5: {  	_ =	swait.ge [sflag:s10], $0x3200  }
0xe6: {  	[sflag:s10] =	ssyncset.done $0x0  }
0xe7: {  	[sflag:s10] =	ssyncadd.s32 $0xFFFFCE00  }
0xe8: {  	s7 =	smul.u32 $0x190, s11  }
0xe9: {  	v14 =	vld [tilespmem:$0xCB60]  }
0xea: {  	v13 =	vld [tilespmem:s7+$0x65A0];
	_ =	sdelay $0x4  }
0xeb: {  	v13 =	vadd.s32 v13, v14  }
0xec: {  	[tilespmem:$0xC9C0] =	vst v13  }
0xed: {  	v13 =	vld [tilespmem:s7+$0x190];
	_ =	sdelay $0x4  }
0xee: {  	v14 =	vshll.u32 v13, $0x1  }
0xef: {  	vm0 =	vgt.s32 v13, $0x79FFF;
	v13 =	vadd.s32 $0xFFF0C001, v14  }
0xf0: {  	v13 =	vsel vm0, v13, v14  }
0xf1: {  	v14 =	vld [tilespmem:$0xCB70];
	[tilespmem:$0xC820] =	vst v13  }
0xf2: {  	v13 =	vld [tilespmem:s7+$0x65B0];
	_ =	sdelay $0x4  }
0xf3: {  	v13 =	vadd.s32 v13, v14  }
0xf4: {  	[tilespmem:$0xC9D0] =	vst v13  }
0xf5: {  	v13 =	vld [tilespmem:s7+$0x1A0];
	_ =	sdelay $0x4  }
0xf6: {  	v14 =	vshll.u32 v13, $0x1  }
0xf7: {  	vm4 =	vgt.s32 v13, $0x79FFF;
	v13 =	vadd.s32 $0xFFF0C001, v14  }
0xf8: {  	v13 =	vsel vm4, v13, v14  }
0xf9: {  	v14 =	vld [tilespmem:$0xCB80];
	[tilespmem:$0xC830] =	vst v13  }
0xfa: {  	v13 =	vld [tilespmem:s7+$0x65C0];
	_ =	sdelay $0x4  }
0xfb: {  	v13 =	vadd.s32 v13, v14  }
0xfc: {  	[tilespmem:$0xC9E0] =	vst v13  }
0xfd: {  	v13 =	vld [tilespmem:s7+$0x1B0];
	_ =	sdelay $0x4  }
0xfe: {  	v14 =	vshll.u32 v13, $0x1  }
0xff: {  	vm5 =	vgt.s32 v13, $0x79FFF;
	v13 =	vadd.s32 $0xFFF0C001, v14  }
0x100: {  	v13 =	vsel vm5, v13, v14  }
0x101: {  	v14 =	vld [tilespmem:$0xCB90];
	[tilespmem:$0xC840] =	vst v13  }
0x102: {  	v13 =	vld [tilespmem:s7+$0x65D0];
	_ =	sdelay $0x4  }
0x103: {  	v13 =	vadd.s32 v13, v14  }
0x104: {  	[tilespmem:$0xC9F0] =	vst v13  }
0x105: {  	v13 =	vld [tilespmem:s7+$0x1C0];
	_ =	sdelay $0x4  }
0x106: {  	v14 =	vshll.u32 v13, $0x1  }
0x107: {  	vm6 =	vgt.s32 v13, $0x79FFF;
	v13 =	vadd.s32 $0xFFF0C001, v14  }
0x108: {  	v13 =	vsel vm6, v13, v14  }
0x109: {  	v14 =	vld [tilespmem:$0xCBA0];
	[tilespmem:$0xC850] =	vst v13  }
0x10a: {  	v13 =	vld [tilespmem:s7+$0x65E0];
	_ =	sdelay $0x4  }
0x10b: {  	v13 =	vadd.s32 v13, v14  }
0x10c: {  	[tilespmem:$0xCA00] =	vst v13  }
0x10d: {  	v13 =	vld [tilespmem:s7+$0x1D0];
	_ =	sdelay $0x4  }
0x10e: {  	v14 =	vshll.u32 v13, $0x1  }
0x10f: {  	vm7 =	vgt.s32 v13, $0x79FFF;
	v13 =	vadd.s32 $0xFFF0C001, v14  }
0x110: {  	v13 =	vsel vm7, v13, v14  }
0x111: {  	v14 =	vld [tilespmem:$0xCBB0];
	[tilespmem:$0xC860] =	vst v13  }
0x112: {  	v13 =	vld [tilespmem:s7+$0x65F0];
	_ =	sdelay $0x4  }
0x113: {  	v13 =	vadd.s32 v13, v14  }
0x114: {  	[tilespmem:$0xCA10] =	vst v13  }
0x115: {  	v13 =	vld [tilespmem:s7+$0x1E0];
	_ =	sdelay $0x4  }
0x116: {  	v14 =	vshll.u32 v13, $0x1  }
0x117: {  	vm8 =	vgt.s32 v13, $0x79FFF;
	v13 =	vadd.s32 $0xFFF0C001, v14  }
0x118: {  	v13 =	vsel vm8, v13, v14  }
0x119: {  	v14 =	vld [tilespmem:$0xCBC0];
	[tilespmem:$0xC870] =	vst v13  }
0x11a: {  	v13 =	vld [tilespmem:s7+$0x6600];
	_ =	sdelay $0x4  }
0x11b: {  	v13 =	vadd.s32 v13, v14  }
0x11c: {  	[tilespmem:$0xCA20] =	vst v13  }
0x11d: {  	v13 =	vld [tilespmem:s7+$0x1F0];
	_ =	sdelay $0x4  }
0x11e: {  	v14 =	vshll.u32 v13, $0x1  }
0x11f: {  	vm9 =	vgt.s32 v13, $0x79FFF;
	v13 =	vadd.s32 $0xFFF0C001, v14  }
0x120: {  	v13 =	vsel vm9, v13, v14  }
0x121: {  	v14 =	vld [tilespmem:$0xCBD0];
	[tilespmem:$0xC880] =	vst v13  }
0x122: {  	v13 =	vld [tilespmem:s7+$0x6610];
	_ =	sdelay $0x4  }
0x123: {  	v13 =	vadd.s32 v13, v14  }
0x124: {  	[tilespmem:$0xCA30] =	vst v13  }
0x125: {  	v13 =	vld [tilespmem:s7+$0x200];
	_ =	sdelay $0x4  }
0x126: {  	v14 =	vshll.u32 v13, $0x1  }
0x127: {  	vm10 =	vgt.s32 v13, $0x79FFF;
	v13 =	vadd.s32 $0xFFF0C001, v14  }
0x128: {  	v13 =	vsel vm10, v13, v14  }
0x129: {  	v14 =	vld [tilespmem:$0xCBE0];
	[tilespmem:$0xC890] =	vst v13  }
0x12a: {  	v13 =	vld [tilespmem:s7+$0x6620];
	_ =	sdelay $0x4  }
0x12b: {  	v13 =	vadd.s32 v13, v14  }
0x12c: {  	[tilespmem:$0xCA40] =	vst v13  }
0x12d: {  	v13 =	vld [tilespmem:s7+$0x210];
	_ =	sdelay $0x4  }
0x12e: {  	v14 =	vshll.u32 v13, $0x1  }
0x12f: {  	vm11 =	vgt.s32 v13, $0x79FFF;
	v13 =	vadd.s32 $0xFFF0C001, v14  }
0x130: {  	v13 =	vsel vm11, v13, v14  }
0x131: {  	v14 =	vld [tilespmem:$0xCBF0];
	[tilespmem:$0xC8A0] =	vst v13  }
0x132: {  	v13 =	vld [tilespmem:s7+$0x6630];
	_ =	sdelay $0x4  }
0x133: {  	v13 =	vadd.s32 v13, v14  }
0x134: {  	[tilespmem:$0xCA50] =	vst v13  }
0x135: {  	v13 =	vld [tilespmem:s7+$0x220];
	_ =	sdelay $0x4  }
0x136: {  	v14 =	vshll.u32 v13, $0x1  }
0x137: {  	vm12 =	vgt.s32 v13, $0x79FFF;
	v13 =	vadd.s32 $0xFFF0C001, v14  }
0x138: {  	v13 =	vsel vm12, v13, v14  }
0x139: {  	v14 =	vld [tilespmem:$0xCC00];
	[tilespmem:$0xC8B0] =	vst v13  }
0x13a: {  	v13 =	vld [tilespmem:s7+$0x6640];
	_ =	sdelay $0x4  }
0x13b: {  	v13 =	vadd.s32 v13, v14  }
0x13c: {  	[tilespmem:$0xCA60] =	vst v13  }
0x13d: {  	v13 =	vld [tilespmem:s7+$0x230];
	_ =	sdelay $0x4  }
0x13e: {  	v14 =	vshll.u32 v13, $0x1  }
0x13f: {  	vm13 =	vgt.s32 v13, $0x79FFF;
	v13 =	vadd.s32 $0xFFF0C001, v14  }
0x140: {  	v13 =	vsel vm13, v13, v14  }
0x141: {  	v14 =	vld [tilespmem:$0xCC10];
	[tilespmem:$0xC8C0] =	vst v13  }
0x142: {  	v13 =	vld [tilespmem:s7+$0x6650];
	_ =	sdelay $0x4  }
0x143: {  	v13 =	vadd.s32 v13, v14  }
0x144: {  	[tilespmem:$0xCA70] =	vst v13  }
0x145: {  	v13 =	vld [tilespmem:s7+$0x240];
	_ =	sdelay $0x4  }
0x146: {  	v14 =	vshll.u32 v13, $0x1  }
0x147: {  	vm14 =	vgt.s32 v13, $0x79FFF;
	v13 =	vadd.s32 $0xFFF0C001, v14  }
0x148: {  	v13 =	vsel vm14, v13, v14  }
0x149: {  	v14 =	vld [tilespmem:$0xCC20];
	[tilespmem:$0xC8D0] =	vst v13  }
0x14a: {  	v13 =	vld [tilespmem:s7+$0x6660];
	_ =	sdelay $0x4  }
0x14b: {  	v13 =	vadd.s32 v13, v14  }
0x14c: {  	[tilespmem:$0xCA80] =	vst v13  }
0x14d: {  	v13 =	vld [tilespmem:s7+$0x250];
	_ =	sdelay $0x4  }
0x14e: {  	v14 =	vshll.u32 v13, $0x1  }
0x14f: {  	vm15 =	vgt.s32 v13, $0x79FFF;
	v13 =	vadd.s32 $0xFFF0C001, v14  }
0x150: {  	v13 =	vsel vm15, v13, v14  }
0x151: {  	s0 =	simm.s32 $0xC820;
	[tilespmem:$0xC8E0] =	vst v13  }
0x152: {  	[tilespmem:s14], [sflag:$0x1] =	stream.indirect.gather [hbm4b:s3+s12], $0x40, s0, s12, $0xb8;
	[tilespmem:$0x19430] =	vst v63  }
0x153: {  	_ = 	snop  }
0x154: {  	[tilespmem:s16], [sflag:$0x1] =	stream.indirect.gather [hbm4b:s4+s12], $0x40, s15, s12, $0xb8;
	[tilespmem:$0x19430] =	vst v63  }
0x155: {  	_ = 	snop  }
0x156: {  	[tilespmem:s19], [sflag:$0x1] =	stream.indirect.gather [hbm4b:s3+s17], $0x40, s18, s17, $0xb8;
	[tilespmem:$0x19430] =	vst v63  }
0x157: {  	_ = 	snop  }
0x158: {  	[tilespmem:s21], [sflag:$0x1] =	stream.indirect.gather [hbm4b:s4+s17], $0x40, s20, s17, $0xb8;
	[tilespmem:$0x19430] =	vst v63  }
.LBB2_6:
0x159: {  	_ =	swait.ge [sflag:s1], $0x2000  }
0x15a: {  	[sflag:s1] =	ssyncset.done $0x0  }
0x15b: {  	[sflag:s1] =	ssyncadd.s32 $0xFFFFE000  }
0x15c: {  	_ =	swait.ge [sflag:s1], $0x2000  }
0x15d: {  	[sflag:s1] =	ssyncset.done $0x0  }
0x15e: {  	[sflag:s1] =	ssyncadd.s32 $0xFFFFE000  }
0x15f: {  	_ =	swait.ge [sflag:s1], $0x1200  }
0x160: {  	[sflag:s1] =	ssyncset.done $0x0  }
0x161: {  	[sflag:s1] =	ssyncadd.s32 $0xFFFFEE00  }
0x162: {  	_ =	swait.ge [sflag:s1], $0x1200  }
0x163: {  	[sflag:s1] =	ssyncset.done $0x0  }
0x164: {  	s7 =	simm.s32 $0x0;
	[sflag:s1] =	ssyncadd.s32 $0xFFFFEE00  }
0x165: {  	v18 =	vld [tilespmem:s7+$0x16230]  }
0x166: {  	v19 =	vld [tilespmem:s7+$0x16240]  }
0x167: {  	v14 =	vld [tilespmem:s7+$0x16250]  }
0x168: {  	v13 =	vld [tilespmem:s7+$0x16260]  }
0x169: {  	v15 =	vld [tilespmem:s7+$0xFE30]  }
0x16a: {  	v17 =	vld [tilespmem:s7+$0xFE40]  }
0x16b: {  	s0 =	simm.s32 $0x100;
	v16 =	vld [tilespmem:s7+$0xFE50]  }
.LBB2_7:
0x16c: {  	s9 =	sshra.s32 s0, $0x2;
	p0 =	sne.s32 s0, $0xC700;
	v20 =	vld [tilespmem:s7+$0xFE60];
	v21 =	vmov v14  }
0x16d: {  	v22 =	vld [tilespmem:s9+$0x16230];
	v23 =	vmov v13  }
0x16e: {  	v24 =	vld [tilespmem:s9+$0x16240];
	v15 =	vadd.f32 v18, v15  }
.Ltmp2:
0x16f: {  	v14 =	vld [tilespmem:s9+$0x16250];
	v17 =	vadd.f32 v19, v17;
	(pc) =	sbr.rel @p0 .LBB2_7-.Ltmp2, $4  }
0x170: {  	v13 =	vld [tilespmem:s9+$0x16260];
	[tilespmem:s7+$0xFE30] =	vst v15;
	v16 =	vadd.f32 v21, v16  }
0x171: {  	v15 =	vld [tilespmem:s9+$0xFE30];
	[tilespmem:s7+$0xFE40] =	vst v17;
	v20 =	vadd.f32 v23, v20  }
0x172: {  	v17 =	vld [tilespmem:s9+$0xFE40];
	[tilespmem:s7+$0xFE50] =	vst v16;
	v18 =	vmov v22  }
0x173: {  	s0 =	sadd.s32 $0x100, s0;
	v16 =	vld [tilespmem:s9+$0xFE50];
	[tilespmem:s7+$0xFE60] =	vst v20;
	v19 =	vmov v24;
	s7 =	smov.u32 s9  }
0x174: {  	v20 =	vld [tilespmem:s7+$0xFE60];
	_ =	sdelay $0x1  }
0x175: {  	v15 =	vadd.f32 v18, v15  }
0x176: {  	v17 =	vadd.f32 v19, v17  }
0x177: {  	s0 =	sadd.s32 s8, s6;
	[tilespmem:s7+$0xFE30] =	vst v15;
	v14 =	vadd.f32 v14, v16  }
0x178: {  	s11 =	sadd.s32 $0x1, s11;
	s0 =	smul.u32 $0x640, s0;
	[tilespmem:s7+$0xFE40] =	vst v17;
	v13 =	vadd.f32 v13, v20  }
0x179: {  	p0 =	sne.s32 s11, $0x40;
	[tilespmem:s7+$0xFE50] =	vst v14  }
.Ltmp3:
0x17a: {  	s0 =	sadd.s32 s5, s0;
	[tilespmem:s7+$0xFE60] =	vst v13;
	(pc) =	sbr.rel @p0 .LBB2_2-.Ltmp3, $4  }
0x17b: {  	[hbm4b:s0+s2] =	stream.linear.scatter [tilespmem:s23], [sflag:$0x3], $0x3200, $0x38;
	[tilespmem:$0x19430] =	vst v63  }
0x17c: {  	_ =	swait.ge [sflag:s10], $0x3200  }
0x17d: {  	[sflag:s10] =	ssyncset.done $0x0  }
0x17e: {  	[sflag:s10] =	ssyncadd.s32 $0xFFFFCE00  }
0x17f: {  	s6 =	rddreg [dreg:$0x6]  }
0x180: {  	s0 =	rddreg [dreg:$0x5];
	s6 =	sadd.s32 $0x1, s6  }
0x181: {  	p0 =	sne.s32 s6, s0  }
.Ltmp4:
0x182: {  	_ = 	snop;
	(pc) =	sbr.rel @p0 .LBB2_1-.Ltmp4, $1  }
0x183: {  	_ =	sdelay $0x3  }
0x184: {  	_ =	sfence.sel $0x180000  }
0x185: {  	[bflag:$0x0] =	sbarrier.arrive $0xFFFF  }
0x186: {  	_ =	strace $0x90000047  }
0x187: {  	s0 =	stileid.u32;
	[bflag:$0x2] =	sbarrier.arrive $0xFFFF  }
0x188: {  	p0 =	sne.s32 s0, $0x0;
	s0 =	rddreg [dreg:$0x2]  }
0x189: {  	s0 =	sadd.s32 @!p0 $0x100000, s0  }
0x18a: {  	[sflag:s0] =	ssyncadd.tile.s32 @!p0 $0x1;
	_ =	shalt  }
.Lfunc_end2:
_tile_overlayer_lowered:
.L_overlay_start_2:
0x18b: {  	(tag) =	ssettag $0x2  }
0x18c: {  	s0 =	rddreg [dreg:$0x0];
	s2 =	stileid.u32  }
0x18d: {  	s1 =	rddreg [dreg:$0x1];
	p0 =	sne.s32 s2, $0x0  }
0x18e: {  	s3 =	rddreg [dreg:$0x2];
	[bflag:$0x3] =	sbarrier.arrive $0xFFFF;
	s2 =	simm.s32 @!p0 $0x1C03  }
0x18f: {  	[timem:s3], [sflag:s2] =	dma.local @!p0 [hbm:s0], s1  }
0x190: {  	s0 =	simm.s32 @!p0 $0x3  }
0x191: {  	_ =	swait.ge @!p0 [sflag:s0], s1  }
0x192: {  	s1 =	ssub.s32 @!p0 $0x0, s1;
	[sflag:s0] =	ssyncset.done @!p0 $0x0  }
0x193: {  	[sflag:s0] =	ssyncadd.s32 @!p0 s1  }
0x194: {  	[bflag:$0x3] =	sbarrier.arrive $0xFFFF  }
0x195: {  	_ =	shalt  }

</sc_bundles>
